<compile_context>
chip_gen: v7x
topology: tpu7x:2x2x1
jax: 0.10.2.dev20260603
libtpu: 0.0.44.dev20260713+nightly
codegen_flags: <defaults>
</compile_context>

<pallas_src>
import functools

import jax
import jax.numpy as jnp
from jax import lax
from jax.experimental import pallas as pl
from jax.experimental.pallas import tpu as pltpu
from jax.experimental.pallas import tpu_sc as plsc

N = 10000
E = 320000
DF = 128
DH = 256
NCLS = 40

N_PAD = 10240
DAUG = 144
DHALF = DAUG // 2
DZ = 48

NC = 2
NS = 16
NW = NC * NS
EB = 128
NBLK = E // EB
KB_LO = NBLK // NW
KB_XTRA = NBLK % NW
KB_MAX = KB_LO + 1
CNT_LO = NBLK // NS
CNT_X = NBLK % NS
CNT_MAX = CNT_LO + 1
NBLK_PAD = NW * KB_MAX
STRIPE = N_PAD // NS

GD = 2
SD = 2
NB = GD + SD

_f32 = jnp.float32
_i32 = jnp.int32


def _mesh():
    return plsc.VectorSubcoreMesh(
        core_axis_name="c", subcore_axis_name="s", num_cores=NC, num_subcores=NS
    )


_sc_params = pltpu.CompilerParams(use_tc_tiling_on_sc=False)


def _deg_call(edges, ones16, z16):
    @functools.partial(
        pl.kernel,
        out_type=(
            jax.ShapeDtypeStruct((NC, N_PAD, 16), _f32),
            jax.ShapeDtypeStruct((NC, N_PAD, 16), _f32),
        ),
        mesh=_mesh(),
        compiler_params=_sc_params,
        scratch_types=[
            pltpu.VMEM((KB_MAX, EB), _i32),
            pltpu.VMEM((KB_MAX, EB), _i32),
            pltpu.VMEM((EB, 16), _f32),
            pltpu.VMEM_SHARED((N_PAD, 16), _f32),
            pltpu.VMEM_SHARED((N_PAD, 16), _f32),
            [pltpu.SemaphoreType.DMA] * NB,
            [pltpu.SemaphoreType.DMA] * NB,
        ],
    )
    def deg_kernel(edges_h, ones_h, z_h, dego, degi,
                   sidx, didx, ones_v, acco, acci, osems, isems):
        c = lax.axis_index("c")
        s = lax.axis_index("s")
        w = c * NS + s
        off = w * KB_LO + jnp.minimum(w, KB_XTRA)
        cnt = KB_LO + (w < KB_XTRA).astype(_i32)
        woff = jnp.minimum(off, NBLK - KB_MAX)
        dj = off - woff
        r0 = s * STRIPE
        pltpu.sync_copy(edges_h.at[0, pl.ds(woff, KB_MAX)], sidx)
        pltpu.sync_copy(edges_h.at[1, pl.ds(woff, KB_MAX)], didx)
        pltpu.sync_copy(ones_h, ones_v)
        pltpu.sync_copy(z_h.at[pl.ds(r0, STRIPE)], acco.at[pl.ds(r0, STRIPE)])
        pltpu.sync_copy(z_h.at[pl.ds(r0, STRIPE)], acci.at[pl.ds(r0, STRIPE)])
        plsc.subcore_barrier()

        def body(g, carry):
            for u in range(NB):
                j = g * NB + u

                @pl.when(j < cnt)
                def _():
                    @pl.when(j >= NB)
                    def _():
                        pltpu.make_async_copy(
                            ones_v, acco.at[sidx.at[0]], osems[u]
                        ).wait()
                        pltpu.make_async_copy(
                            ones_v, acci.at[didx.at[0]], isems[u]
                        ).wait()

                    pltpu.async_copy(
                        ones_v, acco.at[sidx.at[j + dj]], osems[u], add=True
                    )
                    pltpu.async_copy(
                        ones_v, acci.at[didx.at[j + dj]], isems[u], add=True
                    )
            return carry

        lax.fori_loop(0, (KB_MAX + NB - 1) // NB, body, 0)
        for u in range(NB):
            pltpu.make_async_copy(ones_v, acco.at[sidx.at[0]], osems[u]).wait()
            pltpu.make_async_copy(ones_v, acci.at[didx.at[0]], isems[u]).wait()
        plsc.subcore_barrier()
        pltpu.sync_copy(acco.at[pl.ds(r0, STRIPE)], dego.at[c, pl.ds(r0, STRIPE)])
        pltpu.sync_copy(acci.at[pl.ds(r0, STRIPE)], degi.at[c, pl.ds(r0, STRIPE)])

    return deg_kernel(edges, ones16, z16)


def _segsum_call(rows, edges, zD, D, col_split):
    CM = CNT_MAX if col_split else KB_MAX

    @functools.partial(
        pl.kernel,
        out_type=jax.ShapeDtypeStruct((NC, N_PAD, D), _f32),
        mesh=_mesh(),
        compiler_params=_sc_params,
        scratch_types=[
            pltpu.VMEM((CM, EB), _i32),
            pltpu.VMEM((CM, EB), _i32),
            [pltpu.VMEM((EB, D), _f32)] * NB,
            pltpu.VMEM_SHARED((N_PAD, D), _f32),
            [pltpu.SemaphoreType.DMA] * NB,
            [pltpu.SemaphoreType.DMA] * NB,
        ],
    )
    def seg_kernel(rows_h, edges_h, z_h, out,
                   sidx, didx, bufs, acc, gsems, ssems):
        c = lax.axis_index("c")
        s = lax.axis_index("s")
        if col_split:
            off = s * CNT_LO + jnp.minimum(s, CNT_X)
            cnt = CNT_LO + (s < CNT_X).astype(_i32)
            rows_c = rows_h.at[c]
        else:
            w = c * NS + s
            off = w * KB_LO + jnp.minimum(w, KB_XTRA)
            cnt = KB_LO + (w < KB_XTRA).astype(_i32)
            rows_c = rows_h
        woff = jnp.minimum(off, NBLK - CM)
        dj = off - woff
        r0 = s * STRIPE
        pltpu.sync_copy(edges_h.at[0, pl.ds(woff, CM)], sidx)
        pltpu.sync_copy(edges_h.at[1, pl.ds(woff, CM)], didx)
        pltpu.sync_copy(z_h.at[pl.ds(r0, STRIPE)], acc.at[pl.ds(r0, STRIPE)])
        plsc.subcore_barrier()

        for b in range(GD):
            pltpu.async_copy(rows_c.at[sidx.at[b + dj]], bufs[b], gsems[b])

        def body(g, carry):
            for u in range(NB):
                j = g * NB + u
                t = (u + GD) % NB

                @pl.when(j < cnt)
                def _():
                    pltpu.make_async_copy(
                        rows_c.at[sidx.at[j + dj]], bufs[u], gsems[u]
                    ).wait()
                    pltpu.async_copy(
                        bufs[u], acc.at[didx.at[j + dj]], ssems[u], add=True
                    )

                    @pl.when(j + GD < cnt)
                    def _():
                        @pl.when(j >= SD)
                        def _():
                            pltpu.make_async_copy(
                                bufs[t], acc.at[didx.at[0]], ssems[t]
                            ).wait()

                        pltpu.async_copy(
                            rows_c.at[sidx.at[j + GD + dj]], bufs[t], gsems[t]
                        )
            return carry

        lax.fori_loop(0, (CM + NB - 1) // NB, body, 0)
        for b in range(NB):
            pltpu.make_async_copy(bufs[b], acc.at[didx.at[0]], ssems[b]).wait()
        plsc.subcore_barrier()
        pltpu.sync_copy(acc.at[pl.ds(r0, STRIPE)], out.at[c, pl.ds(r0, STRIPE)])

    return seg_kernel(rows, edges, zD)


def _tc1_call(x, dego):
    R, G = 1000, 10

    def body(x_ref, dg_ref, out_ref):
        d = dg_ref[0] + dg_ref[1]
        a = lax.rsqrt(d[:, 0:1] + 1.0)
        xs = x_ref[...] * a
        out_ref[0] = xs[:, :DHALF]
        out_ref[1] = jnp.concatenate(
            [xs[:, DHALF:], a, jnp.zeros((R, DAUG - DF - 1), _f32)], axis=1
        )

    return pl.pallas_call(
        body,
        grid=(G,),
        in_specs=[
            pl.BlockSpec((R, DF), lambda i: (i, 0)),
            pl.BlockSpec((NC, R, 16), lambda i: (0, i, 0)),
        ],
        out_specs=pl.BlockSpec((NC, R, DHALF), lambda i: (0, i, 0)),
        out_shape=jax.ShapeDtypeStruct((NC, N, DHALF), _f32),
    )(x, dego)


def _tc2_call(agg, dego, degi, W1, b1r, W2p, b2p):
    R, G = 1000, 10

    def body(agg_ref, dgo_ref, dgi_ref, w1_ref, b1_ref, w2_ref, b2_ref, out_ref):
        aggs = jnp.concatenate([agg_ref[0], agg_ref[1]], axis=1)
        dgo = dgo_ref[0] + dgo_ref[1]
        dgi = dgi_ref[0] + dgi_ref[1]
        a = lax.rsqrt(dgo[:, 0:1] + 1.0)
        b = lax.rsqrt(dgi[:, 0:1] + 1.0)
        aggx = aggs[:, :DF] * b
        sa = aggs[:, DF:DF + 1] * b
        h1 = jnp.dot(aggx, w1_ref[...], preferred_element_type=_f32)
        h1 = jnp.maximum(h1 + sa * b1_ref[...], 0.0)
        h2 = jnp.dot(h1, w2_ref[...], preferred_element_type=_f32) + b2_ref[...]
        out_ref[...] = a * h2

    return pl.pallas_call(
        body,
        grid=(G,),
        in_specs=[
            pl.BlockSpec((NC, R, DHALF), lambda i: (0, i, 0)),
            pl.BlockSpec((NC, R, 16), lambda i: (0, i, 0)),
            pl.BlockSpec((NC, R, 16), lambda i: (0, i, 0)),
            pl.BlockSpec((DF, DH), lambda i: (0, 0)),
            pl.BlockSpec((1, DH), lambda i: (0, 0)),
            pl.BlockSpec((DH, DZ), lambda i: (0, 0)),
            pl.BlockSpec((1, DZ), lambda i: (0, 0)),
        ],
        out_specs=pl.BlockSpec((R, DZ), lambda i: (i, 0)),
        out_shape=jax.ShapeDtypeStruct((N, DZ), _f32),
    )(agg, dego, degi, W1, b1r, W2p, b2p)


def _tc3_call(agg2, degi):
    R, G = 1000, 10

    def body(agg_ref, dgi_ref, out_ref):
        sm = agg_ref[0] + agg_ref[1]
        dgi = dgi_ref[0] + dgi_ref[1]
        b = lax.rsqrt(dgi[:, 0:1] + 1.0)
        logits = sm[:, :NCLS] * b
        m = jnp.max(logits, axis=1, keepdims=True)
        ex = jnp.exp(logits - m)
        lse = jnp.log(jnp.sum(ex, axis=1, keepdims=True))
        out_ref[...] = logits - m - lse

    return pl.pallas_call(
        body,
        grid=(G,),
        in_specs=[
            pl.BlockSpec((NC, R, DZ), lambda i: (0, i, 0)),
            pl.BlockSpec((NC, R, 16), lambda i: (0, i, 0)),
        ],
        out_specs=pl.BlockSpec((R, NCLS), lambda i: (i, 0)),
        out_shape=jax.ShapeDtypeStruct((N, NCLS), _f32),
    )(agg2, degi)


def kernel(x, edge_index, W1, b1, W2, b2):
    edges = edge_index.astype(_i32).reshape(2, NBLK, EB)

    z16 = jnp.zeros((N_PAD, 16), _f32)
    z72 = jnp.zeros((N_PAD, DHALF), _f32)
    z48 = jnp.zeros((N_PAD, DZ), _f32)
    ones16 = jnp.zeros((EB, 16), _f32).at[:, 0].set(1.0)

    dego, degi = _deg_call(edges, ones16, z16)
    xaug = _tc1_call(x, dego)
    agg = _segsum_call(xaug, edges, z72, DHALF, col_split=True)
    W2p = jnp.pad(W2, ((0, 0), (0, DZ - NCLS)))
    b2p = jnp.pad(b2, (0, DZ - NCLS)).reshape(1, DZ)
    Z = _tc2_call(agg, dego, degi, W1, b1.reshape(1, DH), W2p, b2p)
    agg2 = _segsum_call(Z, edges, z48, DZ, col_split=False)
    return _tc3_call(agg2, degi)

# --- scband reference (transcript-rebuilt; emitter-appended) ---
"""Pipeline reference for scband-base-gnn-30940944400408 (READ-ONLY COPY).

The authoritative reference and input builder live on the scoring server;
editing this copy changes nothing except your own understanding.
"""

import jax, jax.numpy as jnp
import numpy as np

N_NODES = 10000
N_EDGES = 320000
D_FEAT = 128
D_HID = 256
N_CLASS = 40


def setup_inputs(seed: int = 0) -> dict:
    key = jax.random.key(seed)
    k_x, k_e, k_w1, k_b1, k_w2, k_b2 = jax.random.split(key, 6)
    x = jax.random.normal(k_x, (N_NODES, D_FEAT), dtype=jnp.float32)
    edge_index = jax.random.randint(k_e, (2, N_EDGES), 0, N_NODES, dtype=jnp.int64)
    # learned parameters for a 2-layer GCN (nlayers=2, with_bn=False, dropout=0 in eval mode)
    W1 = jax.random.normal(k_w1, (D_FEAT, D_HID), dtype=jnp.float32) * (1.0 / np.sqrt(D_FEAT))
    b1 = jnp.zeros((D_HID,), dtype=jnp.float32)
    W2 = jax.random.normal(k_w2, (D_HID, N_CLASS), dtype=jnp.float32) * (1.0 / np.sqrt(D_HID))
    b2 = jnp.zeros((N_CLASS,), dtype=jnp.float32)
    return {"x": x, "edge_index": edge_index, "W1": W1, "b1": b1, "W2": W2, "b2": b2}


def reference(x, edge_index, W1, b1, W2, b2):
    # BaseGNN.forward with nlayers=2 GCN layers, with_bn=False, with_relu=True,
    # dropout=0 (mode='eval'), dense/sparse adj replaced by edge-list message passing
    # with symmetric degree normalization (normalize_adj_tensor equivalent).
    N = x.shape[0]
    src = edge_index[0]
    dst = edge_index[1]
    deg_out = jnp.bincount(src, length=N).astype(jnp.float32)
    deg_in = jnp.bincount(dst, length=N).astype(jnp.float32)
    w = 1.0 / jnp.sqrt((deg_out[src] + 1.0) * (deg_in[dst] + 1.0))

    def gcn_layer(h, W, b):
        h = h @ W + b  # x @ weight + bias
        msg = h[src] * w[:, None]  # gather + edge weighting
        return jax.ops.segment_sum(msg, dst, num_segments=N)  # scatter-add aggregation

    h = gcn_layer(x, W1, b1)
    h = jax.nn.relu(h)
    h = gcn_layer(h, W2, b2)
    h = h.reshape(-1, h.shape[-1])
    return jax.nn.log_softmax(h, axis=1)

if __name__ == "__main__":
    import jax
    _d = setup_inputs()
    print(jax.jit(kernel)(*tuple(_d.values())))

</pallas_src>

<mosaic_0001>
#map = affine_map<(d0, d1) -> (0, 0, 0)>
#map1 = affine_map<(d0, d1) -> (0, 0)>
module attributes {stable_mosaic.version = 14 : i64} {
  func.func @seg_kernel(%arg0: i32, %arg1: i32, %arg2: memref<2x10000x72xf32, #tpu.memory_space<hbm>>, %arg3: memref<2x2500x128xi32, #tpu.memory_space<hbm>>, %arg4: memref<10240x72xf32, #tpu.memory_space<hbm>>, %arg5: memref<2x10240x72xf32, #tpu.memory_space<hbm>>, %arg6: memref<157x128xi32, #tpu.memory_space<vmem>>, %arg7: memref<157x128xi32, #tpu.memory_space<vmem>>, %arg8: memref<128x72xf32, #tpu.memory_space<vmem>>, %arg9: memref<128x72xf32, #tpu.memory_space<vmem>>, %arg10: memref<128x72xf32, #tpu.memory_space<vmem>>, %arg11: memref<128x72xf32, #tpu.memory_space<vmem>>, %arg12: memref<10240x72xf32, #tpu.memory_space<vmem_shared>>, %arg13: memref<!tpu.dma_semaphore, #tpu.memory_space<semaphore_mem>>, %arg14: memref<!tpu.dma_semaphore, #tpu.memory_space<semaphore_mem>>, %arg15: memref<!tpu.dma_semaphore, #tpu.memory_space<semaphore_mem>>, %arg16: memref<!tpu.dma_semaphore, #tpu.memory_space<semaphore_mem>>, %arg17: memref<!tpu.dma_semaphore, #tpu.memory_space<semaphore_mem>>, %arg18: memref<!tpu.dma_semaphore, #tpu.memory_space<semaphore_mem>>, %arg19: memref<!tpu.dma_semaphore, #tpu.memory_space<semaphore_mem>>, %arg20: memref<!tpu.dma_semaphore, #tpu.memory_space<semaphore_mem>>) attributes {dimension_semantics = [#tpu.dimension_semantics<core_parallel>, #tpu.dimension_semantics<subcore_parallel>], iteration_bounds = array<i64: 2, 16>, scalar_prefetch = 0 : i64, scratch_operands = 15 : i64, tpu.core_type = #tpu.core_type<sc_vector_subcore>, window_params = [{transform_indices = #map}, {transform_indices = #map}, {transform_indices = #map1}, {transform_indices = #map}]} {
    %mul3A = arith.constant 156 : i32
    %mul3A_0 = arith.muli %arg1, %mul3A : i32
    %min3A = arith.constant 4 : i32
    %min3A_1 = arith.minsi %arg1, %min3A : i32
    %add3A = arith.addi %mul3A_0, %min3A_1 : i32
    %lt3A = arith.constant 4 : i32
    %lt3A_2 = arith.cmpi slt, %arg1, %lt3A : i32
    %convert_element_type3A = arith.extui %lt3A_2 : i1 to i32
    %add3A_3 = arith.constant 156 : i32
    %add3A_4 = arith.addi %add3A_3, %convert_element_type3A : i32
    %min3A_5 = arith.constant 2343 : i32
    %min3A_6 = arith.minsi %add3A, %min3A_5 : i32
    %sub3A = arith.subi %add3A, %min3A_6 : i32
    %mul3A_7 = arith.constant 640 : i32
    %mul3A_8 = arith.muli %arg1, %mul3A_7 : i32
    %run_scoped3A = arith.constant 0 : i32
    "tpu.region"() ({
      %run_scoped3A_66 = tpu.sem_alloc : memref<!tpu.dma_semaphore, #tpu.memory_space<semaphore_mem>>
      %dma_start3A_67 = arith.constant 0 : i32
      %dma_start3A_68 = tpu.memref_slice %arg3[%run_scoped3A, %min3A_6, %dma_start3A_67] : memref<2x2500x128xi32, #tpu.memory_space<hbm>> -> memref<1x157x128xi32, #tpu.memory_space<hbm>>
      %dma_start3A_69 = tpu.memref_squeeze %dma_start3A_68 : memref<1x157x128xi32, #tpu.memory_space<hbm>> -> memref<157x128xi32, #tpu.memory_space<hbm>>
      %dma_start3A_70 = arith.constant 0 : i32
      %dma_start3A_71 = tpu.memref_slice %arg3[%run_scoped3A, %min3A_6, %dma_start3A_70] : memref<2x2500x128xi32, #tpu.memory_space<hbm>> -> memref<1x157x128xi32, #tpu.memory_space<hbm>>
      %dma_start3A_72 = tpu.memref_squeeze %dma_start3A_71 : memref<1x157x128xi32, #tpu.memory_space<hbm>> -> memref<157x128xi32, #tpu.memory_space<hbm>>
      tpu.enqueue_dma source(%dma_start3A_72 : memref<157x128xi32, #tpu.memory_space<hbm>>) target(%arg6 : memref<157x128xi32, #tpu.memory_space<vmem>>) target_semaphore(%run_scoped3A_66 : memref<!tpu.dma_semaphore, #tpu.memory_space<semaphore_mem>>)
      %dma_wait3A_73 = arith.constant 0 : i32
      %dma_wait3A_74 = tpu.memref_slice %arg3[%run_scoped3A, %min3A_6, %dma_wait3A_73] : memref<2x2500x128xi32, #tpu.memory_space<hbm>> -> memref<1x157x128xi32, #tpu.memory_space<hbm>>
      %dma_wait3A_75 = tpu.memref_squeeze %dma_wait3A_74 : memref<1x157x128xi32, #tpu.memory_space<hbm>> -> memref<157x128xi32, #tpu.memory_space<hbm>>
      %dma_wait3A_76 = arith.constant 0 : i32
      %dma_wait3A_77 = tpu.memref_slice %arg3[%run_scoped3A, %min3A_6, %dma_wait3A_76] : memref<2x2500x128xi32, #tpu.memory_space<hbm>> -> memref<1x157x128xi32, #tpu.memory_space<hbm>>
      %dma_wait3A_78 = tpu.memref_squeeze %dma_wait3A_77 : memref<1x157x128xi32, #tpu.memory_space<hbm>> -> memref<157x128xi32, #tpu.memory_space<hbm>>
      tpu.wait_dma2 semaphore(%run_scoped3A_66 : memref<!tpu.dma_semaphore, #tpu.memory_space<semaphore_mem>>) src(%dma_wait3A_78 : memref<157x128xi32, #tpu.memory_space<hbm>>) dst(%arg6 : memref<157x128xi32, #tpu.memory_space<vmem>>)
      tpu.yield
    }) : () -> ()
    %run_scoped3A_9 = arith.constant 1 : i32
    "tpu.region"() ({
      %run_scoped3A_66 = tpu.sem_alloc : memref<!tpu.dma_semaphore, #tpu.memory_space<semaphore_mem>>
      %dma_start3A_67 = arith.constant 0 : i32
      %dma_start3A_68 = tpu.memref_slice %arg3[%run_scoped3A_9, %min3A_6, %dma_start3A_67] : memref<2x2500x128xi32, #tpu.memory_space<hbm>> -> memref<1x157x128xi32, #tpu.memory_space<hbm>>
      %dma_start3A_69 = tpu.memref_squeeze %dma_start3A_68 : memref<1x157x128xi32, #tpu.memory_space<hbm>> -> memref<157x128xi32, #tpu.memory_space<hbm>>
      %dma_start3A_70 = arith.constant 0 : i32
      %dma_start3A_71 = tpu.memref_slice %arg3[%run_scoped3A_9, %min3A_6, %dma_start3A_70] : memref<2x2500x128xi32, #tpu.memory_space<hbm>> -> memref<1x157x128xi32, #tpu.memory_space<hbm>>
      %dma_start3A_72 = tpu.memref_squeeze %dma_start3A_71 : memref<1x157x128xi32, #tpu.memory_space<hbm>> -> memref<157x128xi32, #tpu.memory_space<hbm>>
      tpu.enqueue_dma source(%dma_start3A_72 : memref<157x128xi32, #tpu.memory_space<hbm>>) target(%arg7 : memref<157x128xi32, #tpu.memory_space<vmem>>) target_semaphore(%run_scoped3A_66 : memref<!tpu.dma_semaphore, #tpu.memory_space<semaphore_mem>>)
      %dma_wait3A_73 = arith.constant 0 : i32
      %dma_wait3A_74 = tpu.memref_slice %arg3[%run_scoped3A_9, %min3A_6, %dma_wait3A_73] : memref<2x2500x128xi32, #tpu.memory_space<hbm>> -> memref<1x157x128xi32, #tpu.memory_space<hbm>>
      %dma_wait3A_75 = tpu.memref_squeeze %dma_wait3A_74 : memref<1x157x128xi32, #tpu.memory_space<hbm>> -> memref<157x128xi32, #tpu.memory_space<hbm>>
      %dma_wait3A_76 = arith.constant 0 : i32
      %dma_wait3A_77 = tpu.memref_slice %arg3[%run_scoped3A_9, %min3A_6, %dma_wait3A_76] : memref<2x2500x128xi32, #tpu.memory_space<hbm>> -> memref<1x157x128xi32, #tpu.memory_space<hbm>>
      %dma_wait3A_78 = tpu.memref_squeeze %dma_wait3A_77 : memref<1x157x128xi32, #tpu.memory_space<hbm>> -> memref<157x128xi32, #tpu.memory_space<hbm>>
      tpu.wait_dma2 semaphore(%run_scoped3A_66 : memref<!tpu.dma_semaphore, #tpu.memory_space<semaphore_mem>>) src(%dma_wait3A_78 : memref<157x128xi32, #tpu.memory_space<hbm>>) dst(%arg7 : memref<157x128xi32, #tpu.memory_space<vmem>>)
      tpu.yield
    }) : () -> ()
    "tpu.region"() ({
      %run_scoped3A_66 = tpu.sem_alloc : memref<!tpu.dma_semaphore, #tpu.memory_space<semaphore_mem>>
      %dma_start3A_67 = arith.constant 0 : i32
      %dma_start3A_68 = tpu.memref_slice %arg12[%mul3A_8, %dma_start3A_67] : memref<10240x72xf32, #tpu.memory_space<vmem_shared>> -> memref<640x72xf32, #tpu.memory_space<vmem_shared>>
      %dma_start3A_69 = arith.constant 0 : i32
      %dma_start3A_70 = tpu.memref_slice %arg4[%mul3A_8, %dma_start3A_69] : memref<10240x72xf32, #tpu.memory_space<hbm>> -> memref<640x72xf32, #tpu.memory_space<hbm>>
      tpu.enqueue_dma source(%dma_start3A_70 : memref<640x72xf32, #tpu.memory_space<hbm>>) target(%dma_start3A_68 : memref<640x72xf32, #tpu.memory_space<vmem_shared>>) target_semaphore(%run_scoped3A_66 : memref<!tpu.dma_semaphore, #tpu.memory_space<semaphore_mem>>)
      %dma_wait3A_71 = arith.constant 0 : i32
      %dma_wait3A_72 = tpu.memref_slice %arg12[%mul3A_8, %dma_wait3A_71] : memref<10240x72xf32, #tpu.memory_space<vmem_shared>> -> memref<640x72xf32, #tpu.memory_space<vmem_shared>>
      %dma_wait3A_73 = arith.constant 0 : i32
      %dma_wait3A_74 = tpu.memref_slice %arg4[%mul3A_8, %dma_wait3A_73] : memref<10240x72xf32, #tpu.memory_space<hbm>> -> memref<640x72xf32, #tpu.memory_space<hbm>>
      tpu.wait_dma2 semaphore(%run_scoped3A_66 : memref<!tpu.dma_semaphore, #tpu.memory_space<semaphore_mem>>) src(%dma_wait3A_74 : memref<640x72xf32, #tpu.memory_space<hbm>>) dst(%dma_wait3A_72 : memref<640x72xf32, #tpu.memory_space<vmem_shared>>)
      tpu.yield
    }) : () -> ()
    %barrier3A = arith.constant 0 : index
    tpu.barrier barrier_id(%barrier3A)
    %add3A_10 = arith.constant 0 : i32
    %add3A_11 = arith.addi %add3A_10, %sub3A : i32
    %dma_start3A = arith.constant 0 : i32
    %dma_start3A_12 = tpu.memref_slice %arg6[%add3A_11, %dma_start3A] : memref<157x128xi32, #tpu.memory_space<vmem>> -> memref<1x128xi32, #tpu.memory_space<vmem>>
    %dma_start3A_13 = tpu.memref_squeeze %dma_start3A_12 : memref<1x128xi32, #tpu.memory_space<vmem>> -> memref<128xi32, #tpu.memory_space<vmem>>
    %dma_start3A_14 = arith.constant 0 : i32
    %dma_start3A_15 = arith.constant 0 : i32
    %dma_start3A_16 = tpu.memref_slice %arg2[%arg0, %dma_start3A_14, %dma_start3A_15] : memref<2x10000x72xf32, #tpu.memory_space<hbm>> -> memref<1x10000x72xf32, #tpu.memory_space<hbm>>
    %dma_start3A_17 = tpu.memref_squeeze %dma_start3A_16 : memref<1x10000x72xf32, #tpu.memory_space<hbm>> -> memref<10000x72xf32, #tpu.memory_space<hbm>>
    %dma_start3A_18 = arith.constant 0 : i32
    %dma_start3A_19 = arith.constant 0 : i32
    %dma_start3A_20 = tpu.memref_slice %dma_start3A_17[%dma_start3A_18, %dma_start3A_19] : memref<10000x72xf32, #tpu.memory_space<hbm>> -> memref<10000x72xf32, #tpu.memory_space<hbm>>
    tpu.enqueue_indirect_dma source(%dma_start3A_20 : memref<10000x72xf32, #tpu.memory_space<hbm>>) target(%arg8 : memref<128x72xf32, #tpu.memory_space<vmem>>) offsets(%dma_start3A_13 : memref<128xi32, #tpu.memory_space<vmem>>) semaphore(%arg13 : memref<!tpu.dma_semaphore, #tpu.memory_space<semaphore_mem>>)
    %add3A_21 = arith.constant 1 : i32
    %add3A_22 = arith.addi %add3A_21, %sub3A : i32
    %dma_start3A_23 = arith.constant 0 : i32
    %dma_start3A_24 = tpu.memref_slice %arg6[%add3A_22, %dma_start3A_23] : memref<157x128xi32, #tpu.memory_space<vmem>> -> memref<1x128xi32, #tpu.memory_space<vmem>>
    %dma_start3A_25 = tpu.memref_squeeze %dma_start3A_24 : memref<1x128xi32, #tpu.memory_space<vmem>> -> memref<128xi32, #tpu.memory_space<vmem>>
    %dma_start3A_26 = arith.constant 0 : i32
    %dma_start3A_27 = arith.constant 0 : i32
    %dma_start3A_28 = tpu.memref_slice %arg2[%arg0, %dma_start3A_26, %dma_start3A_27] : memref<2x10000x72xf32, #tpu.memory_space<hbm>> -> memref<1x10000x72xf32, #tpu.memory_space<hbm>>
    %dma_start3A_29 = tpu.memref_squeeze %dma_start3A_28 : memref<1x10000x72xf32, #tpu.memory_space<hbm>> -> memref<10000x72xf32, #tpu.memory_space<hbm>>
    %dma_start3A_30 = arith.constant 0 : i32
    %dma_start3A_31 = arith.constant 0 : i32
    %dma_start3A_32 = tpu.memref_slice %dma_start3A_29[%dma_start3A_30, %dma_start3A_31] : memref<10000x72xf32, #tpu.memory_space<hbm>> -> memref<10000x72xf32, #tpu.memory_space<hbm>>
    tpu.enqueue_indirect_dma source(%dma_start3A_32 : memref<10000x72xf32, #tpu.memory_space<hbm>>) target(%arg9 : memref<128x72xf32, #tpu.memory_space<vmem>>) offsets(%dma_start3A_25 : memref<128xi32, #tpu.memory_space<vmem>>) semaphore(%arg14 : memref<!tpu.dma_semaphore, #tpu.memory_space<semaphore_mem>>)
    %scan3A = arith.constant 0 : i32
    %scan3A_33 = arith.constant 0 : i32
    %scan3A_34 = arith.constant 40 : i32
    %scan3A_35 = arith.addi %scan3A_33, %scan3A_34 : i32
    %scan3A_36 = arith.constant 1 : i32
    scf.for %scan3A_66 = %scan3A_33 to %scan3A_35 step %scan3A_36  : i32 {
      %mul3A_67 = arith.constant 4 : i32
      %mul3A_68 = arith.muli %scan3A_66, %mul3A_67 : i32
      %add3A_69 = arith.constant 0 : i32
      %add3A_70 = arith.addi %mul3A_68, %add3A_69 : i32
      %lt3A_71 = arith.cmpi slt, %add3A_70, %add3A_4 : i32
      %convert_element_type3A_72 = arith.extui %lt3A_71 : i1 to i32
      %cond3A = arith.constant 0 : i32
      %cond3A_73 = arith.cmpi ne, %convert_element_type3A_72, %cond3A : i32
      scf.if %cond3A_73 {
        %add3A_98 = arith.addi %add3A_70, %sub3A : i32
        %dma_wait3A_99 = arith.constant 0 : i32
        %dma_wait3A_100 = tpu.memref_slice %arg6[%add3A_98, %dma_wait3A_99] : memref<157x128xi32, #tpu.memory_space<vmem>> -> memref<1x128xi32, #tpu.memory_space<vmem>>
        %dma_wait3A_101 = tpu.memref_squeeze %dma_wait3A_100 : memref<1x128xi32, #tpu.memory_space<vmem>> -> memref<128xi32, #tpu.memory_space<vmem>>
        %dma_wait3A_102 = arith.constant 0 : i32
        %dma_wait3A_103 = arith.constant 0 : i32
        %dma_wait3A_104 = tpu.memref_slice %arg2[%arg0, %dma_wait3A_102, %dma_wait3A_103] : memref<2x10000x72xf32, #tpu.memory_space<hbm>> -> memref<1x10000x72xf32, #tpu.memory_space<hbm>>
        %dma_wait3A_105 = tpu.memref_squeeze %dma_wait3A_104 : memref<1x10000x72xf32, #tpu.memory_space<hbm>> -> memref<10000x72xf32, #tpu.memory_space<hbm>>
        %dma_wait3A_106 = arith.constant 0 : i32
        %dma_wait3A_107 = arith.constant 0 : i32
        %dma_wait3A_108 = tpu.memref_slice %dma_wait3A_105[%dma_wait3A_106, %dma_wait3A_107] : memref<10000x72xf32, #tpu.memory_space<hbm>> -> memref<10000x72xf32, #tpu.memory_space<hbm>>
        tpu.wait_indirect_dma semaphore(%arg13 : memref<!tpu.dma_semaphore, #tpu.memory_space<semaphore_mem>>) src(%dma_wait3A_108 : memref<10000x72xf32, #tpu.memory_space<hbm>>) dst(%arg8 : memref<128x72xf32, #tpu.memory_space<vmem>>)
        %add3A_109 = arith.addi %add3A_70, %sub3A : i32
        %dma_start3A_110 = arith.constant 0 : i32
        %dma_start3A_111 = tpu.memref_slice %arg7[%add3A_109, %dma_start3A_110] : memref<157x128xi32, #tpu.memory_space<vmem>> -> memref<1x128xi32, #tpu.memory_space<vmem>>
        %dma_start3A_112 = tpu.memref_squeeze %dma_start3A_111 : memref<1x128xi32, #tpu.memory_space<vmem>> -> memref<128xi32, #tpu.memory_space<vmem>>
        %dma_start3A_113 = arith.constant 0 : i32
        %dma_start3A_114 = arith.constant 0 : i32
        %dma_start3A_115 = tpu.memref_slice %arg12[%dma_start3A_113, %dma_start3A_114] : memref<10240x72xf32, #tpu.memory_space<vmem_shared>> -> memref<10240x72xf32, #tpu.memory_space<vmem_shared>>
        tpu.enqueue_indirect_dma source(%arg8 : memref<128x72xf32, #tpu.memory_space<vmem>>) target(%dma_start3A_115 : memref<10240x72xf32, #tpu.memory_space<vmem_shared>>) offsets(%dma_start3A_112 : memref<128xi32, #tpu.memory_space<vmem>>) semaphore(%arg17 : memref<!tpu.dma_semaphore, #tpu.memory_space<semaphore_mem>>) {add = true}
        %add3A_116 = arith.constant 2 : i32
        %add3A_117 = arith.addi %add3A_70, %add3A_116 : i32
        %lt3A_118 = arith.cmpi slt, %add3A_117, %add3A_4 : i32
        %convert_element_type3A_119 = arith.extui %lt3A_118 : i1 to i32
        %cond3A_120 = arith.constant 0 : i32
        %cond3A_121 = arith.cmpi ne, %convert_element_type3A_119, %cond3A_120 : i32
        scf.if %cond3A_121 {
          %ge3A = arith.constant 2 : i32
          %ge3A_122 = arith.cmpi sge, %add3A_70, %ge3A : i32
          %convert_element_type3A_123 = arith.extui %ge3A_122 : i1 to i32
          %cond3A_124 = arith.constant 0 : i32
          %cond3A_125 = arith.cmpi ne, %convert_element_type3A_123, %cond3A_124 : i32
          scf.if %cond3A_125 {
            %dma_wait3A_139 = arith.constant 0 : i32
            %dma_wait3A_140 = arith.constant 0 : i32
            %dma_wait3A_141 = tpu.memref_slice %arg7[%dma_wait3A_139, %dma_wait3A_140] : memref<157x128xi32, #tpu.memory_space<vmem>> -> memref<1x128xi32, #tpu.memory_space<vmem>>
            %dma_wait3A_142 = tpu.memref_squeeze %dma_wait3A_141 : memref<1x128xi32, #tpu.memory_space<vmem>> -> memref<128xi32, #tpu.memory_space<vmem>>
            %dma_wait3A_143 = arith.constant 0 : i32
            %dma_wait3A_144 = arith.constant 0 : i32
            %dma_wait3A_145 = tpu.memref_slice %arg12[%dma_wait3A_143, %dma_wait3A_144] : memref<10240x72xf32, #tpu.memory_space<vmem_shared>> -> memref<10240x72xf32, #tpu.memory_space<vmem_shared>>
            tpu.wait_indirect_dma semaphore(%arg19 : memref<!tpu.dma_semaphore, #tpu.memory_space<semaphore_mem>>) src(%arg10 : memref<128x72xf32, #tpu.memory_space<vmem>>) dst(%dma_wait3A_145 : memref<10240x72xf32, #tpu.memory_space<vmem_shared>>)
          } else {
          }
          %add3A_126 = arith.constant 2 : i32
          %add3A_127 = arith.addi %add3A_70, %add3A_126 : i32
          %add3A_128 = arith.addi %add3A_127, %sub3A : i32
          %dma_start3A_129 = arith.constant 0 : i32
          %dma_start3A_130 = tpu.memref_slice %arg6[%add3A_128, %dma_start3A_129] : memref<157x128xi32, #tpu.memory_space<vmem>> -> memref<1x128xi32, #tpu.memory_space<vmem>>
          %dma_start3A_131 = tpu.memref_squeeze %dma_start3A_130 : memref<1x128xi32, #tpu.memory_space<vmem>> -> memref<128xi32, #tpu.memory_space<vmem>>
          %dma_start3A_132 = arith.constant 0 : i32
          %dma_start3A_133 = arith.constant 0 : i32
          %dma_start3A_134 = tpu.memref_slice %arg2[%arg0, %dma_start3A_132, %dma_start3A_133] : memref<2x10000x72xf32, #tpu.memory_space<hbm>> -> memref<1x10000x72xf32, #tpu.memory_space<hbm>>
          %dma_start3A_135 = tpu.memref_squeeze %dma_start3A_134 : memref<1x10000x72xf32, #tpu.memory_space<hbm>> -> memref<10000x72xf32, #tpu.memory_space<hbm>>
          %dma_start3A_136 = arith.constant 0 : i32
          %dma_start3A_137 = arith.constant 0 : i32
          %dma_start3A_138 = tpu.memref_slice %dma_start3A_135[%dma_start3A_136, %dma_start3A_137] : memref<10000x72xf32, #tpu.memory_space<hbm>> -> memref<10000x72xf32, #tpu.memory_space<hbm>>
          tpu.enqueue_indirect_dma source(%dma_start3A_138 : memref<10000x72xf32, #tpu.memory_space<hbm>>) target(%arg10 : memref<128x72xf32, #tpu.memory_space<vmem>>) offsets(%dma_start3A_131 : memref<128xi32, #tpu.memory_space<vmem>>) semaphore(%arg15 : memref<!tpu.dma_semaphore, #tpu.memory_space<semaphore_mem>>)
        } else {
        }
      } else {
      }
      %mul3A_74 = arith.constant 4 : i32
      %mul3A_75 = arith.muli %scan3A_66, %mul3A_74 : i32
      %add3A_76 = arith.constant 1 : i32
      %add3A_77 = arith.addi %mul3A_75, %add3A_76 : i32
      %lt3A_78 = arith.cmpi slt, %add3A_77, %add3A_4 : i32
      %convert_element_type3A_79 = arith.extui %lt3A_78 : i1 to i32
      %cond3A_80 = arith.constant 0 : i32
      %cond3A_81 = arith.cmpi ne, %convert_element_type3A_79, %cond3A_80 : i32
      scf.if %cond3A_81 {
        %add3A_98 = arith.addi %add3A_77, %sub3A : i32
        %dma_wait3A_99 = arith.constant 0 : i32
        %dma_wait3A_100 = tpu.memref_slice %arg6[%add3A_98, %dma_wait3A_99] : memref<157x128xi32, #tpu.memory_space<vmem>> -> memref<1x128xi32, #tpu.memory_space<vmem>>
        %dma_wait3A_101 = tpu.memref_squeeze %dma_wait3A_100 : memref<1x128xi32, #tpu.memory_space<vmem>> -> memref<128xi32, #tpu.memory_space<vmem>>
        %dma_wait3A_102 = arith.constant 0 : i32
        %dma_wait3A_103 = arith.constant 0 : i32
        %dma_wait3A_104 = tpu.memref_slice %arg2[%arg0, %dma_wait3A_102, %dma_wait3A_103] : memref<2x10000x72xf32, #tpu.memory_space<hbm>> -> memref<1x10000x72xf32, #tpu.memory_space<hbm>>
        %dma_wait3A_105 = tpu.memref_squeeze %dma_wait3A_104 : memref<1x10000x72xf32, #tpu.memory_space<hbm>> -> memref<10000x72xf32, #tpu.memory_space<hbm>>
        %dma_wait3A_106 = arith.constant 0 : i32
        %dma_wait3A_107 = arith.constant 0 : i32
        %dma_wait3A_108 = tpu.memref_slice %dma_wait3A_105[%dma_wait3A_106, %dma_wait3A_107] : memref<10000x72xf32, #tpu.memory_space<hbm>> -> memref<10000x72xf32, #tpu.memory_space<hbm>>
        tpu.wait_indirect_dma semaphore(%arg14 : memref<!tpu.dma_semaphore, #tpu.memory_space<semaphore_mem>>) src(%dma_wait3A_108 : memref<10000x72xf32, #tpu.memory_space<hbm>>) dst(%arg9 : memref<128x72xf32, #tpu.memory_space<vmem>>)
        %add3A_109 = arith.addi %add3A_77, %sub3A : i32
        %dma_start3A_110 = arith.constant 0 : i32
        %dma_start3A_111 = tpu.memref_slice %arg7[%add3A_109, %dma_start3A_110] : memref<157x128xi32, #tpu.memory_space<vmem>> -> memref<1x128xi32, #tpu.memory_space<vmem>>
        %dma_start3A_112 = tpu.memref_squeeze %dma_start3A_111 : memref<1x128xi32, #tpu.memory_space<vmem>> -> memref<128xi32, #tpu.memory_space<vmem>>
        %dma_start3A_113 = arith.constant 0 : i32
        %dma_start3A_114 = arith.constant 0 : i32
        %dma_start3A_115 = tpu.memref_slice %arg12[%dma_start3A_113, %dma_start3A_114] : memref<10240x72xf32, #tpu.memory_space<vmem_shared>> -> memref<10240x72xf32, #tpu.memory_space<vmem_shared>>
        tpu.enqueue_indirect_dma source(%arg9 : memref<128x72xf32, #tpu.memory_space<vmem>>) target(%dma_start3A_115 : memref<10240x72xf32, #tpu.memory_space<vmem_shared>>) offsets(%dma_start3A_112 : memref<128xi32, #tpu.memory_space<vmem>>) semaphore(%arg18 : memref<!tpu.dma_semaphore, #tpu.memory_space<semaphore_mem>>) {add = true}
        %add3A_116 = arith.constant 2 : i32
        %add3A_117 = arith.addi %add3A_77, %add3A_116 : i32
        %lt3A_118 = arith.cmpi slt, %add3A_117, %add3A_4 : i32
        %convert_element_type3A_119 = arith.extui %lt3A_118 : i1 to i32
        %cond3A_120 = arith.constant 0 : i32
        %cond3A_121 = arith.cmpi ne, %convert_element_type3A_119, %cond3A_120 : i32
        scf.if %cond3A_121 {
          %ge3A = arith.constant 2 : i32
          %ge3A_122 = arith.cmpi sge, %add3A_77, %ge3A : i32
          %convert_element_type3A_123 = arith.extui %ge3A_122 : i1 to i32
          %cond3A_124 = arith.constant 0 : i32
          %cond3A_125 = arith.cmpi ne, %convert_element_type3A_123, %cond3A_124 : i32
          scf.if %cond3A_125 {
            %dma_wait3A_139 = arith.constant 0 : i32
            %dma_wait3A_140 = arith.constant 0 : i32
            %dma_wait3A_141 = tpu.memref_slice %arg7[%dma_wait3A_139, %dma_wait3A_140] : memref<157x128xi32, #tpu.memory_space<vmem>> -> memref<1x128xi32, #tpu.memory_space<vmem>>
            %dma_wait3A_142 = tpu.memref_squeeze %dma_wait3A_141 : memref<1x128xi32, #tpu.memory_space<vmem>> -> memref<128xi32, #tpu.memory_space<vmem>>
            %dma_wait3A_143 = arith.constant 0 : i32
            %dma_wait3A_144 = arith.constant 0 : i32
            %dma_wait3A_145 = tpu.memref_slice %arg12[%dma_wait3A_143, %dma_wait3A_144] : memref<10240x72xf32, #tpu.memory_space<vmem_shared>> -> memref<10240x72xf32, #tpu.memory_space<vmem_shared>>
            tpu.wait_indirect_dma semaphore(%arg20 : memref<!tpu.dma_semaphore, #tpu.memory_space<semaphore_mem>>) src(%arg11 : memref<128x72xf32, #tpu.memory_space<vmem>>) dst(%dma_wait3A_145 : memref<10240x72xf32, #tpu.memory_space<vmem_shared>>)
          } else {
          }
          %add3A_126 = arith.constant 2 : i32
          %add3A_127 = arith.addi %add3A_77, %add3A_126 : i32
          %add3A_128 = arith.addi %add3A_127, %sub3A : i32
          %dma_start3A_129 = arith.constant 0 : i32
          %dma_start3A_130 = tpu.memref_slice %arg6[%add3A_128, %dma_start3A_129] : memref<157x128xi32, #tpu.memory_space<vmem>> -> memref<1x128xi32, #tpu.memory_space<vmem>>
          %dma_start3A_131 = tpu.memref_squeeze %dma_start3A_130 : memref<1x128xi32, #tpu.memory_space<vmem>> -> memref<128xi32, #tpu.memory_space<vmem>>
          %dma_start3A_132 = arith.constant 0 : i32
          %dma_start3A_133 = arith.constant 0 : i32
          %dma_start3A_134 = tpu.memref_slice %arg2[%arg0, %dma_start3A_132, %dma_start3A_133] : memref<2x10000x72xf32, #tpu.memory_space<hbm>> -> memref<1x10000x72xf32, #tpu.memory_space<hbm>>
          %dma_start3A_135 = tpu.memref_squeeze %dma_start3A_134 : memref<1x10000x72xf32, #tpu.memory_space<hbm>> -> memref<10000x72xf32, #tpu.memory_space<hbm>>
          %dma_start3A_136 = arith.constant 0 : i32
          %dma_start3A_137 = arith.constant 0 : i32
          %dma_start3A_138 = tpu.memref_slice %dma_start3A_135[%dma_start3A_136, %dma_start3A_137] : memref<10000x72xf32, #tpu.memory_space<hbm>> -> memref<10000x72xf32, #tpu.memory_space<hbm>>
          tpu.enqueue_indirect_dma source(%dma_start3A_138 : memref<10000x72xf32, #tpu.memory_space<hbm>>) target(%arg11 : memref<128x72xf32, #tpu.memory_space<vmem>>) offsets(%dma_start3A_131 : memref<128xi32, #tpu.memory_space<vmem>>) semaphore(%arg16 : memref<!tpu.dma_semaphore, #tpu.memory_space<semaphore_mem>>)
        } else {
        }
      } else {
      }
      %mul3A_82 = arith.constant 4 : i32
      %mul3A_83 = arith.muli %scan3A_66, %mul3A_82 : i32
      %add3A_84 = arith.constant 2 : i32
      %add3A_85 = arith.addi %mul3A_83, %add3A_84 : i32
      %lt3A_86 = arith.cmpi slt, %add3A_85, %add3A_4 : i32
      %convert_element_type3A_87 = arith.extui %lt3A_86 : i1 to i32
      %cond3A_88 = arith.constant 0 : i32
      %cond3A_89 = arith.cmpi ne, %convert_element_type3A_87, %cond3A_88 : i32
      scf.if %cond3A_89 {
        %add3A_98 = arith.addi %add3A_85, %sub3A : i32
        %dma_wait3A_99 = arith.constant 0 : i32
        %dma_wait3A_100 = tpu.memref_slice %arg6[%add3A_98, %dma_wait3A_99] : memref<157x128xi32, #tpu.memory_space<vmem>> -> memref<1x128xi32, #tpu.memory_space<vmem>>
        %dma_wait3A_101 = tpu.memref_squeeze %dma_wait3A_100 : memref<1x128xi32, #tpu.memory_space<vmem>> -> memref<128xi32, #tpu.memory_space<vmem>>
        %dma_wait3A_102 = arith.constant 0 : i32
        %dma_wait3A_103 = arith.constant 0 : i32
        %dma_wait3A_104 = tpu.memref_slice %arg2[%arg0, %dma_wait3A_102, %dma_wait3A_103] : memref<2x10000x72xf32, #tpu.memory_space<hbm>> -> memref<1x10000x72xf32, #tpu.memory_space<hbm>>
        %dma_wait3A_105 = tpu.memref_squeeze %dma_wait3A_104 : memref<1x10000x72xf32, #tpu.memory_space<hbm>> -> memref<10000x72xf32, #tpu.memory_space<hbm>>
        %dma_wait3A_106 = arith.constant 0 : i32
        %dma_wait3A_107 = arith.constant 0 : i32
        %dma_wait3A_108 = tpu.memref_slice %dma_wait3A_105[%dma_wait3A_106, %dma_wait3A_107] : memref<10000x72xf32, #tpu.memory_space<hbm>> -> memref<10000x72xf32, #tpu.memory_space<hbm>>
        tpu.wait_indirect_dma semaphore(%arg15 : memref<!tpu.dma_semaphore, #tpu.memory_space<semaphore_mem>>) src(%dma_wait3A_108 : memref<10000x72xf32, #tpu.memory_space<hbm>>) dst(%arg10 : memref<128x72xf32, #tpu.memory_space<vmem>>)
        %add3A_109 = arith.addi %add3A_85, %sub3A : i32
        %dma_start3A_110 = arith.constant 0 : i32
        %dma_start3A_111 = tpu.memref_slice %arg7[%add3A_109, %dma_start3A_110] : memref<157x128xi32, #tpu.memory_space<vmem>> -> memref<1x128xi32, #tpu.memory_space<vmem>>
        %dma_start3A_112 = tpu.memref_squeeze %dma_start3A_111 : memref<1x128xi32, #tpu.memory_space<vmem>> -> memref<128xi32, #tpu.memory_space<vmem>>
        %dma_start3A_113 = arith.constant 0 : i32
        %dma_start3A_114 = arith.constant 0 : i32
        %dma_start3A_115 = tpu.memref_slice %arg12[%dma_start3A_113, %dma_start3A_114] : memref<10240x72xf32, #tpu.memory_space<vmem_shared>> -> memref<10240x72xf32, #tpu.memory_space<vmem_shared>>
        tpu.enqueue_indirect_dma source(%arg10 : memref<128x72xf32, #tpu.memory_space<vmem>>) target(%dma_start3A_115 : memref<10240x72xf32, #tpu.memory_space<vmem_shared>>) offsets(%dma_start3A_112 : memref<128xi32, #tpu.memory_space<vmem>>) semaphore(%arg19 : memref<!tpu.dma_semaphore, #tpu.memory_space<semaphore_mem>>) {add = true}
        %add3A_116 = arith.constant 2 : i32
        %add3A_117 = arith.addi %add3A_85, %add3A_116 : i32
        %lt3A_118 = arith.cmpi slt, %add3A_117, %add3A_4 : i32
        %convert_element_type3A_119 = arith.extui %lt3A_118 : i1 to i32
        %cond3A_120 = arith.constant 0 : i32
        %cond3A_121 = arith.cmpi ne, %convert_element_type3A_119, %cond3A_120 : i32
        scf.if %cond3A_121 {
          %ge3A = arith.constant 2 : i32
          %ge3A_122 = arith.cmpi sge, %add3A_85, %ge3A : i32
          %convert_element_type3A_123 = arith.extui %ge3A_122 : i1 to i32
          %cond3A_124 = arith.constant 0 : i32
          %cond3A_125 = arith.cmpi ne, %convert_element_type3A_123, %cond3A_124 : i32
          scf.if %cond3A_125 {
            %dma_wait3A_139 = arith.constant 0 : i32
            %dma_wait3A_140 = arith.constant 0 : i32
            %dma_wait3A_141 = tpu.memref_slice %arg7[%dma_wait3A_139, %dma_wait3A_140] : memref<157x128xi32, #tpu.memory_space<vmem>> -> memref<1x128xi32, #tpu.memory_space<vmem>>
            %dma_wait3A_142 = tpu.memref_squeeze %dma_wait3A_141 : memref<1x128xi32, #tpu.memory_space<vmem>> -> memref<128xi32, #tpu.memory_space<vmem>>
            %dma_wait3A_143 = arith.constant 0 : i32
            %dma_wait3A_144 = arith.constant 0 : i32
            %dma_wait3A_145 = tpu.memref_slice %arg12[%dma_wait3A_143, %dma_wait3A_144] : memref<10240x72xf32, #tpu.memory_space<vmem_shared>> -> memref<10240x72xf32, #tpu.memory_space<vmem_shared>>
            tpu.wait_indirect_dma semaphore(%arg17 : memref<!tpu.dma_semaphore, #tpu.memory_space<semaphore_mem>>) src(%arg8 : memref<128x72xf32, #tpu.memory_space<vmem>>) dst(%dma_wait3A_145 : memref<10240x72xf32, #tpu.memory_space<vmem_shared>>)
          } else {
          }
          %add3A_126 = arith.constant 2 : i32
          %add3A_127 = arith.addi %add3A_85, %add3A_126 : i32
          %add3A_128 = arith.addi %add3A_127, %sub3A : i32
          %dma_start3A_129 = arith.constant 0 : i32
          %dma_start3A_130 = tpu.memref_slice %arg6[%add3A_128, %dma_start3A_129] : memref<157x128xi32, #tpu.memory_space<vmem>> -> memref<1x128xi32, #tpu.memory_space<vmem>>
          %dma_start3A_131 = tpu.memref_squeeze %dma_start3A_130 : memref<1x128xi32, #tpu.memory_space<vmem>> -> memref<128xi32, #tpu.memory_space<vmem>>
          %dma_start3A_132 = arith.constant 0 : i32
          %dma_start3A_133 = arith.constant 0 : i32
          %dma_start3A_134 = tpu.memref_slice %arg2[%arg0, %dma_start3A_132, %dma_start3A_133] : memref<2x10000x72xf32, #tpu.memory_space<hbm>> -> memref<1x10000x72xf32, #tpu.memory_space<hbm>>
          %dma_start3A_135 = tpu.memref_squeeze %dma_start3A_134 : memref<1x10000x72xf32, #tpu.memory_space<hbm>> -> memref<10000x72xf32, #tpu.memory_space<hbm>>
          %dma_start3A_136 = arith.constant 0 : i32
          %dma_start3A_137 = arith.constant 0 : i32
          %dma_start3A_138 = tpu.memref_slice %dma_start3A_135[%dma_start3A_136, %dma_start3A_137] : memref<10000x72xf32, #tpu.memory_space<hbm>> -> memref<10000x72xf32, #tpu.memory_space<hbm>>
          tpu.enqueue_indirect_dma source(%dma_start3A_138 : memref<10000x72xf32, #tpu.memory_space<hbm>>) target(%arg8 : memref<128x72xf32, #tpu.memory_space<vmem>>) offsets(%dma_start3A_131 : memref<128xi32, #tpu.memory_space<vmem>>) semaphore(%arg13 : memref<!tpu.dma_semaphore, #tpu.memory_space<semaphore_mem>>)
        } else {
        }
      } else {
      }
      %mul3A_90 = arith.constant 4 : i32
      %mul3A_91 = arith.muli %scan3A_66, %mul3A_90 : i32
      %add3A_92 = arith.constant 3 : i32
      %add3A_93 = arith.addi %mul3A_91, %add3A_92 : i32
      %lt3A_94 = arith.cmpi slt, %add3A_93, %add3A_4 : i32
      %convert_element_type3A_95 = arith.extui %lt3A_94 : i1 to i32
      %cond3A_96 = arith.constant 0 : i32
      %cond3A_97 = arith.cmpi ne, %convert_element_type3A_95, %cond3A_96 : i32
      scf.if %cond3A_97 {
        %add3A_98 = arith.addi %add3A_93, %sub3A : i32
        %dma_wait3A_99 = arith.constant 0 : i32
        %dma_wait3A_100 = tpu.memref_slice %arg6[%add3A_98, %dma_wait3A_99] : memref<157x128xi32, #tpu.memory_space<vmem>> -> memref<1x128xi32, #tpu.memory_space<vmem>>
        %dma_wait3A_101 = tpu.memref_squeeze %dma_wait3A_100 : memref<1x128xi32, #tpu.memory_space<vmem>> -> memref<128xi32, #tpu.memory_space<vmem>>
        %dma_wait3A_102 = arith.constant 0 : i32
        %dma_wait3A_103 = arith.constant 0 : i32
        %dma_wait3A_104 = tpu.memref_slice %arg2[%arg0, %dma_wait3A_102, %dma_wait3A_103] : memref<2x10000x72xf32, #tpu.memory_space<hbm>> -> memref<1x10000x72xf32, #tpu.memory_space<hbm>>
        %dma_wait3A_105 = tpu.memref_squeeze %dma_wait3A_104 : memref<1x10000x72xf32, #tpu.memory_space<hbm>> -> memref<10000x72xf32, #tpu.memory_space<hbm>>
        %dma_wait3A_106 = arith.constant 0 : i32
        %dma_wait3A_107 = arith.constant 0 : i32
        %dma_wait3A_108 = tpu.memref_slice %dma_wait3A_105[%dma_wait3A_106, %dma_wait3A_107] : memref<10000x72xf32, #tpu.memory_space<hbm>> -> memref<10000x72xf32, #tpu.memory_space<hbm>>
        tpu.wait_indirect_dma semaphore(%arg16 : memref<!tpu.dma_semaphore, #tpu.memory_space<semaphore_mem>>) src(%dma_wait3A_108 : memref<10000x72xf32, #tpu.memory_space<hbm>>) dst(%arg11 : memref<128x72xf32, #tpu.memory_space<vmem>>)
        %add3A_109 = arith.addi %add3A_93, %sub3A : i32
        %dma_start3A_110 = arith.constant 0 : i32
        %dma_start3A_111 = tpu.memref_slice %arg7[%add3A_109, %dma_start3A_110] : memref<157x128xi32, #tpu.memory_space<vmem>> -> memref<1x128xi32, #tpu.memory_space<vmem>>
        %dma_start3A_112 = tpu.memref_squeeze %dma_start3A_111 : memref<1x128xi32, #tpu.memory_space<vmem>> -> memref<128xi32, #tpu.memory_space<vmem>>
        %dma_start3A_113 = arith.constant 0 : i32
        %dma_start3A_114 = arith.constant 0 : i32
        %dma_start3A_115 = tpu.memref_slice %arg12[%dma_start3A_113, %dma_start3A_114] : memref<10240x72xf32, #tpu.memory_space<vmem_shared>> -> memref<10240x72xf32, #tpu.memory_space<vmem_shared>>
        tpu.enqueue_indirect_dma source(%arg11 : memref<128x72xf32, #tpu.memory_space<vmem>>) target(%dma_start3A_115 : memref<10240x72xf32, #tpu.memory_space<vmem_shared>>) offsets(%dma_start3A_112 : memref<128xi32, #tpu.memory_space<vmem>>) semaphore(%arg20 : memref<!tpu.dma_semaphore, #tpu.memory_space<semaphore_mem>>) {add = true}
        %add3A_116 = arith.constant 2 : i32
        %add3A_117 = arith.addi %add3A_93, %add3A_116 : i32
        %lt3A_118 = arith.cmpi slt, %add3A_117, %add3A_4 : i32
        %convert_element_type3A_119 = arith.extui %lt3A_118 : i1 to i32
        %cond3A_120 = arith.constant 0 : i32
        %cond3A_121 = arith.cmpi ne, %convert_element_type3A_119, %cond3A_120 : i32
        scf.if %cond3A_121 {
          %ge3A = arith.constant 2 : i32
          %ge3A_122 = arith.cmpi sge, %add3A_93, %ge3A : i32
          %convert_element_type3A_123 = arith.extui %ge3A_122 : i1 to i32
          %cond3A_124 = arith.constant 0 : i32
          %cond3A_125 = arith.cmpi ne, %convert_element_type3A_123, %cond3A_124 : i32
          scf.if %cond3A_125 {
            %dma_wait3A_139 = arith.constant 0 : i32
            %dma_wait3A_140 = arith.constant 0 : i32
            %dma_wait3A_141 = tpu.memref_slice %arg7[%dma_wait3A_139, %dma_wait3A_140] : memref<157x128xi32, #tpu.memory_space<vmem>> -> memref<1x128xi32, #tpu.memory_space<vmem>>
            %dma_wait3A_142 = tpu.memref_squeeze %dma_wait3A_141 : memref<1x128xi32, #tpu.memory_space<vmem>> -> memref<128xi32, #tpu.memory_space<vmem>>
            %dma_wait3A_143 = arith.constant 0 : i32
            %dma_wait3A_144 = arith.constant 0 : i32
            %dma_wait3A_145 = tpu.memref_slice %arg12[%dma_wait3A_143, %dma_wait3A_144] : memref<10240x72xf32, #tpu.memory_space<vmem_shared>> -> memref<10240x72xf32, #tpu.memory_space<vmem_shared>>
            tpu.wait_indirect_dma semaphore(%arg18 : memref<!tpu.dma_semaphore, #tpu.memory_space<semaphore_mem>>) src(%arg9 : memref<128x72xf32, #tpu.memory_space<vmem>>) dst(%dma_wait3A_145 : memref<10240x72xf32, #tpu.memory_space<vmem_shared>>)
          } else {
          }
          %add3A_126 = arith.constant 2 : i32
          %add3A_127 = arith.addi %add3A_93, %add3A_126 : i32
          %add3A_128 = arith.addi %add3A_127, %sub3A : i32
          %dma_start3A_129 = arith.constant 0 : i32
          %dma_start3A_130 = tpu.memref_slice %arg6[%add3A_128, %dma_start3A_129] : memref<157x128xi32, #tpu.memory_space<vmem>> -> memref<1x128xi32, #tpu.memory_space<vmem>>
          %dma_start3A_131 = tpu.memref_squeeze %dma_start3A_130 : memref<1x128xi32, #tpu.memory_space<vmem>> -> memref<128xi32, #tpu.memory_space<vmem>>
          %dma_start3A_132 = arith.constant 0 : i32
          %dma_start3A_133 = arith.constant 0 : i32
          %dma_start3A_134 = tpu.memref_slice %arg2[%arg0, %dma_start3A_132, %dma_start3A_133] : memref<2x10000x72xf32, #tpu.memory_space<hbm>> -> memref<1x10000x72xf32, #tpu.memory_space<hbm>>
          %dma_start3A_135 = tpu.memref_squeeze %dma_start3A_134 : memref<1x10000x72xf32, #tpu.memory_space<hbm>> -> memref<10000x72xf32, #tpu.memory_space<hbm>>
          %dma_start3A_136 = arith.constant 0 : i32
          %dma_start3A_137 = arith.constant 0 : i32
          %dma_start3A_138 = tpu.memref_slice %dma_start3A_135[%dma_start3A_136, %dma_start3A_137] : memref<10000x72xf32, #tpu.memory_space<hbm>> -> memref<10000x72xf32, #tpu.memory_space<hbm>>
          tpu.enqueue_indirect_dma source(%dma_start3A_138 : memref<10000x72xf32, #tpu.memory_space<hbm>>) target(%arg9 : memref<128x72xf32, #tpu.memory_space<vmem>>) offsets(%dma_start3A_131 : memref<128xi32, #tpu.memory_space<vmem>>) semaphore(%arg14 : memref<!tpu.dma_semaphore, #tpu.memory_space<semaphore_mem>>)
        } else {
        }
      } else {
      }
    }
    %scan3A_37 = arith.constant 40 : i32
    %dma_wait3A = arith.constant 0 : i32
    %dma_wait3A_38 = arith.constant 0 : i32
    %dma_wait3A_39 = tpu.memref_slice %arg7[%dma_wait3A, %dma_wait3A_38] : memref<157x128xi32, #tpu.memory_space<vmem>> -> memref<1x128xi32, #tpu.memory_space<vmem>>
    %dma_wait3A_40 = tpu.memref_squeeze %dma_wait3A_39 : memref<1x128xi32, #tpu.memory_space<vmem>> -> memref<128xi32, #tpu.memory_space<vmem>>
    %dma_wait3A_41 = arith.constant 0 : i32
    %dma_wait3A_42 = arith.constant 0 : i32
    %dma_wait3A_43 = tpu.memref_slice %arg12[%dma_wait3A_41, %dma_wait3A_42] : memref<10240x72xf32, #tpu.memory_space<vmem_shared>> -> memref<10240x72xf32, #tpu.memory_space<vmem_shared>>
    tpu.wait_indirect_dma semaphore(%arg17 : memref<!tpu.dma_semaphore, #tpu.memory_space<semaphore_mem>>) src(%arg8 : memref<128x72xf32, #tpu.memory_space<vmem>>) dst(%dma_wait3A_43 : memref<10240x72xf32, #tpu.memory_space<vmem_shared>>)
    %dma_wait3A_44 = arith.constant 0 : i32
    %dma_wait3A_45 = arith.constant 0 : i32
    %dma_wait3A_46 = tpu.memref_slice %arg7[%dma_wait3A_44, %dma_wait3A_45] : memref<157x128xi32, #tpu.memory_space<vmem>> -> memref<1x128xi32, #tpu.memory_space<vmem>>
    %dma_wait3A_47 = tpu.memref_squeeze %dma_wait3A_46 : memref<1x128xi32, #tpu.memory_space<vmem>> -> memref<128xi32, #tpu.memory_space<vmem>>
    %dma_wait3A_48 = arith.constant 0 : i32
    %dma_wait3A_49 = arith.constant 0 : i32
    %dma_wait3A_50 = tpu.memref_slice %arg12[%dma_wait3A_48, %dma_wait3A_49] : memref<10240x72xf32, #tpu.memory_space<vmem_shared>> -> memref<10240x72xf32, #tpu.memory_space<vmem_shared>>
    tpu.wait_indirect_dma semaphore(%arg18 : memref<!tpu.dma_semaphore, #tpu.memory_space<semaphore_mem>>) src(%arg9 : memref<128x72xf32, #tpu.memory_space<vmem>>) dst(%dma_wait3A_50 : memref<10240x72xf32, #tpu.memory_space<vmem_shared>>)
    %dma_wait3A_51 = arith.constant 0 : i32
    %dma_wait3A_52 = arith.constant 0 : i32
    %dma_wait3A_53 = tpu.memref_slice %arg7[%dma_wait3A_51, %dma_wait3A_52] : memref<157x128xi32, #tpu.memory_space<vmem>> -> memref<1x128xi32, #tpu.memory_space<vmem>>
    %dma_wait3A_54 = tpu.memref_squeeze %dma_wait3A_53 : memref<1x128xi32, #tpu.memory_space<vmem>> -> memref<128xi32, #tpu.memory_space<vmem>>
    %dma_wait3A_55 = arith.constant 0 : i32
    %dma_wait3A_56 = arith.constant 0 : i32
    %dma_wait3A_57 = tpu.memref_slice %arg12[%dma_wait3A_55, %dma_wait3A_56] : memref<10240x72xf32, #tpu.memory_space<vmem_shared>> -> memref<10240x72xf32, #tpu.memory_space<vmem_shared>>
    tpu.wait_indirect_dma semaphore(%arg19 : memref<!tpu.dma_semaphore, #tpu.memory_space<semaphore_mem>>) src(%arg10 : memref<128x72xf32, #tpu.memory_space<vmem>>) dst(%dma_wait3A_57 : memref<10240x72xf32, #tpu.memory_space<vmem_shared>>)
    %dma_wait3A_58 = arith.constant 0 : i32
    %dma_wait3A_59 = arith.constant 0 : i32
    %dma_wait3A_60 = tpu.memref_slice %arg7[%dma_wait3A_58, %dma_wait3A_59] : memref<157x128xi32, #tpu.memory_space<vmem>> -> memref<1x128xi32, #tpu.memory_space<vmem>>
    %dma_wait3A_61 = tpu.memref_squeeze %dma_wait3A_60 : memref<1x128xi32, #tpu.memory_space<vmem>> -> memref<128xi32, #tpu.memory_space<vmem>>
    %dma_wait3A_62 = arith.constant 0 : i32
    %dma_wait3A_63 = arith.constant 0 : i32
    %dma_wait3A_64 = tpu.memref_slice %arg12[%dma_wait3A_62, %dma_wait3A_63] : memref<10240x72xf32, #tpu.memory_space<vmem_shared>> -> memref<10240x72xf32, #tpu.memory_space<vmem_shared>>
    tpu.wait_indirect_dma semaphore(%arg20 : memref<!tpu.dma_semaphore, #tpu.memory_space<semaphore_mem>>) src(%arg11 : memref<128x72xf32, #tpu.memory_space<vmem>>) dst(%dma_wait3A_64 : memref<10240x72xf32, #tpu.memory_space<vmem_shared>>)
    %barrier3A_65 = arith.constant 0 : index
    tpu.barrier barrier_id(%barrier3A_65)
    "tpu.region"() ({
      %run_scoped3A_66 = tpu.sem_alloc : memref<!tpu.dma_semaphore, #tpu.memory_space<semaphore_mem>>
      %dma_start3A_67 = arith.constant 0 : i32
      %dma_start3A_68 = tpu.memref_slice %arg5[%arg0, %mul3A_8, %dma_start3A_67] : memref<2x10240x72xf32, #tpu.memory_space<hbm>> -> memref<1x640x72xf32, #tpu.memory_space<hbm>>
      %dma_start3A_69 = tpu.memref_squeeze %dma_start3A_68 : memref<1x640x72xf32, #tpu.memory_space<hbm>> -> memref<640x72xf32, #tpu.memory_space<hbm>>
      %dma_start3A_70 = arith.constant 0 : i32
      %dma_start3A_71 = tpu.memref_slice %arg12[%mul3A_8, %dma_start3A_70] : memref<10240x72xf32, #tpu.memory_space<vmem_shared>> -> memref<640x72xf32, #tpu.memory_space<vmem_shared>>
      tpu.enqueue_dma source(%dma_start3A_71 : memref<640x72xf32, #tpu.memory_space<vmem_shared>>) target(%dma_start3A_69 : memref<640x72xf32, #tpu.memory_space<hbm>>) target_semaphore(%run_scoped3A_66 : memref<!tpu.dma_semaphore, #tpu.memory_space<semaphore_mem>>)
      %dma_wait3A_72 = arith.constant 0 : i32
      %dma_wait3A_73 = tpu.memref_slice %arg5[%arg0, %mul3A_8, %dma_wait3A_72] : memref<2x10240x72xf32, #tpu.memory_space<hbm>> -> memref<1x640x72xf32, #tpu.memory_space<hbm>>
      %dma_wait3A_74 = tpu.memref_squeeze %dma_wait3A_73 : memref<1x640x72xf32, #tpu.memory_space<hbm>> -> memref<640x72xf32, #tpu.memory_space<hbm>>
      %dma_wait3A_75 = arith.constant 0 : i32
      %dma_wait3A_76 = tpu.memref_slice %arg12[%mul3A_8, %dma_wait3A_75] : memref<10240x72xf32, #tpu.memory_space<vmem_shared>> -> memref<640x72xf32, #tpu.memory_space<vmem_shared>>
      tpu.wait_dma2 semaphore(%run_scoped3A_66 : memref<!tpu.dma_semaphore, #tpu.memory_space<semaphore_mem>>) src(%dma_wait3A_76 : memref<640x72xf32, #tpu.memory_space<vmem_shared>>) dst(%dma_wait3A_74 : memref<640x72xf32, #tpu.memory_space<hbm>>)
      tpu.yield
    }) : () -> ()
    return
  }
}

#map = affine_map<(d0, d1) -> (0, 0, 0)>
#map1 = affine_map<(d0, d1) -> (0, 0)>
module attributes {stable_mosaic.version = 14 : i64} {
  func.func @deg_kernel(%arg0: i32, %arg1: i32, %arg2: memref<2x2500x128xi32, #tpu.memory_space<hbm>>, %arg3: memref<128x16xf32, #tpu.memory_space<hbm>>, %arg4: memref<10240x16xf32, #tpu.memory_space<hbm>>, %arg5: memref<2x10240x16xf32, #tpu.memory_space<hbm>>, %arg6: memref<2x10240x16xf32, #tpu.memory_space<hbm>>, %arg7: memref<79x128xi32, #tpu.memory_space<vmem>>, %arg8: memref<79x128xi32, #tpu.memory_space<vmem>>, %arg9: memref<128x16xf32, #tpu.memory_space<vmem>>, %arg10: memref<10240x16xf32, #tpu.memory_space<vmem_shared>>, %arg11: memref<10240x16xf32, #tpu.memory_space<vmem_shared>>, %arg12: memref<!tpu.dma_semaphore, #tpu.memory_space<semaphore_mem>>, %arg13: memref<!tpu.dma_semaphore, #tpu.memory_space<semaphore_mem>>, %arg14: memref<!tpu.dma_semaphore, #tpu.memory_space<semaphore_mem>>, %arg15: memref<!tpu.dma_semaphore, #tpu.memory_space<semaphore_mem>>, %arg16: memref<!tpu.dma_semaphore, #tpu.memory_space<semaphore_mem>>, %arg17: memref<!tpu.dma_semaphore, #tpu.memory_space<semaphore_mem>>, %arg18: memref<!tpu.dma_semaphore, #tpu.memory_space<semaphore_mem>>, %arg19: memref<!tpu.dma_semaphore, #tpu.memory_space<semaphore_mem>>) attributes {dimension_semantics = [#tpu.dimension_semantics<core_parallel>, #tpu.dimension_semantics<subcore_parallel>], iteration_bounds = array<i64: 2, 16>, scalar_prefetch = 0 : i64, scratch_operands = 13 : i64, tpu.core_type = #tpu.core_type<sc_vector_subcore>, window_params = [{transform_indices = #map}, {transform_indices = #map1}, {transform_indices = #map1}, {transform_indices = #map}, {transform_indices = #map}]} {
    %mul3A = arith.constant 16 : i32
    %mul3A_0 = arith.muli %arg0, %mul3A : i32
    %add3A = arith.addi %mul3A_0, %arg1 : i32
    %mul3A_1 = arith.constant 78 : i32
    %mul3A_2 = arith.muli %add3A, %mul3A_1 : i32
    %min3A = arith.constant 4 : i32
    %min3A_3 = arith.minsi %add3A, %min3A : i32
    %add3A_4 = arith.addi %mul3A_2, %min3A_3 : i32
    %lt3A = arith.constant 4 : i32
    %lt3A_5 = arith.cmpi slt, %add3A, %lt3A : i32
    %convert_element_type3A = arith.extui %lt3A_5 : i1 to i32
    %add3A_6 = arith.constant 78 : i32
    %add3A_7 = arith.addi %add3A_6, %convert_element_type3A : i32
    %min3A_8 = arith.constant 2421 : i32
    %min3A_9 = arith.minsi %add3A_4, %min3A_8 : i32
    %sub3A = arith.subi %add3A_4, %min3A_9 : i32
    %mul3A_10 = arith.constant 640 : i32
    %mul3A_11 = arith.muli %arg1, %mul3A_10 : i32
    %run_scoped3A = arith.constant 0 : i32
    "tpu.region"() ({
      %run_scoped3A_74 = tpu.sem_alloc : memref<!tpu.dma_semaphore, #tpu.memory_space<semaphore_mem>>
      %dma_start3A = arith.constant 0 : i32
      %dma_start3A_75 = tpu.memref_slice %arg2[%run_scoped3A, %min3A_9, %dma_start3A] : memref<2x2500x128xi32, #tpu.memory_space<hbm>> -> memref<1x79x128xi32, #tpu.memory_space<hbm>>
      %dma_start3A_76 = tpu.memref_squeeze %dma_start3A_75 : memref<1x79x128xi32, #tpu.memory_space<hbm>> -> memref<79x128xi32, #tpu.memory_space<hbm>>
      %dma_start3A_77 = arith.constant 0 : i32
      %dma_start3A_78 = tpu.memref_slice %arg2[%run_scoped3A, %min3A_9, %dma_start3A_77] : memref<2x2500x128xi32, #tpu.memory_space<hbm>> -> memref<1x79x128xi32, #tpu.memory_space<hbm>>
      %dma_start3A_79 = tpu.memref_squeeze %dma_start3A_78 : memref<1x79x128xi32, #tpu.memory_space<hbm>> -> memref<79x128xi32, #tpu.memory_space<hbm>>
      tpu.enqueue_dma source(%dma_start3A_79 : memref<79x128xi32, #tpu.memory_space<hbm>>) target(%arg7 : memref<79x128xi32, #tpu.memory_space<vmem>>) target_semaphore(%run_scoped3A_74 : memref<!tpu.dma_semaphore, #tpu.memory_space<semaphore_mem>>)
      %dma_wait3A_80 = arith.constant 0 : i32
      %dma_wait3A_81 = tpu.memref_slice %arg2[%run_scoped3A, %min3A_9, %dma_wait3A_80] : memref<2x2500x128xi32, #tpu.memory_space<hbm>> -> memref<1x79x128xi32, #tpu.memory_space<hbm>>
      %dma_wait3A_82 = tpu.memref_squeeze %dma_wait3A_81 : memref<1x79x128xi32, #tpu.memory_space<hbm>> -> memref<79x128xi32, #tpu.memory_space<hbm>>
      %dma_wait3A_83 = arith.constant 0 : i32
      %dma_wait3A_84 = tpu.memref_slice %arg2[%run_scoped3A, %min3A_9, %dma_wait3A_83] : memref<2x2500x128xi32, #tpu.memory_space<hbm>> -> memref<1x79x128xi32, #tpu.memory_space<hbm>>
      %dma_wait3A_85 = tpu.memref_squeeze %dma_wait3A_84 : memref<1x79x128xi32, #tpu.memory_space<hbm>> -> memref<79x128xi32, #tpu.memory_space<hbm>>
      tpu.wait_dma2 semaphore(%run_scoped3A_74 : memref<!tpu.dma_semaphore, #tpu.memory_space<semaphore_mem>>) src(%dma_wait3A_85 : memref<79x128xi32, #tpu.memory_space<hbm>>) dst(%arg7 : memref<79x128xi32, #tpu.memory_space<vmem>>)
      tpu.yield
    }) : () -> ()
    %run_scoped3A_12 = arith.constant 1 : i32
    "tpu.region"() ({
      %run_scoped3A_74 = tpu.sem_alloc : memref<!tpu.dma_semaphore, #tpu.memory_space<semaphore_mem>>
      %dma_start3A = arith.constant 0 : i32
      %dma_start3A_75 = tpu.memref_slice %arg2[%run_scoped3A_12, %min3A_9, %dma_start3A] : memref<2x2500x128xi32, #tpu.memory_space<hbm>> -> memref<1x79x128xi32, #tpu.memory_space<hbm>>
      %dma_start3A_76 = tpu.memref_squeeze %dma_start3A_75 : memref<1x79x128xi32, #tpu.memory_space<hbm>> -> memref<79x128xi32, #tpu.memory_space<hbm>>
      %dma_start3A_77 = arith.constant 0 : i32
      %dma_start3A_78 = tpu.memref_slice %arg2[%run_scoped3A_12, %min3A_9, %dma_start3A_77] : memref<2x2500x128xi32, #tpu.memory_space<hbm>> -> memref<1x79x128xi32, #tpu.memory_space<hbm>>
      %dma_start3A_79 = tpu.memref_squeeze %dma_start3A_78 : memref<1x79x128xi32, #tpu.memory_space<hbm>> -> memref<79x128xi32, #tpu.memory_space<hbm>>
      tpu.enqueue_dma source(%dma_start3A_79 : memref<79x128xi32, #tpu.memory_space<hbm>>) target(%arg8 : memref<79x128xi32, #tpu.memory_space<vmem>>) target_semaphore(%run_scoped3A_74 : memref<!tpu.dma_semaphore, #tpu.memory_space<semaphore_mem>>)
      %dma_wait3A_80 = arith.constant 0 : i32
      %dma_wait3A_81 = tpu.memref_slice %arg2[%run_scoped3A_12, %min3A_9, %dma_wait3A_80] : memref<2x2500x128xi32, #tpu.memory_space<hbm>> -> memref<1x79x128xi32, #tpu.memory_space<hbm>>
      %dma_wait3A_82 = tpu.memref_squeeze %dma_wait3A_81 : memref<1x79x128xi32, #tpu.memory_space<hbm>> -> memref<79x128xi32, #tpu.memory_space<hbm>>
      %dma_wait3A_83 = arith.constant 0 : i32
      %dma_wait3A_84 = tpu.memref_slice %arg2[%run_scoped3A_12, %min3A_9, %dma_wait3A_83] : memref<2x2500x128xi32, #tpu.memory_space<hbm>> -> memref<1x79x128xi32, #tpu.memory_space<hbm>>
      %dma_wait3A_85 = tpu.memref_squeeze %dma_wait3A_84 : memref<1x79x128xi32, #tpu.memory_space<hbm>> -> memref<79x128xi32, #tpu.memory_space<hbm>>
      tpu.wait_dma2 semaphore(%run_scoped3A_74 : memref<!tpu.dma_semaphore, #tpu.memory_space<semaphore_mem>>) src(%dma_wait3A_85 : memref<79x128xi32, #tpu.memory_space<hbm>>) dst(%arg8 : memref<79x128xi32, #tpu.memory_space<vmem>>)
      tpu.yield
    }) : () -> ()
    "tpu.region"() ({
      %run_scoped3A_74 = tpu.sem_alloc : memref<!tpu.dma_semaphore, #tpu.memory_space<semaphore_mem>>
      tpu.enqueue_dma source(%arg3 : memref<128x16xf32, #tpu.memory_space<hbm>>) target(%arg9 : memref<128x16xf32, #tpu.memory_space<vmem>>) target_semaphore(%run_scoped3A_74 : memref<!tpu.dma_semaphore, #tpu.memory_space<semaphore_mem>>)
      tpu.wait_dma2 semaphore(%run_scoped3A_74 : memref<!tpu.dma_semaphore, #tpu.memory_space<semaphore_mem>>) src(%arg3 : memref<128x16xf32, #tpu.memory_space<hbm>>) dst(%arg9 : memref<128x16xf32, #tpu.memory_space<vmem>>)
      tpu.yield
    }) : () -> ()
    "tpu.region"() ({
      %run_scoped3A_74 = tpu.sem_alloc : memref<!tpu.dma_semaphore, #tpu.memory_space<semaphore_mem>>
      %dma_start3A = arith.constant 0 : i32
      %dma_start3A_75 = tpu.memref_slice %arg10[%mul3A_11, %dma_start3A] : memref<10240x16xf32, #tpu.memory_space<vmem_shared>> -> memref<640x16xf32, #tpu.memory_space<vmem_shared>>
      %dma_start3A_76 = arith.constant 0 : i32
      %dma_start3A_77 = tpu.memref_slice %arg4[%mul3A_11, %dma_start3A_76] : memref<10240x16xf32, #tpu.memory_space<hbm>> -> memref<640x16xf32, #tpu.memory_space<hbm>>
      tpu.enqueue_dma source(%dma_start3A_77 : memref<640x16xf32, #tpu.memory_space<hbm>>) target(%dma_start3A_75 : memref<640x16xf32, #tpu.memory_space<vmem_shared>>) target_semaphore(%run_scoped3A_74 : memref<!tpu.dma_semaphore, #tpu.memory_space<semaphore_mem>>)
      %dma_wait3A_78 = arith.constant 0 : i32
      %dma_wait3A_79 = tpu.memref_slice %arg10[%mul3A_11, %dma_wait3A_78] : memref<10240x16xf32, #tpu.memory_space<vmem_shared>> -> memref<640x16xf32, #tpu.memory_space<vmem_shared>>
      %dma_wait3A_80 = arith.constant 0 : i32
      %dma_wait3A_81 = tpu.memref_slice %arg4[%mul3A_11, %dma_wait3A_80] : memref<10240x16xf32, #tpu.memory_space<hbm>> -> memref<640x16xf32, #tpu.memory_space<hbm>>
      tpu.wait_dma2 semaphore(%run_scoped3A_74 : memref<!tpu.dma_semaphore, #tpu.memory_space<semaphore_mem>>) src(%dma_wait3A_81 : memref<640x16xf32, #tpu.memory_space<hbm>>) dst(%dma_wait3A_79 : memref<640x16xf32, #tpu.memory_space<vmem_shared>>)
      tpu.yield
    }) : () -> ()
    "tpu.region"() ({
      %run_scoped3A_74 = tpu.sem_alloc : memref<!tpu.dma_semaphore, #tpu.memory_space<semaphore_mem>>
      %dma_start3A = arith.constant 0 : i32
      %dma_start3A_75 = tpu.memref_slice %arg11[%mul3A_11, %dma_start3A] : memref<10240x16xf32, #tpu.memory_space<vmem_shared>> -> memref<640x16xf32, #tpu.memory_space<vmem_shared>>
      %dma_start3A_76 = arith.constant 0 : i32
      %dma_start3A_77 = tpu.memref_slice %arg4[%mul3A_11, %dma_start3A_76] : memref<10240x16xf32, #tpu.memory_space<hbm>> -> memref<640x16xf32, #tpu.memory_space<hbm>>
      tpu.enqueue_dma source(%dma_start3A_77 : memref<640x16xf32, #tpu.memory_space<hbm>>) target(%dma_start3A_75 : memref<640x16xf32, #tpu.memory_space<vmem_shared>>) target_semaphore(%run_scoped3A_74 : memref<!tpu.dma_semaphore, #tpu.memory_space<semaphore_mem>>)
      %dma_wait3A_78 = arith.constant 0 : i32
      %dma_wait3A_79 = tpu.memref_slice %arg11[%mul3A_11, %dma_wait3A_78] : memref<10240x16xf32, #tpu.memory_space<vmem_shared>> -> memref<640x16xf32, #tpu.memory_space<vmem_shared>>
      %dma_wait3A_80 = arith.constant 0 : i32
      %dma_wait3A_81 = tpu.memref_slice %arg4[%mul3A_11, %dma_wait3A_80] : memref<10240x16xf32, #tpu.memory_space<hbm>> -> memref<640x16xf32, #tpu.memory_space<hbm>>
      tpu.wait_dma2 semaphore(%run_scoped3A_74 : memref<!tpu.dma_semaphore, #tpu.memory_space<semaphore_mem>>) src(%dma_wait3A_81 : memref<640x16xf32, #tpu.memory_space<hbm>>) dst(%dma_wait3A_79 : memref<640x16xf32, #tpu.memory_space<vmem_shared>>)
      tpu.yield
    }) : () -> ()
    %barrier3A = arith.constant 0 : index
    tpu.barrier barrier_id(%barrier3A)
    %scan3A = arith.constant 0 : i32
    %scan3A_13 = arith.constant 0 : i32
    %scan3A_14 = arith.constant 20 : i32
    %scan3A_15 = arith.addi %scan3A_13, %scan3A_14 : i32
    %scan3A_16 = arith.constant 1 : i32
    scf.for %scan3A_74 = %scan3A_13 to %scan3A_15 step %scan3A_16  : i32 {
      %mul3A_75 = arith.constant 4 : i32
      %mul3A_76 = arith.muli %scan3A_74, %mul3A_75 : i32
      %add3A_77 = arith.constant 0 : i32
      %add3A_78 = arith.addi %mul3A_76, %add3A_77 : i32
      %lt3A_79 = arith.cmpi slt, %add3A_78, %add3A_7 : i32
      %convert_element_type3A_80 = arith.extui %lt3A_79 : i1 to i32
      %cond3A = arith.constant 0 : i32
      %cond3A_81 = arith.cmpi ne, %convert_element_type3A_80, %cond3A : i32
      scf.if %cond3A_81 {
        %ge3A = arith.constant 4 : i32
        %ge3A_106 = arith.cmpi sge, %add3A_78, %ge3A : i32
        %convert_element_type3A_107 = arith.extui %ge3A_106 : i1 to i32
        %cond3A_108 = arith.constant 0 : i32
        %cond3A_109 = arith.cmpi ne, %convert_element_type3A_107, %cond3A_108 : i32
        scf.if %cond3A_109 {
          %dma_wait3A_123 = arith.constant 0 : i32
          %dma_wait3A_124 = arith.constant 0 : i32
          %dma_wait3A_125 = tpu.memref_slice %arg7[%dma_wait3A_123, %dma_wait3A_124] : memref<79x128xi32, #tpu.memory_space<vmem>> -> memref<1x128xi32, #tpu.memory_space<vmem>>
          %dma_wait3A_126 = tpu.memref_squeeze %dma_wait3A_125 : memref<1x128xi32, #tpu.memory_space<vmem>> -> memref<128xi32, #tpu.memory_space<vmem>>
          %dma_wait3A_127 = arith.constant 0 : i32
          %dma_wait3A_128 = arith.constant 0 : i32
          %dma_wait3A_129 = tpu.memref_slice %arg10[%dma_wait3A_127, %dma_wait3A_128] : memref<10240x16xf32, #tpu.memory_space<vmem_shared>> -> memref<10240x16xf32, #tpu.memory_space<vmem_shared>>
          tpu.wait_indirect_dma semaphore(%arg12 : memref<!tpu.dma_semaphore, #tpu.memory_space<semaphore_mem>>) src(%arg9 : memref<128x16xf32, #tpu.memory_space<vmem>>) dst(%dma_wait3A_129 : memref<10240x16xf32, #tpu.memory_space<vmem_shared>>)
          %dma_wait3A_130 = arith.constant 0 : i32
          %dma_wait3A_131 = arith.constant 0 : i32
          %dma_wait3A_132 = tpu.memref_slice %arg8[%dma_wait3A_130, %dma_wait3A_131] : memref<79x128xi32, #tpu.memory_space<vmem>> -> memref<1x128xi32, #tpu.memory_space<vmem>>
          %dma_wait3A_133 = tpu.memref_squeeze %dma_wait3A_132 : memref<1x128xi32, #tpu.memory_space<vmem>> -> memref<128xi32, #tpu.memory_space<vmem>>
          %dma_wait3A_134 = arith.constant 0 : i32
          %dma_wait3A_135 = arith.constant 0 : i32
          %dma_wait3A_136 = tpu.memref_slice %arg11[%dma_wait3A_134, %dma_wait3A_135] : memref<10240x16xf32, #tpu.memory_space<vmem_shared>> -> memref<10240x16xf32, #tpu.memory_space<vmem_shared>>
          tpu.wait_indirect_dma semaphore(%arg16 : memref<!tpu.dma_semaphore, #tpu.memory_space<semaphore_mem>>) src(%arg9 : memref<128x16xf32, #tpu.memory_space<vmem>>) dst(%dma_wait3A_136 : memref<10240x16xf32, #tpu.memory_space<vmem_shared>>)
        } else {
        }
        %add3A_110 = arith.addi %add3A_78, %sub3A : i32
        %dma_start3A = arith.constant 0 : i32
        %dma_start3A_111 = tpu.memref_slice %arg7[%add3A_110, %dma_start3A] : memref<79x128xi32, #tpu.memory_space<vmem>> -> memref<1x128xi32, #tpu.memory_space<vmem>>
        %dma_start3A_112 = tpu.memref_squeeze %dma_start3A_111 : memref<1x128xi32, #tpu.memory_space<vmem>> -> memref<128xi32, #tpu.memory_space<vmem>>
        %dma_start3A_113 = arith.constant 0 : i32
        %dma_start3A_114 = arith.constant 0 : i32
        %dma_start3A_115 = tpu.memref_slice %arg10[%dma_start3A_113, %dma_start3A_114] : memref<10240x16xf32, #tpu.memory_space<vmem_shared>> -> memref<10240x16xf32, #tpu.memory_space<vmem_shared>>
        tpu.enqueue_indirect_dma source(%arg9 : memref<128x16xf32, #tpu.memory_space<vmem>>) target(%dma_start3A_115 : memref<10240x16xf32, #tpu.memory_space<vmem_shared>>) offsets(%dma_start3A_112 : memref<128xi32, #tpu.memory_space<vmem>>) semaphore(%arg12 : memref<!tpu.dma_semaphore, #tpu.memory_space<semaphore_mem>>) {add = true}
        %add3A_116 = arith.addi %add3A_78, %sub3A : i32
        %dma_start3A_117 = arith.constant 0 : i32
        %dma_start3A_118 = tpu.memref_slice %arg8[%add3A_116, %dma_start3A_117] : memref<79x128xi32, #tpu.memory_space<vmem>> -> memref<1x128xi32, #tpu.memory_space<vmem>>
        %dma_start3A_119 = tpu.memref_squeeze %dma_start3A_118 : memref<1x128xi32, #tpu.memory_space<vmem>> -> memref<128xi32, #tpu.memory_space<vmem>>
        %dma_start3A_120 = arith.constant 0 : i32
        %dma_start3A_121 = arith.constant 0 : i32
        %dma_start3A_122 = tpu.memref_slice %arg11[%dma_start3A_120, %dma_start3A_121] : memref<10240x16xf32, #tpu.memory_space<vmem_shared>> -> memref<10240x16xf32, #tpu.memory_space<vmem_shared>>
        tpu.enqueue_indirect_dma source(%arg9 : memref<128x16xf32, #tpu.memory_space<vmem>>) target(%dma_start3A_122 : memref<10240x16xf32, #tpu.memory_space<vmem_shared>>) offsets(%dma_start3A_119 : memref<128xi32, #tpu.memory_space<vmem>>) semaphore(%arg16 : memref<!tpu.dma_semaphore, #tpu.memory_space<semaphore_mem>>) {add = true}
      } else {
      }
      %mul3A_82 = arith.constant 4 : i32
      %mul3A_83 = arith.muli %scan3A_74, %mul3A_82 : i32
      %add3A_84 = arith.constant 1 : i32
      %add3A_85 = arith.addi %mul3A_83, %add3A_84 : i32
      %lt3A_86 = arith.cmpi slt, %add3A_85, %add3A_7 : i32
      %convert_element_type3A_87 = arith.extui %lt3A_86 : i1 to i32
      %cond3A_88 = arith.constant 0 : i32
      %cond3A_89 = arith.cmpi ne, %convert_element_type3A_87, %cond3A_88 : i32
      scf.if %cond3A_89 {
        %ge3A = arith.constant 4 : i32
        %ge3A_106 = arith.cmpi sge, %add3A_85, %ge3A : i32
        %convert_element_type3A_107 = arith.extui %ge3A_106 : i1 to i32
        %cond3A_108 = arith.constant 0 : i32
        %cond3A_109 = arith.cmpi ne, %convert_element_type3A_107, %cond3A_108 : i32
        scf.if %cond3A_109 {
          %dma_wait3A_123 = arith.constant 0 : i32
          %dma_wait3A_124 = arith.constant 0 : i32
          %dma_wait3A_125 = tpu.memref_slice %arg7[%dma_wait3A_123, %dma_wait3A_124] : memref<79x128xi32, #tpu.memory_space<vmem>> -> memref<1x128xi32, #tpu.memory_space<vmem>>
          %dma_wait3A_126 = tpu.memref_squeeze %dma_wait3A_125 : memref<1x128xi32, #tpu.memory_space<vmem>> -> memref<128xi32, #tpu.memory_space<vmem>>
          %dma_wait3A_127 = arith.constant 0 : i32
          %dma_wait3A_128 = arith.constant 0 : i32
          %dma_wait3A_129 = tpu.memref_slice %arg10[%dma_wait3A_127, %dma_wait3A_128] : memref<10240x16xf32, #tpu.memory_space<vmem_shared>> -> memref<10240x16xf32, #tpu.memory_space<vmem_shared>>
          tpu.wait_indirect_dma semaphore(%arg13 : memref<!tpu.dma_semaphore, #tpu.memory_space<semaphore_mem>>) src(%arg9 : memref<128x16xf32, #tpu.memory_space<vmem>>) dst(%dma_wait3A_129 : memref<10240x16xf32, #tpu.memory_space<vmem_shared>>)
          %dma_wait3A_130 = arith.constant 0 : i32
          %dma_wait3A_131 = arith.constant 0 : i32
          %dma_wait3A_132 = tpu.memref_slice %arg8[%dma_wait3A_130, %dma_wait3A_131] : memref<79x128xi32, #tpu.memory_space<vmem>> -> memref<1x128xi32, #tpu.memory_space<vmem>>
          %dma_wait3A_133 = tpu.memref_squeeze %dma_wait3A_132 : memref<1x128xi32, #tpu.memory_space<vmem>> -> memref<128xi32, #tpu.memory_space<vmem>>
          %dma_wait3A_134 = arith.constant 0 : i32
          %dma_wait3A_135 = arith.constant 0 : i32
          %dma_wait3A_136 = tpu.memref_slice %arg11[%dma_wait3A_134, %dma_wait3A_135] : memref<10240x16xf32, #tpu.memory_space<vmem_shared>> -> memref<10240x16xf32, #tpu.memory_space<vmem_shared>>
          tpu.wait_indirect_dma semaphore(%arg17 : memref<!tpu.dma_semaphore, #tpu.memory_space<semaphore_mem>>) src(%arg9 : memref<128x16xf32, #tpu.memory_space<vmem>>) dst(%dma_wait3A_136 : memref<10240x16xf32, #tpu.memory_space<vmem_shared>>)
        } else {
        }
        %add3A_110 = arith.addi %add3A_85, %sub3A : i32
        %dma_start3A = arith.constant 0 : i32
        %dma_start3A_111 = tpu.memref_slice %arg7[%add3A_110, %dma_start3A] : memref<79x128xi32, #tpu.memory_space<vmem>> -> memref<1x128xi32, #tpu.memory_space<vmem>>
        %dma_start3A_112 = tpu.memref_squeeze %dma_start3A_111 : memref<1x128xi32, #tpu.memory_space<vmem>> -> memref<128xi32, #tpu.memory_space<vmem>>
        %dma_start3A_113 = arith.constant 0 : i32
        %dma_start3A_114 = arith.constant 0 : i32
        %dma_start3A_115 = tpu.memref_slice %arg10[%dma_start3A_113, %dma_start3A_114] : memref<10240x16xf32, #tpu.memory_space<vmem_shared>> -> memref<10240x16xf32, #tpu.memory_space<vmem_shared>>
        tpu.enqueue_indirect_dma source(%arg9 : memref<128x16xf32, #tpu.memory_space<vmem>>) target(%dma_start3A_115 : memref<10240x16xf32, #tpu.memory_space<vmem_shared>>) offsets(%dma_start3A_112 : memref<128xi32, #tpu.memory_space<vmem>>) semaphore(%arg13 : memref<!tpu.dma_semaphore, #tpu.memory_space<semaphore_mem>>) {add = true}
        %add3A_116 = arith.addi %add3A_85, %sub3A : i32
        %dma_start3A_117 = arith.constant 0 : i32
        %dma_start3A_118 = tpu.memref_slice %arg8[%add3A_116, %dma_start3A_117] : memref<79x128xi32, #tpu.memory_space<vmem>> -> memref<1x128xi32, #tpu.memory_space<vmem>>
        %dma_start3A_119 = tpu.memref_squeeze %dma_start3A_118 : memref<1x128xi32, #tpu.memory_space<vmem>> -> memref<128xi32, #tpu.memory_space<vmem>>
        %dma_start3A_120 = arith.constant 0 : i32
        %dma_start3A_121 = arith.constant 0 : i32
        %dma_start3A_122 = tpu.memref_slice %arg11[%dma_start3A_120, %dma_start3A_121] : memref<10240x16xf32, #tpu.memory_space<vmem_shared>> -> memref<10240x16xf32, #tpu.memory_space<vmem_shared>>
        tpu.enqueue_indirect_dma source(%arg9 : memref<128x16xf32, #tpu.memory_space<vmem>>) target(%dma_start3A_122 : memref<10240x16xf32, #tpu.memory_space<vmem_shared>>) offsets(%dma_start3A_119 : memref<128xi32, #tpu.memory_space<vmem>>) semaphore(%arg17 : memref<!tpu.dma_semaphore, #tpu.memory_space<semaphore_mem>>) {add = true}
      } else {
      }
      %mul3A_90 = arith.constant 4 : i32
      %mul3A_91 = arith.muli %scan3A_74, %mul3A_90 : i32
      %add3A_92 = arith.constant 2 : i32
      %add3A_93 = arith.addi %mul3A_91, %add3A_92 : i32
      %lt3A_94 = arith.cmpi slt, %add3A_93, %add3A_7 : i32
      %convert_element_type3A_95 = arith.extui %lt3A_94 : i1 to i32
      %cond3A_96 = arith.constant 0 : i32
      %cond3A_97 = arith.cmpi ne, %convert_element_type3A_95, %cond3A_96 : i32
      scf.if %cond3A_97 {
        %ge3A = arith.constant 4 : i32
        %ge3A_106 = arith.cmpi sge, %add3A_93, %ge3A : i32
        %convert_element_type3A_107 = arith.extui %ge3A_106 : i1 to i32
        %cond3A_108 = arith.constant 0 : i32
        %cond3A_109 = arith.cmpi ne, %convert_element_type3A_107, %cond3A_108 : i32
        scf.if %cond3A_109 {
          %dma_wait3A_123 = arith.constant 0 : i32
          %dma_wait3A_124 = arith.constant 0 : i32
          %dma_wait3A_125 = tpu.memref_slice %arg7[%dma_wait3A_123, %dma_wait3A_124] : memref<79x128xi32, #tpu.memory_space<vmem>> -> memref<1x128xi32, #tpu.memory_space<vmem>>
          %dma_wait3A_126 = tpu.memref_squeeze %dma_wait3A_125 : memref<1x128xi32, #tpu.memory_space<vmem>> -> memref<128xi32, #tpu.memory_space<vmem>>
          %dma_wait3A_127 = arith.constant 0 : i32
          %dma_wait3A_128 = arith.constant 0 : i32
          %dma_wait3A_129 = tpu.memref_slice %arg10[%dma_wait3A_127, %dma_wait3A_128] : memref<10240x16xf32, #tpu.memory_space<vmem_shared>> -> memref<10240x16xf32, #tpu.memory_space<vmem_shared>>
          tpu.wait_indirect_dma semaphore(%arg14 : memref<!tpu.dma_semaphore, #tpu.memory_space<semaphore_mem>>) src(%arg9 : memref<128x16xf32, #tpu.memory_space<vmem>>) dst(%dma_wait3A_129 : memref<10240x16xf32, #tpu.memory_space<vmem_shared>>)
          %dma_wait3A_130 = arith.constant 0 : i32
          %dma_wait3A_131 = arith.constant 0 : i32
          %dma_wait3A_132 = tpu.memref_slice %arg8[%dma_wait3A_130, %dma_wait3A_131] : memref<79x128xi32, #tpu.memory_space<vmem>> -> memref<1x128xi32, #tpu.memory_space<vmem>>
          %dma_wait3A_133 = tpu.memref_squeeze %dma_wait3A_132 : memref<1x128xi32, #tpu.memory_space<vmem>> -> memref<128xi32, #tpu.memory_space<vmem>>
          %dma_wait3A_134 = arith.constant 0 : i32
          %dma_wait3A_135 = arith.constant 0 : i32
          %dma_wait3A_136 = tpu.memref_slice %arg11[%dma_wait3A_134, %dma_wait3A_135] : memref<10240x16xf32, #tpu.memory_space<vmem_shared>> -> memref<10240x16xf32, #tpu.memory_space<vmem_shared>>
          tpu.wait_indirect_dma semaphore(%arg18 : memref<!tpu.dma_semaphore, #tpu.memory_space<semaphore_mem>>) src(%arg9 : memref<128x16xf32, #tpu.memory_space<vmem>>) dst(%dma_wait3A_136 : memref<10240x16xf32, #tpu.memory_space<vmem_shared>>)
        } else {
        }
        %add3A_110 = arith.addi %add3A_93, %sub3A : i32
        %dma_start3A = arith.constant 0 : i32
        %dma_start3A_111 = tpu.memref_slice %arg7[%add3A_110, %dma_start3A] : memref<79x128xi32, #tpu.memory_space<vmem>> -> memref<1x128xi32, #tpu.memory_space<vmem>>
        %dma_start3A_112 = tpu.memref_squeeze %dma_start3A_111 : memref<1x128xi32, #tpu.memory_space<vmem>> -> memref<128xi32, #tpu.memory_space<vmem>>
        %dma_start3A_113 = arith.constant 0 : i32
        %dma_start3A_114 = arith.constant 0 : i32
        %dma_start3A_115 = tpu.memref_slice %arg10[%dma_start3A_113, %dma_start3A_114] : memref<10240x16xf32, #tpu.memory_space<vmem_shared>> -> memref<10240x16xf32, #tpu.memory_space<vmem_shared>>
        tpu.enqueue_indirect_dma source(%arg9 : memref<128x16xf32, #tpu.memory_space<vmem>>) target(%dma_start3A_115 : memref<10240x16xf32, #tpu.memory_space<vmem_shared>>) offsets(%dma_start3A_112 : memref<128xi32, #tpu.memory_space<vmem>>) semaphore(%arg14 : memref<!tpu.dma_semaphore, #tpu.memory_space<semaphore_mem>>) {add = true}
        %add3A_116 = arith.addi %add3A_93, %sub3A : i32
        %dma_start3A_117 = arith.constant 0 : i32
        %dma_start3A_118 = tpu.memref_slice %arg8[%add3A_116, %dma_start3A_117] : memref<79x128xi32, #tpu.memory_space<vmem>> -> memref<1x128xi32, #tpu.memory_space<vmem>>
        %dma_start3A_119 = tpu.memref_squeeze %dma_start3A_118 : memref<1x128xi32, #tpu.memory_space<vmem>> -> memref<128xi32, #tpu.memory_space<vmem>>
        %dma_start3A_120 = arith.constant 0 : i32
        %dma_start3A_121 = arith.constant 0 : i32
        %dma_start3A_122 = tpu.memref_slice %arg11[%dma_start3A_120, %dma_start3A_121] : memref<10240x16xf32, #tpu.memory_space<vmem_shared>> -> memref<10240x16xf32, #tpu.memory_space<vmem_shared>>
        tpu.enqueue_indirect_dma source(%arg9 : memref<128x16xf32, #tpu.memory_space<vmem>>) target(%dma_start3A_122 : memref<10240x16xf32, #tpu.memory_space<vmem_shared>>) offsets(%dma_start3A_119 : memref<128xi32, #tpu.memory_space<vmem>>) semaphore(%arg18 : memref<!tpu.dma_semaphore, #tpu.memory_space<semaphore_mem>>) {add = true}
      } else {
      }
      %mul3A_98 = arith.constant 4 : i32
      %mul3A_99 = arith.muli %scan3A_74, %mul3A_98 : i32
      %add3A_100 = arith.constant 3 : i32
      %add3A_101 = arith.addi %mul3A_99, %add3A_100 : i32
      %lt3A_102 = arith.cmpi slt, %add3A_101, %add3A_7 : i32
      %convert_element_type3A_103 = arith.extui %lt3A_102 : i1 to i32
      %cond3A_104 = arith.constant 0 : i32
      %cond3A_105 = arith.cmpi ne, %convert_element_type3A_103, %cond3A_104 : i32
      scf.if %cond3A_105 {
        %ge3A = arith.constant 4 : i32
        %ge3A_106 = arith.cmpi sge, %add3A_101, %ge3A : i32
        %convert_element_type3A_107 = arith.extui %ge3A_106 : i1 to i32
        %cond3A_108 = arith.constant 0 : i32
        %cond3A_109 = arith.cmpi ne, %convert_element_type3A_107, %cond3A_108 : i32
        scf.if %cond3A_109 {
          %dma_wait3A_123 = arith.constant 0 : i32
          %dma_wait3A_124 = arith.constant 0 : i32
          %dma_wait3A_125 = tpu.memref_slice %arg7[%dma_wait3A_123, %dma_wait3A_124] : memref<79x128xi32, #tpu.memory_space<vmem>> -> memref<1x128xi32, #tpu.memory_space<vmem>>
          %dma_wait3A_126 = tpu.memref_squeeze %dma_wait3A_125 : memref<1x128xi32, #tpu.memory_space<vmem>> -> memref<128xi32, #tpu.memory_space<vmem>>
          %dma_wait3A_127 = arith.constant 0 : i32
          %dma_wait3A_128 = arith.constant 0 : i32
          %dma_wait3A_129 = tpu.memref_slice %arg10[%dma_wait3A_127, %dma_wait3A_128] : memref<10240x16xf32, #tpu.memory_space<vmem_shared>> -> memref<10240x16xf32, #tpu.memory_space<vmem_shared>>
          tpu.wait_indirect_dma semaphore(%arg15 : memref<!tpu.dma_semaphore, #tpu.memory_space<semaphore_mem>>) src(%arg9 : memref<128x16xf32, #tpu.memory_space<vmem>>) dst(%dma_wait3A_129 : memref<10240x16xf32, #tpu.memory_space<vmem_shared>>)
          %dma_wait3A_130 = arith.constant 0 : i32
          %dma_wait3A_131 = arith.constant 0 : i32
          %dma_wait3A_132 = tpu.memref_slice %arg8[%dma_wait3A_130, %dma_wait3A_131] : memref<79x128xi32, #tpu.memory_space<vmem>> -> memref<1x128xi32, #tpu.memory_space<vmem>>
          %dma_wait3A_133 = tpu.memref_squeeze %dma_wait3A_132 : memref<1x128xi32, #tpu.memory_space<vmem>> -> memref<128xi32, #tpu.memory_space<vmem>>
          %dma_wait3A_134 = arith.constant 0 : i32
          %dma_wait3A_135 = arith.constant 0 : i32
          %dma_wait3A_136 = tpu.memref_slice %arg11[%dma_wait3A_134, %dma_wait3A_135] : memref<10240x16xf32, #tpu.memory_space<vmem_shared>> -> memref<10240x16xf32, #tpu.memory_space<vmem_shared>>
          tpu.wait_indirect_dma semaphore(%arg19 : memref<!tpu.dma_semaphore, #tpu.memory_space<semaphore_mem>>) src(%arg9 : memref<128x16xf32, #tpu.memory_space<vmem>>) dst(%dma_wait3A_136 : memref<10240x16xf32, #tpu.memory_space<vmem_shared>>)
        } else {
        }
        %add3A_110 = arith.addi %add3A_101, %sub3A : i32
        %dma_start3A = arith.constant 0 : i32
        %dma_start3A_111 = tpu.memref_slice %arg7[%add3A_110, %dma_start3A] : memref<79x128xi32, #tpu.memory_space<vmem>> -> memref<1x128xi32, #tpu.memory_space<vmem>>
        %dma_start3A_112 = tpu.memref_squeeze %dma_start3A_111 : memref<1x128xi32, #tpu.memory_space<vmem>> -> memref<128xi32, #tpu.memory_space<vmem>>
        %dma_start3A_113 = arith.constant 0 : i32
        %dma_start3A_114 = arith.constant 0 : i32
        %dma_start3A_115 = tpu.memref_slice %arg10[%dma_start3A_113, %dma_start3A_114] : memref<10240x16xf32, #tpu.memory_space<vmem_shared>> -> memref<10240x16xf32, #tpu.memory_space<vmem_shared>>
        tpu.enqueue_indirect_dma source(%arg9 : memref<128x16xf32, #tpu.memory_space<vmem>>) target(%dma_start3A_115 : memref<10240x16xf32, #tpu.memory_space<vmem_shared>>) offsets(%dma_start3A_112 : memref<128xi32, #tpu.memory_space<vmem>>) semaphore(%arg15 : memref<!tpu.dma_semaphore, #tpu.memory_space<semaphore_mem>>) {add = true}
        %add3A_116 = arith.addi %add3A_101, %sub3A : i32
        %dma_start3A_117 = arith.constant 0 : i32
        %dma_start3A_118 = tpu.memref_slice %arg8[%add3A_116, %dma_start3A_117] : memref<79x128xi32, #tpu.memory_space<vmem>> -> memref<1x128xi32, #tpu.memory_space<vmem>>
        %dma_start3A_119 = tpu.memref_squeeze %dma_start3A_118 : memref<1x128xi32, #tpu.memory_space<vmem>> -> memref<128xi32, #tpu.memory_space<vmem>>
        %dma_start3A_120 = arith.constant 0 : i32
        %dma_start3A_121 = arith.constant 0 : i32
        %dma_start3A_122 = tpu.memref_slice %arg11[%dma_start3A_120, %dma_start3A_121] : memref<10240x16xf32, #tpu.memory_space<vmem_shared>> -> memref<10240x16xf32, #tpu.memory_space<vmem_shared>>
        tpu.enqueue_indirect_dma source(%arg9 : memref<128x16xf32, #tpu.memory_space<vmem>>) target(%dma_start3A_122 : memref<10240x16xf32, #tpu.memory_space<vmem_shared>>) offsets(%dma_start3A_119 : memref<128xi32, #tpu.memory_space<vmem>>) semaphore(%arg19 : memref<!tpu.dma_semaphore, #tpu.memory_space<semaphore_mem>>) {add = true}
      } else {
      }
    }
    %scan3A_17 = arith.constant 20 : i32
    %dma_wait3A = arith.constant 0 : i32
    %dma_wait3A_18 = arith.constant 0 : i32
    %dma_wait3A_19 = tpu.memref_slice %arg7[%dma_wait3A, %dma_wait3A_18] : memref<79x128xi32, #tpu.memory_space<vmem>> -> memref<1x128xi32, #tpu.memory_space<vmem>>
    %dma_wait3A_20 = tpu.memref_squeeze %dma_wait3A_19 : memref<1x128xi32, #tpu.memory_space<vmem>> -> memref<128xi32, #tpu.memory_space<vmem>>
    %dma_wait3A_21 = arith.constant 0 : i32
    %dma_wait3A_22 = arith.constant 0 : i32
    %dma_wait3A_23 = tpu.memref_slice %arg10[%dma_wait3A_21, %dma_wait3A_22] : memref<10240x16xf32, #tpu.memory_space<vmem_shared>> -> memref<10240x16xf32, #tpu.memory_space<vmem_shared>>
    tpu.wait_indirect_dma semaphore(%arg12 : memref<!tpu.dma_semaphore, #tpu.memory_space<semaphore_mem>>) src(%arg9 : memref<128x16xf32, #tpu.memory_space<vmem>>) dst(%dma_wait3A_23 : memref<10240x16xf32, #tpu.memory_space<vmem_shared>>)
    %dma_wait3A_24 = arith.constant 0 : i32
    %dma_wait3A_25 = arith.constant 0 : i32
    %dma_wait3A_26 = tpu.memref_slice %arg8[%dma_wait3A_24, %dma_wait3A_25] : memref<79x128xi32, #tpu.memory_space<vmem>> -> memref<1x128xi32, #tpu.memory_space<vmem>>
    %dma_wait3A_27 = tpu.memref_squeeze %dma_wait3A_26 : memref<1x128xi32, #tpu.memory_space<vmem>> -> memref<128xi32, #tpu.memory_space<vmem>>
    %dma_wait3A_28 = arith.constant 0 : i32
    %dma_wait3A_29 = arith.constant 0 : i32
    %dma_wait3A_30 = tpu.memref_slice %arg11[%dma_wait3A_28, %dma_wait3A_29] : memref<10240x16xf32, #tpu.memory_space<vmem_shared>> -> memref<10240x16xf32, #tpu.memory_space<vmem_shared>>
    tpu.wait_indirect_dma semaphore(%arg16 : memref<!tpu.dma_semaphore, #tpu.memory_space<semaphore_mem>>) src(%arg9 : memref<128x16xf32, #tpu.memory_space<vmem>>) dst(%dma_wait3A_30 : memref<10240x16xf32, #tpu.memory_space<vmem_shared>>)
    %dma_wait3A_31 = arith.constant 0 : i32
    %dma_wait3A_32 = arith.constant 0 : i32
    %dma_wait3A_33 = tpu.memref_slice %arg7[%dma_wait3A_31, %dma_wait3A_32] : memref<79x128xi32, #tpu.memory_space<vmem>> -> memref<1x128xi32, #tpu.memory_space<vmem>>
    %dma_wait3A_34 = tpu.memref_squeeze %dma_wait3A_33 : memref<1x128xi32, #tpu.memory_space<vmem>> -> memref<128xi32, #tpu.memory_space<vmem>>
    %dma_wait3A_35 = arith.constant 0 : i32
    %dma_wait3A_36 = arith.constant 0 : i32
    %dma_wait3A_37 = tpu.memref_slice %arg10[%dma_wait3A_35, %dma_wait3A_36] : memref<10240x16xf32, #tpu.memory_space<vmem_shared>> -> memref<10240x16xf32, #tpu.memory_space<vmem_shared>>
    tpu.wait_indirect_dma semaphore(%arg13 : memref<!tpu.dma_semaphore, #tpu.memory_space<semaphore_mem>>) src(%arg9 : memref<128x16xf32, #tpu.memory_space<vmem>>) dst(%dma_wait3A_37 : memref<10240x16xf32, #tpu.memory_space<vmem_shared>>)
    %dma_wait3A_38 = arith.constant 0 : i32
    %dma_wait3A_39 = arith.constant 0 : i32
    %dma_wait3A_40 = tpu.memref_slice %arg8[%dma_wait3A_38, %dma_wait3A_39] : memref<79x128xi32, #tpu.memory_space<vmem>> -> memref<1x128xi32, #tpu.memory_space<vmem>>
    %dma_wait3A_41 = tpu.memref_squeeze %dma_wait3A_40 : memref<1x128xi32, #tpu.memory_space<vmem>> -> memref<128xi32, #tpu.memory_space<vmem>>
    %dma_wait3A_42 = arith.constant 0 : i32
    %dma_wait3A_43 = arith.constant 0 : i32
    %dma_wait3A_44 = tpu.memref_slice %arg11[%dma_wait3A_42, %dma_wait3A_43] : memref<10240x16xf32, #tpu.memory_space<vmem_shared>> -> memref<10240x16xf32, #tpu.memory_space<vmem_shared>>
    tpu.wait_indirect_dma semaphore(%arg17 : memref<!tpu.dma_semaphore, #tpu.memory_space<semaphore_mem>>) src(%arg9 : memref<128x16xf32, #tpu.memory_space<vmem>>) dst(%dma_wait3A_44 : memref<10240x16xf32, #tpu.memory_space<vmem_shared>>)
    %dma_wait3A_45 = arith.constant 0 : i32
    %dma_wait3A_46 = arith.constant 0 : i32
    %dma_wait3A_47 = tpu.memref_slice %arg7[%dma_wait3A_45, %dma_wait3A_46] : memref<79x128xi32, #tpu.memory_space<vmem>> -> memref<1x128xi32, #tpu.memory_space<vmem>>
    %dma_wait3A_48 = tpu.memref_squeeze %dma_wait3A_47 : memref<1x128xi32, #tpu.memory_space<vmem>> -> memref<128xi32, #tpu.memory_space<vmem>>
    %dma_wait3A_49 = arith.constant 0 : i32
    %dma_wait3A_50 = arith.constant 0 : i32
    %dma_wait3A_51 = tpu.memref_slice %arg10[%dma_wait3A_49, %dma_wait3A_50] : memref<10240x16xf32, #tpu.memory_space<vmem_shared>> -> memref<10240x16xf32, #tpu.memory_space<vmem_shared>>
    tpu.wait_indirect_dma semaphore(%arg14 : memref<!tpu.dma_semaphore, #tpu.memory_space<semaphore_mem>>) src(%arg9 : memref<128x16xf32, #tpu.memory_space<vmem>>) dst(%dma_wait3A_51 : memref<10240x16xf32, #tpu.memory_space<vmem_shared>>)
    %dma_wait3A_52 = arith.constant 0 : i32
    %dma_wait3A_53 = arith.constant 0 : i32
    %dma_wait3A_54 = tpu.memref_slice %arg8[%dma_wait3A_52, %dma_wait3A_53] : memref<79x128xi32, #tpu.memory_space<vmem>> -> memref<1x128xi32, #tpu.memory_space<vmem>>
    %dma_wait3A_55 = tpu.memref_squeeze %dma_wait3A_54 : memref<1x128xi32, #tpu.memory_space<vmem>> -> memref<128xi32, #tpu.memory_space<vmem>>
    %dma_wait3A_56 = arith.constant 0 : i32
    %dma_wait3A_57 = arith.constant 0 : i32
    %dma_wait3A_58 = tpu.memref_slice %arg11[%dma_wait3A_56, %dma_wait3A_57] : memref<10240x16xf32, #tpu.memory_space<vmem_shared>> -> memref<10240x16xf32, #tpu.memory_space<vmem_shared>>
    tpu.wait_indirect_dma semaphore(%arg18 : memref<!tpu.dma_semaphore, #tpu.memory_space<semaphore_mem>>) src(%arg9 : memref<128x16xf32, #tpu.memory_space<vmem>>) dst(%dma_wait3A_58 : memref<10240x16xf32, #tpu.memory_space<vmem_shared>>)
    %dma_wait3A_59 = arith.constant 0 : i32
    %dma_wait3A_60 = arith.constant 0 : i32
    %dma_wait3A_61 = tpu.memref_slice %arg7[%dma_wait3A_59, %dma_wait3A_60] : memref<79x128xi32, #tpu.memory_space<vmem>> -> memref<1x128xi32, #tpu.memory_space<vmem>>
    %dma_wait3A_62 = tpu.memref_squeeze %dma_wait3A_61 : memref<1x128xi32, #tpu.memory_space<vmem>> -> memref<128xi32, #tpu.memory_space<vmem>>
    %dma_wait3A_63 = arith.constant 0 : i32
    %dma_wait3A_64 = arith.constant 0 : i32
    %dma_wait3A_65 = tpu.memref_slice %arg10[%dma_wait3A_63, %dma_wait3A_64] : memref<10240x16xf32, #tpu.memory_space<vmem_shared>> -> memref<10240x16xf32, #tpu.memory_space<vmem_shared>>
    tpu.wait_indirect_dma semaphore(%arg15 : memref<!tpu.dma_semaphore, #tpu.memory_space<semaphore_mem>>) src(%arg9 : memref<128x16xf32, #tpu.memory_space<vmem>>) dst(%dma_wait3A_65 : memref<10240x16xf32, #tpu.memory_space<vmem_shared>>)
    %dma_wait3A_66 = arith.constant 0 : i32
    %dma_wait3A_67 = arith.constant 0 : i32
    %dma_wait3A_68 = tpu.memref_slice %arg8[%dma_wait3A_66, %dma_wait3A_67] : memref<79x128xi32, #tpu.memory_space<vmem>> -> memref<1x128xi32, #tpu.memory_space<vmem>>
    %dma_wait3A_69 = tpu.memref_squeeze %dma_wait3A_68 : memref<1x128xi32, #tpu.memory_space<vmem>> -> memref<128xi32, #tpu.memory_space<vmem>>
    %dma_wait3A_70 = arith.constant 0 : i32
    %dma_wait3A_71 = arith.constant 0 : i32
    %dma_wait3A_72 = tpu.memref_slice %arg11[%dma_wait3A_70, %dma_wait3A_71] : memref<10240x16xf32, #tpu.memory_space<vmem_shared>> -> memref<10240x16xf32, #tpu.memory_space<vmem_shared>>
    tpu.wait_indirect_dma semaphore(%arg19 : memref<!tpu.dma_semaphore, #tpu.memory_space<semaphore_mem>>) src(%arg9 : memref<128x16xf32, #tpu.memory_space<vmem>>) dst(%dma_wait3A_72 : memref<10240x16xf32, #tpu.memory_space<vmem_shared>>)
    %barrier3A_73 = arith.constant 0 : index
    tpu.barrier barrier_id(%barrier3A_73)
    "tpu.region"() ({
      %run_scoped3A_74 = tpu.sem_alloc : memref<!tpu.dma_semaphore, #tpu.memory_space<semaphore_mem>>
      %dma_start3A = arith.constant 0 : i32
      %dma_start3A_75 = tpu.memref_slice %arg5[%arg0, %mul3A_11, %dma_start3A] : memref<2x10240x16xf32, #tpu.memory_space<hbm>> -> memref<1x640x16xf32, #tpu.memory_space<hbm>>
      %dma_start3A_76 = tpu.memref_squeeze %dma_start3A_75 : memref<1x640x16xf32, #tpu.memory_space<hbm>> -> memref<640x16xf32, #tpu.memory_space<hbm>>
      %dma_start3A_77 = arith.constant 0 : i32
      %dma_start3A_78 = tpu.memref_slice %arg10[%mul3A_11, %dma_start3A_77] : memref<10240x16xf32, #tpu.memory_space<vmem_shared>> -> memref<640x16xf32, #tpu.memory_space<vmem_shared>>
      tpu.enqueue_dma source(%dma_start3A_78 : memref<640x16xf32, #tpu.memory_space<vmem_shared>>) target(%dma_start3A_76 : memref<640x16xf32, #tpu.memory_space<hbm>>) target_semaphore(%run_scoped3A_74 : memref<!tpu.dma_semaphore, #tpu.memory_space<semaphore_mem>>)
      %dma_wait3A_79 = arith.constant 0 : i32
      %dma_wait3A_80 = tpu.memref_slice %arg5[%arg0, %mul3A_11, %dma_wait3A_79] : memref<2x10240x16xf32, #tpu.memory_space<hbm>> -> memref<1x640x16xf32, #tpu.memory_space<hbm>>
      %dma_wait3A_81 = tpu.memref_squeeze %dma_wait3A_80 : memref<1x640x16xf32, #tpu.memory_space<hbm>> -> memref<640x16xf32, #tpu.memory_space<hbm>>
      %dma_wait3A_82 = arith.constant 0 : i32
      %dma_wait3A_83 = tpu.memref_slice %arg10[%mul3A_11, %dma_wait3A_82] : memref<10240x16xf32, #tpu.memory_space<vmem_shared>> -> memref<640x16xf32, #tpu.memory_space<vmem_shared>>
      tpu.wait_dma2 semaphore(%run_scoped3A_74 : memref<!tpu.dma_semaphore, #tpu.memory_space<semaphore_mem>>) src(%dma_wait3A_83 : memref<640x16xf32, #tpu.memory_space<vmem_shared>>) dst(%dma_wait3A_81 : memref<640x16xf32, #tpu.memory_space<hbm>>)
      tpu.yield
    }) : () -> ()
    "tpu.region"() ({
      %run_scoped3A_74 = tpu.sem_alloc : memref<!tpu.dma_semaphore, #tpu.memory_space<semaphore_mem>>
      %dma_start3A = arith.constant 0 : i32
      %dma_start3A_75 = tpu.memref_slice %arg6[%arg0, %mul3A_11, %dma_start3A] : memref<2x10240x16xf32, #tpu.memory_space<hbm>> -> memref<1x640x16xf32, #tpu.memory_space<hbm>>
      %dma_start3A_76 = tpu.memref_squeeze %dma_start3A_75 : memref<1x640x16xf32, #tpu.memory_space<hbm>> -> memref<640x16xf32, #tpu.memory_space<hbm>>
      %dma_start3A_77 = arith.constant 0 : i32
      %dma_start3A_78 = tpu.memref_slice %arg11[%mul3A_11, %dma_start3A_77] : memref<10240x16xf32, #tpu.memory_space<vmem_shared>> -> memref<640x16xf32, #tpu.memory_space<vmem_shared>>
      tpu.enqueue_dma source(%dma_start3A_78 : memref<640x16xf32, #tpu.memory_space<vmem_shared>>) target(%dma_start3A_76 : memref<640x16xf32, #tpu.memory_space<hbm>>) target_semaphore(%run_scoped3A_74 : memref<!tpu.dma_semaphore, #tpu.memory_space<semaphore_mem>>)
      %dma_wait3A_79 = arith.constant 0 : i32
      %dma_wait3A_80 = tpu.memref_slice %arg6[%arg0, %mul3A_11, %dma_wait3A_79] : memref<2x10240x16xf32, #tpu.memory_space<hbm>> -> memref<1x640x16xf32, #tpu.memory_space<hbm>>
      %dma_wait3A_81 = tpu.memref_squeeze %dma_wait3A_80 : memref<1x640x16xf32, #tpu.memory_space<hbm>> -> memref<640x16xf32, #tpu.memory_space<hbm>>
      %dma_wait3A_82 = arith.constant 0 : i32
      %dma_wait3A_83 = tpu.memref_slice %arg11[%mul3A_11, %dma_wait3A_82] : memref<10240x16xf32, #tpu.memory_space<vmem_shared>> -> memref<640x16xf32, #tpu.memory_space<vmem_shared>>
      tpu.wait_dma2 semaphore(%run_scoped3A_74 : memref<!tpu.dma_semaphore, #tpu.memory_space<semaphore_mem>>) src(%dma_wait3A_83 : memref<640x16xf32, #tpu.memory_space<vmem_shared>>) dst(%dma_wait3A_81 : memref<640x16xf32, #tpu.memory_space<hbm>>)
      tpu.yield
    }) : () -> ()
    return
  }
}

#map = affine_map<(d0, d1) -> (0, 0)>
#map1 = affine_map<(d0, d1) -> (0, 0, 0)>
module attributes {stable_mosaic.version = 14 : i64} {
  func.func @seg_kernel(%arg0: i32, %arg1: i32, %arg2: memref<10000x48xf32, #tpu.memory_space<hbm>>, %arg3: memref<2x2500x128xi32, #tpu.memory_space<hbm>>, %arg4: memref<10240x48xf32, #tpu.memory_space<hbm>>, %arg5: memref<2x10240x48xf32, #tpu.memory_space<hbm>>, %arg6: memref<79x128xi32, #tpu.memory_space<vmem>>, %arg7: memref<79x128xi32, #tpu.memory_space<vmem>>, %arg8: memref<128x48xf32, #tpu.memory_space<vmem>>, %arg9: memref<128x48xf32, #tpu.memory_space<vmem>>, %arg10: memref<128x48xf32, #tpu.memory_space<vmem>>, %arg11: memref<128x48xf32, #tpu.memory_space<vmem>>, %arg12: memref<10240x48xf32, #tpu.memory_space<vmem_shared>>, %arg13: memref<!tpu.dma_semaphore, #tpu.memory_space<semaphore_mem>>, %arg14: memref<!tpu.dma_semaphore, #tpu.memory_space<semaphore_mem>>, %arg15: memref<!tpu.dma_semaphore, #tpu.memory_space<semaphore_mem>>, %arg16: memref<!tpu.dma_semaphore, #tpu.memory_space<semaphore_mem>>, %arg17: memref<!tpu.dma_semaphore, #tpu.memory_space<semaphore_mem>>, %arg18: memref<!tpu.dma_semaphore, #tpu.memory_space<semaphore_mem>>, %arg19: memref<!tpu.dma_semaphore, #tpu.memory_space<semaphore_mem>>, %arg20: memref<!tpu.dma_semaphore, #tpu.memory_space<semaphore_mem>>) attributes {dimension_semantics = [#tpu.dimension_semantics<core_parallel>, #tpu.dimension_semantics<subcore_parallel>], iteration_bounds = array<i64: 2, 16>, scalar_prefetch = 0 : i64, scratch_operands = 15 : i64, tpu.core_type = #tpu.core_type<sc_vector_subcore>, window_params = [{transform_indices = #map}, {transform_indices = #map1}, {transform_indices = #map}, {transform_indices = #map1}]} {
    %mul3A = arith.constant 16 : i32
    %mul3A_0 = arith.muli %arg0, %mul3A : i32
    %add3A = arith.addi %mul3A_0, %arg1 : i32
    %mul3A_1 = arith.constant 78 : i32
    %mul3A_2 = arith.muli %add3A, %mul3A_1 : i32
    %min3A = arith.constant 4 : i32
    %min3A_3 = arith.minsi %add3A, %min3A : i32
    %add3A_4 = arith.addi %mul3A_2, %min3A_3 : i32
    %lt3A = arith.constant 4 : i32
    %lt3A_5 = arith.cmpi slt, %add3A, %lt3A : i32
    %convert_element_type3A = arith.extui %lt3A_5 : i1 to i32
    %add3A_6 = arith.constant 78 : i32
    %add3A_7 = arith.addi %add3A_6, %convert_element_type3A : i32
    %min3A_8 = arith.constant 2421 : i32
    %min3A_9 = arith.minsi %add3A_4, %min3A_8 : i32
    %sub3A = arith.subi %add3A_4, %min3A_9 : i32
    %mul3A_10 = arith.constant 640 : i32
    %mul3A_11 = arith.muli %arg1, %mul3A_10 : i32
    %run_scoped3A = arith.constant 0 : i32
    "tpu.region"() ({
      %run_scoped3A_61 = tpu.sem_alloc : memref<!tpu.dma_semaphore, #tpu.memory_space<semaphore_mem>>
      %dma_start3A_62 = arith.constant 0 : i32
      %dma_start3A_63 = tpu.memref_slice %arg3[%run_scoped3A, %min3A_9, %dma_start3A_62] : memref<2x2500x128xi32, #tpu.memory_space<hbm>> -> memref<1x79x128xi32, #tpu.memory_space<hbm>>
      %dma_start3A_64 = tpu.memref_squeeze %dma_start3A_63 : memref<1x79x128xi32, #tpu.memory_space<hbm>> -> memref<79x128xi32, #tpu.memory_space<hbm>>
      %dma_start3A_65 = arith.constant 0 : i32
      %dma_start3A_66 = tpu.memref_slice %arg3[%run_scoped3A, %min3A_9, %dma_start3A_65] : memref<2x2500x128xi32, #tpu.memory_space<hbm>> -> memref<1x79x128xi32, #tpu.memory_space<hbm>>
      %dma_start3A_67 = tpu.memref_squeeze %dma_start3A_66 : memref<1x79x128xi32, #tpu.memory_space<hbm>> -> memref<79x128xi32, #tpu.memory_space<hbm>>
      tpu.enqueue_dma source(%dma_start3A_67 : memref<79x128xi32, #tpu.memory_space<hbm>>) target(%arg6 : memref<79x128xi32, #tpu.memory_space<vmem>>) target_semaphore(%run_scoped3A_61 : memref<!tpu.dma_semaphore, #tpu.memory_space<semaphore_mem>>)
      %dma_wait3A_68 = arith.constant 0 : i32
      %dma_wait3A_69 = tpu.memref_slice %arg3[%run_scoped3A, %min3A_9, %dma_wait3A_68] : memref<2x2500x128xi32, #tpu.memory_space<hbm>> -> memref<1x79x128xi32, #tpu.memory_space<hbm>>
      %dma_wait3A_70 = tpu.memref_squeeze %dma_wait3A_69 : memref<1x79x128xi32, #tpu.memory_space<hbm>> -> memref<79x128xi32, #tpu.memory_space<hbm>>
      %dma_wait3A_71 = arith.constant 0 : i32
      %dma_wait3A_72 = tpu.memref_slice %arg3[%run_scoped3A, %min3A_9, %dma_wait3A_71] : memref<2x2500x128xi32, #tpu.memory_space<hbm>> -> memref<1x79x128xi32, #tpu.memory_space<hbm>>
      %dma_wait3A_73 = tpu.memref_squeeze %dma_wait3A_72 : memref<1x79x128xi32, #tpu.memory_space<hbm>> -> memref<79x128xi32, #tpu.memory_space<hbm>>
      tpu.wait_dma2 semaphore(%run_scoped3A_61 : memref<!tpu.dma_semaphore, #tpu.memory_space<semaphore_mem>>) src(%dma_wait3A_73 : memref<79x128xi32, #tpu.memory_space<hbm>>) dst(%arg6 : memref<79x128xi32, #tpu.memory_space<vmem>>)
      tpu.yield
    }) : () -> ()
    %run_scoped3A_12 = arith.constant 1 : i32
    "tpu.region"() ({
      %run_scoped3A_61 = tpu.sem_alloc : memref<!tpu.dma_semaphore, #tpu.memory_space<semaphore_mem>>
      %dma_start3A_62 = arith.constant 0 : i32
      %dma_start3A_63 = tpu.memref_slice %arg3[%run_scoped3A_12, %min3A_9, %dma_start3A_62] : memref<2x2500x128xi32, #tpu.memory_space<hbm>> -> memref<1x79x128xi32, #tpu.memory_space<hbm>>
      %dma_start3A_64 = tpu.memref_squeeze %dma_start3A_63 : memref<1x79x128xi32, #tpu.memory_space<hbm>> -> memref<79x128xi32, #tpu.memory_space<hbm>>
      %dma_start3A_65 = arith.constant 0 : i32
      %dma_start3A_66 = tpu.memref_slice %arg3[%run_scoped3A_12, %min3A_9, %dma_start3A_65] : memref<2x2500x128xi32, #tpu.memory_space<hbm>> -> memref<1x79x128xi32, #tpu.memory_space<hbm>>
      %dma_start3A_67 = tpu.memref_squeeze %dma_start3A_66 : memref<1x79x128xi32, #tpu.memory_space<hbm>> -> memref<79x128xi32, #tpu.memory_space<hbm>>
      tpu.enqueue_dma source(%dma_start3A_67 : memref<79x128xi32, #tpu.memory_space<hbm>>) target(%arg7 : memref<79x128xi32, #tpu.memory_space<vmem>>) target_semaphore(%run_scoped3A_61 : memref<!tpu.dma_semaphore, #tpu.memory_space<semaphore_mem>>)
      %dma_wait3A_68 = arith.constant 0 : i32
      %dma_wait3A_69 = tpu.memref_slice %arg3[%run_scoped3A_12, %min3A_9, %dma_wait3A_68] : memref<2x2500x128xi32, #tpu.memory_space<hbm>> -> memref<1x79x128xi32, #tpu.memory_space<hbm>>
      %dma_wait3A_70 = tpu.memref_squeeze %dma_wait3A_69 : memref<1x79x128xi32, #tpu.memory_space<hbm>> -> memref<79x128xi32, #tpu.memory_space<hbm>>
      %dma_wait3A_71 = arith.constant 0 : i32
      %dma_wait3A_72 = tpu.memref_slice %arg3[%run_scoped3A_12, %min3A_9, %dma_wait3A_71] : memref<2x2500x128xi32, #tpu.memory_space<hbm>> -> memref<1x79x128xi32, #tpu.memory_space<hbm>>
      %dma_wait3A_73 = tpu.memref_squeeze %dma_wait3A_72 : memref<1x79x128xi32, #tpu.memory_space<hbm>> -> memref<79x128xi32, #tpu.memory_space<hbm>>
      tpu.wait_dma2 semaphore(%run_scoped3A_61 : memref<!tpu.dma_semaphore, #tpu.memory_space<semaphore_mem>>) src(%dma_wait3A_73 : memref<79x128xi32, #tpu.memory_space<hbm>>) dst(%arg7 : memref<79x128xi32, #tpu.memory_space<vmem>>)
      tpu.yield
    }) : () -> ()
    "tpu.region"() ({
      %run_scoped3A_61 = tpu.sem_alloc : memref<!tpu.dma_semaphore, #tpu.memory_space<semaphore_mem>>
      %dma_start3A_62 = arith.constant 0 : i32
      %dma_start3A_63 = tpu.memref_slice %arg12[%mul3A_11, %dma_start3A_62] : memref<10240x48xf32, #tpu.memory_space<vmem_shared>> -> memref<640x48xf32, #tpu.memory_space<vmem_shared>>
      %dma_start3A_64 = arith.constant 0 : i32
      %dma_start3A_65 = tpu.memref_slice %arg4[%mul3A_11, %dma_start3A_64] : memref<10240x48xf32, #tpu.memory_space<hbm>> -> memref<640x48xf32, #tpu.memory_space<hbm>>
      tpu.enqueue_dma source(%dma_start3A_65 : memref<640x48xf32, #tpu.memory_space<hbm>>) target(%dma_start3A_63 : memref<640x48xf32, #tpu.memory_space<vmem_shared>>) target_semaphore(%run_scoped3A_61 : memref<!tpu.dma_semaphore, #tpu.memory_space<semaphore_mem>>)
      %dma_wait3A_66 = arith.constant 0 : i32
      %dma_wait3A_67 = tpu.memref_slice %arg12[%mul3A_11, %dma_wait3A_66] : memref<10240x48xf32, #tpu.memory_space<vmem_shared>> -> memref<640x48xf32, #tpu.memory_space<vmem_shared>>
      %dma_wait3A_68 = arith.constant 0 : i32
      %dma_wait3A_69 = tpu.memref_slice %arg4[%mul3A_11, %dma_wait3A_68] : memref<10240x48xf32, #tpu.memory_space<hbm>> -> memref<640x48xf32, #tpu.memory_space<hbm>>
      tpu.wait_dma2 semaphore(%run_scoped3A_61 : memref<!tpu.dma_semaphore, #tpu.memory_space<semaphore_mem>>) src(%dma_wait3A_69 : memref<640x48xf32, #tpu.memory_space<hbm>>) dst(%dma_wait3A_67 : memref<640x48xf32, #tpu.memory_space<vmem_shared>>)
      tpu.yield
    }) : () -> ()
    %barrier3A = arith.constant 0 : index
    tpu.barrier barrier_id(%barrier3A)
    %add3A_13 = arith.constant 0 : i32
    %add3A_14 = arith.addi %add3A_13, %sub3A : i32
    %dma_start3A = arith.constant 0 : i32
    %dma_start3A_15 = tpu.memref_slice %arg6[%add3A_14, %dma_start3A] : memref<79x128xi32, #tpu.memory_space<vmem>> -> memref<1x128xi32, #tpu.memory_space<vmem>>
    %dma_start3A_16 = tpu.memref_squeeze %dma_start3A_15 : memref<1x128xi32, #tpu.memory_space<vmem>> -> memref<128xi32, #tpu.memory_space<vmem>>
    %dma_start3A_17 = arith.constant 0 : i32
    %dma_start3A_18 = arith.constant 0 : i32
    %dma_start3A_19 = tpu.memref_slice %arg2[%dma_start3A_17, %dma_start3A_18] : memref<10000x48xf32, #tpu.memory_space<hbm>> -> memref<10000x48xf32, #tpu.memory_space<hbm>>
    tpu.enqueue_indirect_dma source(%dma_start3A_19 : memref<10000x48xf32, #tpu.memory_space<hbm>>) target(%arg8 : memref<128x48xf32, #tpu.memory_space<vmem>>) offsets(%dma_start3A_16 : memref<128xi32, #tpu.memory_space<vmem>>) semaphore(%arg13 : memref<!tpu.dma_semaphore, #tpu.memory_space<semaphore_mem>>)
    %add3A_20 = arith.constant 1 : i32
    %add3A_21 = arith.addi %add3A_20, %sub3A : i32
    %dma_start3A_22 = arith.constant 0 : i32
    %dma_start3A_23 = tpu.memref_slice %arg6[%add3A_21, %dma_start3A_22] : memref<79x128xi32, #tpu.memory_space<vmem>> -> memref<1x128xi32, #tpu.memory_space<vmem>>
    %dma_start3A_24 = tpu.memref_squeeze %dma_start3A_23 : memref<1x128xi32, #tpu.memory_space<vmem>> -> memref<128xi32, #tpu.memory_space<vmem>>
    %dma_start3A_25 = arith.constant 0 : i32
    %dma_start3A_26 = arith.constant 0 : i32
    %dma_start3A_27 = tpu.memref_slice %arg2[%dma_start3A_25, %dma_start3A_26] : memref<10000x48xf32, #tpu.memory_space<hbm>> -> memref<10000x48xf32, #tpu.memory_space<hbm>>
    tpu.enqueue_indirect_dma source(%dma_start3A_27 : memref<10000x48xf32, #tpu.memory_space<hbm>>) target(%arg9 : memref<128x48xf32, #tpu.memory_space<vmem>>) offsets(%dma_start3A_24 : memref<128xi32, #tpu.memory_space<vmem>>) semaphore(%arg14 : memref<!tpu.dma_semaphore, #tpu.memory_space<semaphore_mem>>)
    %scan3A = arith.constant 0 : i32
    %scan3A_28 = arith.constant 0 : i32
    %scan3A_29 = arith.constant 20 : i32
    %scan3A_30 = arith.addi %scan3A_28, %scan3A_29 : i32
    %scan3A_31 = arith.constant 1 : i32
    scf.for %scan3A_61 = %scan3A_28 to %scan3A_30 step %scan3A_31  : i32 {
      %mul3A_62 = arith.constant 4 : i32
      %mul3A_63 = arith.muli %scan3A_61, %mul3A_62 : i32
      %add3A_64 = arith.constant 0 : i32
      %add3A_65 = arith.addi %mul3A_63, %add3A_64 : i32
      %lt3A_66 = arith.cmpi slt, %add3A_65, %add3A_7 : i32
      %convert_element_type3A_67 = arith.extui %lt3A_66 : i1 to i32
      %cond3A = arith.constant 0 : i32
      %cond3A_68 = arith.cmpi ne, %convert_element_type3A_67, %cond3A : i32
      scf.if %cond3A_68 {
        %add3A_93 = arith.addi %add3A_65, %sub3A : i32
        %dma_wait3A_94 = arith.constant 0 : i32
        %dma_wait3A_95 = tpu.memref_slice %arg6[%add3A_93, %dma_wait3A_94] : memref<79x128xi32, #tpu.memory_space<vmem>> -> memref<1x128xi32, #tpu.memory_space<vmem>>
        %dma_wait3A_96 = tpu.memref_squeeze %dma_wait3A_95 : memref<1x128xi32, #tpu.memory_space<vmem>> -> memref<128xi32, #tpu.memory_space<vmem>>
        %dma_wait3A_97 = arith.constant 0 : i32
        %dma_wait3A_98 = arith.constant 0 : i32
        %dma_wait3A_99 = tpu.memref_slice %arg2[%dma_wait3A_97, %dma_wait3A_98] : memref<10000x48xf32, #tpu.memory_space<hbm>> -> memref<10000x48xf32, #tpu.memory_space<hbm>>
        tpu.wait_indirect_dma semaphore(%arg13 : memref<!tpu.dma_semaphore, #tpu.memory_space<semaphore_mem>>) src(%dma_wait3A_99 : memref<10000x48xf32, #tpu.memory_space<hbm>>) dst(%arg8 : memref<128x48xf32, #tpu.memory_space<vmem>>)
        %add3A_100 = arith.addi %add3A_65, %sub3A : i32
        %dma_start3A_101 = arith.constant 0 : i32
        %dma_start3A_102 = tpu.memref_slice %arg7[%add3A_100, %dma_start3A_101] : memref<79x128xi32, #tpu.memory_space<vmem>> -> memref<1x128xi32, #tpu.memory_space<vmem>>
        %dma_start3A_103 = tpu.memref_squeeze %dma_start3A_102 : memref<1x128xi32, #tpu.memory_space<vmem>> -> memref<128xi32, #tpu.memory_space<vmem>>
        %dma_start3A_104 = arith.constant 0 : i32
        %dma_start3A_105 = arith.constant 0 : i32
        %dma_start3A_106 = tpu.memref_slice %arg12[%dma_start3A_104, %dma_start3A_105] : memref<10240x48xf32, #tpu.memory_space<vmem_shared>> -> memref<10240x48xf32, #tpu.memory_space<vmem_shared>>
        tpu.enqueue_indirect_dma source(%arg8 : memref<128x48xf32, #tpu.memory_space<vmem>>) target(%dma_start3A_106 : memref<10240x48xf32, #tpu.memory_space<vmem_shared>>) offsets(%dma_start3A_103 : memref<128xi32, #tpu.memory_space<vmem>>) semaphore(%arg17 : memref<!tpu.dma_semaphore, #tpu.memory_space<semaphore_mem>>) {add = true}
        %add3A_107 = arith.constant 2 : i32
        %add3A_108 = arith.addi %add3A_65, %add3A_107 : i32
        %lt3A_109 = arith.cmpi slt, %add3A_108, %add3A_7 : i32
        %convert_element_type3A_110 = arith.extui %lt3A_109 : i1 to i32
        %cond3A_111 = arith.constant 0 : i32
        %cond3A_112 = arith.cmpi ne, %convert_element_type3A_110, %cond3A_111 : i32
        scf.if %cond3A_112 {
          %ge3A = arith.constant 2 : i32
          %ge3A_113 = arith.cmpi sge, %add3A_65, %ge3A : i32
          %convert_element_type3A_114 = arith.extui %ge3A_113 : i1 to i32
          %cond3A_115 = arith.constant 0 : i32
          %cond3A_116 = arith.cmpi ne, %convert_element_type3A_114, %cond3A_115 : i32
          scf.if %cond3A_116 {
            %dma_wait3A_126 = arith.constant 0 : i32
            %dma_wait3A_127 = arith.constant 0 : i32
            %dma_wait3A_128 = tpu.memref_slice %arg7[%dma_wait3A_126, %dma_wait3A_127] : memref<79x128xi32, #tpu.memory_space<vmem>> -> memref<1x128xi32, #tpu.memory_space<vmem>>
            %dma_wait3A_129 = tpu.memref_squeeze %dma_wait3A_128 : memref<1x128xi32, #tpu.memory_space<vmem>> -> memref<128xi32, #tpu.memory_space<vmem>>
            %dma_wait3A_130 = arith.constant 0 : i32
            %dma_wait3A_131 = arith.constant 0 : i32
            %dma_wait3A_132 = tpu.memref_slice %arg12[%dma_wait3A_130, %dma_wait3A_131] : memref<10240x48xf32, #tpu.memory_space<vmem_shared>> -> memref<10240x48xf32, #tpu.memory_space<vmem_shared>>
            tpu.wait_indirect_dma semaphore(%arg19 : memref<!tpu.dma_semaphore, #tpu.memory_space<semaphore_mem>>) src(%arg10 : memref<128x48xf32, #tpu.memory_space<vmem>>) dst(%dma_wait3A_132 : memref<10240x48xf32, #tpu.memory_space<vmem_shared>>)
          } else {
          }
          %add3A_117 = arith.constant 2 : i32
          %add3A_118 = arith.addi %add3A_65, %add3A_117 : i32
          %add3A_119 = arith.addi %add3A_118, %sub3A : i32
          %dma_start3A_120 = arith.constant 0 : i32
          %dma_start3A_121 = tpu.memref_slice %arg6[%add3A_119, %dma_start3A_120] : memref<79x128xi32, #tpu.memory_space<vmem>> -> memref<1x128xi32, #tpu.memory_space<vmem>>
          %dma_start3A_122 = tpu.memref_squeeze %dma_start3A_121 : memref<1x128xi32, #tpu.memory_space<vmem>> -> memref<128xi32, #tpu.memory_space<vmem>>
          %dma_start3A_123 = arith.constant 0 : i32
          %dma_start3A_124 = arith.constant 0 : i32
          %dma_start3A_125 = tpu.memref_slice %arg2[%dma_start3A_123, %dma_start3A_124] : memref<10000x48xf32, #tpu.memory_space<hbm>> -> memref<10000x48xf32, #tpu.memory_space<hbm>>
          tpu.enqueue_indirect_dma source(%dma_start3A_125 : memref<10000x48xf32, #tpu.memory_space<hbm>>) target(%arg10 : memref<128x48xf32, #tpu.memory_space<vmem>>) offsets(%dma_start3A_122 : memref<128xi32, #tpu.memory_space<vmem>>) semaphore(%arg15 : memref<!tpu.dma_semaphore, #tpu.memory_space<semaphore_mem>>)
        } else {
        }
      } else {
      }
      %mul3A_69 = arith.constant 4 : i32
      %mul3A_70 = arith.muli %scan3A_61, %mul3A_69 : i32
      %add3A_71 = arith.constant 1 : i32
      %add3A_72 = arith.addi %mul3A_70, %add3A_71 : i32
      %lt3A_73 = arith.cmpi slt, %add3A_72, %add3A_7 : i32
      %convert_element_type3A_74 = arith.extui %lt3A_73 : i1 to i32
      %cond3A_75 = arith.constant 0 : i32
      %cond3A_76 = arith.cmpi ne, %convert_element_type3A_74, %cond3A_75 : i32
      scf.if %cond3A_76 {
        %add3A_93 = arith.addi %add3A_72, %sub3A : i32
        %dma_wait3A_94 = arith.constant 0 : i32
        %dma_wait3A_95 = tpu.memref_slice %arg6[%add3A_93, %dma_wait3A_94] : memref<79x128xi32, #tpu.memory_space<vmem>> -> memref<1x128xi32, #tpu.memory_space<vmem>>
        %dma_wait3A_96 = tpu.memref_squeeze %dma_wait3A_95 : memref<1x128xi32, #tpu.memory_space<vmem>> -> memref<128xi32, #tpu.memory_space<vmem>>
        %dma_wait3A_97 = arith.constant 0 : i32
        %dma_wait3A_98 = arith.constant 0 : i32
        %dma_wait3A_99 = tpu.memref_slice %arg2[%dma_wait3A_97, %dma_wait3A_98] : memref<10000x48xf32, #tpu.memory_space<hbm>> -> memref<10000x48xf32, #tpu.memory_space<hbm>>
        tpu.wait_indirect_dma semaphore(%arg14 : memref<!tpu.dma_semaphore, #tpu.memory_space<semaphore_mem>>) src(%dma_wait3A_99 : memref<10000x48xf32, #tpu.memory_space<hbm>>) dst(%arg9 : memref<128x48xf32, #tpu.memory_space<vmem>>)
        %add3A_100 = arith.addi %add3A_72, %sub3A : i32
        %dma_start3A_101 = arith.constant 0 : i32
        %dma_start3A_102 = tpu.memref_slice %arg7[%add3A_100, %dma_start3A_101] : memref<79x128xi32, #tpu.memory_space<vmem>> -> memref<1x128xi32, #tpu.memory_space<vmem>>
        %dma_start3A_103 = tpu.memref_squeeze %dma_start3A_102 : memref<1x128xi32, #tpu.memory_space<vmem>> -> memref<128xi32, #tpu.memory_space<vmem>>
        %dma_start3A_104 = arith.constant 0 : i32
        %dma_start3A_105 = arith.constant 0 : i32
        %dma_start3A_106 = tpu.memref_slice %arg12[%dma_start3A_104, %dma_start3A_105] : memref<10240x48xf32, #tpu.memory_space<vmem_shared>> -> memref<10240x48xf32, #tpu.memory_space<vmem_shared>>
        tpu.enqueue_indirect_dma source(%arg9 : memref<128x48xf32, #tpu.memory_space<vmem>>) target(%dma_start3A_106 : memref<10240x48xf32, #tpu.memory_space<vmem_shared>>) offsets(%dma_start3A_103 : memref<128xi32, #tpu.memory_space<vmem>>) semaphore(%arg18 : memref<!tpu.dma_semaphore, #tpu.memory_space<semaphore_mem>>) {add = true}
        %add3A_107 = arith.constant 2 : i32
        %add3A_108 = arith.addi %add3A_72, %add3A_107 : i32
        %lt3A_109 = arith.cmpi slt, %add3A_108, %add3A_7 : i32
        %convert_element_type3A_110 = arith.extui %lt3A_109 : i1 to i32
        %cond3A_111 = arith.constant 0 : i32
        %cond3A_112 = arith.cmpi ne, %convert_element_type3A_110, %cond3A_111 : i32
        scf.if %cond3A_112 {
          %ge3A = arith.constant 2 : i32
          %ge3A_113 = arith.cmpi sge, %add3A_72, %ge3A : i32
          %convert_element_type3A_114 = arith.extui %ge3A_113 : i1 to i32
          %cond3A_115 = arith.constant 0 : i32
          %cond3A_116 = arith.cmpi ne, %convert_element_type3A_114, %cond3A_115 : i32
          scf.if %cond3A_116 {
            %dma_wait3A_126 = arith.constant 0 : i32
            %dma_wait3A_127 = arith.constant 0 : i32
            %dma_wait3A_128 = tpu.memref_slice %arg7[%dma_wait3A_126, %dma_wait3A_127] : memref<79x128xi32, #tpu.memory_space<vmem>> -> memref<1x128xi32, #tpu.memory_space<vmem>>
            %dma_wait3A_129 = tpu.memref_squeeze %dma_wait3A_128 : memref<1x128xi32, #tpu.memory_space<vmem>> -> memref<128xi32, #tpu.memory_space<vmem>>
            %dma_wait3A_130 = arith.constant 0 : i32
            %dma_wait3A_131 = arith.constant 0 : i32
            %dma_wait3A_132 = tpu.memref_slice %arg12[%dma_wait3A_130, %dma_wait3A_131] : memref<10240x48xf32, #tpu.memory_space<vmem_shared>> -> memref<10240x48xf32, #tpu.memory_space<vmem_shared>>
            tpu.wait_indirect_dma semaphore(%arg20 : memref<!tpu.dma_semaphore, #tpu.memory_space<semaphore_mem>>) src(%arg11 : memref<128x48xf32, #tpu.memory_space<vmem>>) dst(%dma_wait3A_132 : memref<10240x48xf32, #tpu.memory_space<vmem_shared>>)
          } else {
          }
          %add3A_117 = arith.constant 2 : i32
          %add3A_118 = arith.addi %add3A_72, %add3A_117 : i32
          %add3A_119 = arith.addi %add3A_118, %sub3A : i32
          %dma_start3A_120 = arith.constant 0 : i32
          %dma_start3A_121 = tpu.memref_slice %arg6[%add3A_119, %dma_start3A_120] : memref<79x128xi32, #tpu.memory_space<vmem>> -> memref<1x128xi32, #tpu.memory_space<vmem>>
          %dma_start3A_122 = tpu.memref_squeeze %dma_start3A_121 : memref<1x128xi32, #tpu.memory_space<vmem>> -> memref<128xi32, #tpu.memory_space<vmem>>
          %dma_start3A_123 = arith.constant 0 : i32
          %dma_start3A_124 = arith.constant 0 : i32
          %dma_start3A_125 = tpu.memref_slice %arg2[%dma_start3A_123, %dma_start3A_124] : memref<10000x48xf32, #tpu.memory_space<hbm>> -> memref<10000x48xf32, #tpu.memory_space<hbm>>
          tpu.enqueue_indirect_dma source(%dma_start3A_125 : memref<10000x48xf32, #tpu.memory_space<hbm>>) target(%arg11 : memref<128x48xf32, #tpu.memory_space<vmem>>) offsets(%dma_start3A_122 : memref<128xi32, #tpu.memory_space<vmem>>) semaphore(%arg16 : memref<!tpu.dma_semaphore, #tpu.memory_space<semaphore_mem>>)
        } else {
        }
      } else {
      }
      %mul3A_77 = arith.constant 4 : i32
      %mul3A_78 = arith.muli %scan3A_61, %mul3A_77 : i32
      %add3A_79 = arith.constant 2 : i32
      %add3A_80 = arith.addi %mul3A_78, %add3A_79 : i32
      %lt3A_81 = arith.cmpi slt, %add3A_80, %add3A_7 : i32
      %convert_element_type3A_82 = arith.extui %lt3A_81 : i1 to i32
      %cond3A_83 = arith.constant 0 : i32
      %cond3A_84 = arith.cmpi ne, %convert_element_type3A_82, %cond3A_83 : i32
      scf.if %cond3A_84 {
        %add3A_93 = arith.addi %add3A_80, %sub3A : i32
        %dma_wait3A_94 = arith.constant 0 : i32
        %dma_wait3A_95 = tpu.memref_slice %arg6[%add3A_93, %dma_wait3A_94] : memref<79x128xi32, #tpu.memory_space<vmem>> -> memref<1x128xi32, #tpu.memory_space<vmem>>
        %dma_wait3A_96 = tpu.memref_squeeze %dma_wait3A_95 : memref<1x128xi32, #tpu.memory_space<vmem>> -> memref<128xi32, #tpu.memory_space<vmem>>
        %dma_wait3A_97 = arith.constant 0 : i32
        %dma_wait3A_98 = arith.constant 0 : i32
        %dma_wait3A_99 = tpu.memref_slice %arg2[%dma_wait3A_97, %dma_wait3A_98] : memref<10000x48xf32, #tpu.memory_space<hbm>> -> memref<10000x48xf32, #tpu.memory_space<hbm>>
        tpu.wait_indirect_dma semaphore(%arg15 : memref<!tpu.dma_semaphore, #tpu.memory_space<semaphore_mem>>) src(%dma_wait3A_99 : memref<10000x48xf32, #tpu.memory_space<hbm>>) dst(%arg10 : memref<128x48xf32, #tpu.memory_space<vmem>>)
        %add3A_100 = arith.addi %add3A_80, %sub3A : i32
        %dma_start3A_101 = arith.constant 0 : i32
        %dma_start3A_102 = tpu.memref_slice %arg7[%add3A_100, %dma_start3A_101] : memref<79x128xi32, #tpu.memory_space<vmem>> -> memref<1x128xi32, #tpu.memory_space<vmem>>
        %dma_start3A_103 = tpu.memref_squeeze %dma_start3A_102 : memref<1x128xi32, #tpu.memory_space<vmem>> -> memref<128xi32, #tpu.memory_space<vmem>>
        %dma_start3A_104 = arith.constant 0 : i32
        %dma_start3A_105 = arith.constant 0 : i32
        %dma_start3A_106 = tpu.memref_slice %arg12[%dma_start3A_104, %dma_start3A_105] : memref<10240x48xf32, #tpu.memory_space<vmem_shared>> -> memref<10240x48xf32, #tpu.memory_space<vmem_shared>>
        tpu.enqueue_indirect_dma source(%arg10 : memref<128x48xf32, #tpu.memory_space<vmem>>) target(%dma_start3A_106 : memref<10240x48xf32, #tpu.memory_space<vmem_shared>>) offsets(%dma_start3A_103 : memref<128xi32, #tpu.memory_space<vmem>>) semaphore(%arg19 : memref<!tpu.dma_semaphore, #tpu.memory_space<semaphore_mem>>) {add = true}
        %add3A_107 = arith.constant 2 : i32
        %add3A_108 = arith.addi %add3A_80, %add3A_107 : i32
        %lt3A_109 = arith.cmpi slt, %add3A_108, %add3A_7 : i32
        %convert_element_type3A_110 = arith.extui %lt3A_109 : i1 to i32
        %cond3A_111 = arith.constant 0 : i32
        %cond3A_112 = arith.cmpi ne, %convert_element_type3A_110, %cond3A_111 : i32
        scf.if %cond3A_112 {
          %ge3A = arith.constant 2 : i32
          %ge3A_113 = arith.cmpi sge, %add3A_80, %ge3A : i32
          %convert_element_type3A_114 = arith.extui %ge3A_113 : i1 to i32
          %cond3A_115 = arith.constant 0 : i32
          %cond3A_116 = arith.cmpi ne, %convert_element_type3A_114, %cond3A_115 : i32
          scf.if %cond3A_116 {
            %dma_wait3A_126 = arith.constant 0 : i32
            %dma_wait3A_127 = arith.constant 0 : i32
            %dma_wait3A_128 = tpu.memref_slice %arg7[%dma_wait3A_126, %dma_wait3A_127] : memref<79x128xi32, #tpu.memory_space<vmem>> -> memref<1x128xi32, #tpu.memory_space<vmem>>
            %dma_wait3A_129 = tpu.memref_squeeze %dma_wait3A_128 : memref<1x128xi32, #tpu.memory_space<vmem>> -> memref<128xi32, #tpu.memory_space<vmem>>
            %dma_wait3A_130 = arith.constant 0 : i32
            %dma_wait3A_131 = arith.constant 0 : i32
            %dma_wait3A_132 = tpu.memref_slice %arg12[%dma_wait3A_130, %dma_wait3A_131] : memref<10240x48xf32, #tpu.memory_space<vmem_shared>> -> memref<10240x48xf32, #tpu.memory_space<vmem_shared>>
            tpu.wait_indirect_dma semaphore(%arg17 : memref<!tpu.dma_semaphore, #tpu.memory_space<semaphore_mem>>) src(%arg8 : memref<128x48xf32, #tpu.memory_space<vmem>>) dst(%dma_wait3A_132 : memref<10240x48xf32, #tpu.memory_space<vmem_shared>>)
          } else {
          }
          %add3A_117 = arith.constant 2 : i32
          %add3A_118 = arith.addi %add3A_80, %add3A_117 : i32
          %add3A_119 = arith.addi %add3A_118, %sub3A : i32
          %dma_start3A_120 = arith.constant 0 : i32
          %dma_start3A_121 = tpu.memref_slice %arg6[%add3A_119, %dma_start3A_120] : memref<79x128xi32, #tpu.memory_space<vmem>> -> memref<1x128xi32, #tpu.memory_space<vmem>>
          %dma_start3A_122 = tpu.memref_squeeze %dma_start3A_121 : memref<1x128xi32, #tpu.memory_space<vmem>> -> memref<128xi32, #tpu.memory_space<vmem>>
          %dma_start3A_123 = arith.constant 0 : i32
          %dma_start3A_124 = arith.constant 0 : i32
          %dma_start3A_125 = tpu.memref_slice %arg2[%dma_start3A_123, %dma_start3A_124] : memref<10000x48xf32, #tpu.memory_space<hbm>> -> memref<10000x48xf32, #tpu.memory_space<hbm>>
          tpu.enqueue_indirect_dma source(%dma_start3A_125 : memref<10000x48xf32, #tpu.memory_space<hbm>>) target(%arg8 : memref<128x48xf32, #tpu.memory_space<vmem>>) offsets(%dma_start3A_122 : memref<128xi32, #tpu.memory_space<vmem>>) semaphore(%arg13 : memref<!tpu.dma_semaphore, #tpu.memory_space<semaphore_mem>>)
        } else {
        }
      } else {
      }
      %mul3A_85 = arith.constant 4 : i32
      %mul3A_86 = arith.muli %scan3A_61, %mul3A_85 : i32
      %add3A_87 = arith.constant 3 : i32
      %add3A_88 = arith.addi %mul3A_86, %add3A_87 : i32
      %lt3A_89 = arith.cmpi slt, %add3A_88, %add3A_7 : i32
      %convert_element_type3A_90 = arith.extui %lt3A_89 : i1 to i32
      %cond3A_91 = arith.constant 0 : i32
      %cond3A_92 = arith.cmpi ne, %convert_element_type3A_90, %cond3A_91 : i32
      scf.if %cond3A_92 {
        %add3A_93 = arith.addi %add3A_88, %sub3A : i32
        %dma_wait3A_94 = arith.constant 0 : i32
        %dma_wait3A_95 = tpu.memref_slice %arg6[%add3A_93, %dma_wait3A_94] : memref<79x128xi32, #tpu.memory_space<vmem>> -> memref<1x128xi32, #tpu.memory_space<vmem>>
        %dma_wait3A_96 = tpu.memref_squeeze %dma_wait3A_95 : memref<1x128xi32, #tpu.memory_space<vmem>> -> memref<128xi32, #tpu.memory_space<vmem>>
        %dma_wait3A_97 = arith.constant 0 : i32
        %dma_wait3A_98 = arith.constant 0 : i32
        %dma_wait3A_99 = tpu.memref_slice %arg2[%dma_wait3A_97, %dma_wait3A_98] : memref<10000x48xf32, #tpu.memory_space<hbm>> -> memref<10000x48xf32, #tpu.memory_space<hbm>>
        tpu.wait_indirect_dma semaphore(%arg16 : memref<!tpu.dma_semaphore, #tpu.memory_space<semaphore_mem>>) src(%dma_wait3A_99 : memref<10000x48xf32, #tpu.memory_space<hbm>>) dst(%arg11 : memref<128x48xf32, #tpu.memory_space<vmem>>)
        %add3A_100 = arith.addi %add3A_88, %sub3A : i32
        %dma_start3A_101 = arith.constant 0 : i32
        %dma_start3A_102 = tpu.memref_slice %arg7[%add3A_100, %dma_start3A_101] : memref<79x128xi32, #tpu.memory_space<vmem>> -> memref<1x128xi32, #tpu.memory_space<vmem>>
        %dma_start3A_103 = tpu.memref_squeeze %dma_start3A_102 : memref<1x128xi32, #tpu.memory_space<vmem>> -> memref<128xi32, #tpu.memory_space<vmem>>
        %dma_start3A_104 = arith.constant 0 : i32
        %dma_start3A_105 = arith.constant 0 : i32
        %dma_start3A_106 = tpu.memref_slice %arg12[%dma_start3A_104, %dma_start3A_105] : memref<10240x48xf32, #tpu.memory_space<vmem_shared>> -> memref<10240x48xf32, #tpu.memory_space<vmem_shared>>
        tpu.enqueue_indirect_dma source(%arg11 : memref<128x48xf32, #tpu.memory_space<vmem>>) target(%dma_start3A_106 : memref<10240x48xf32, #tpu.memory_space<vmem_shared>>) offsets(%dma_start3A_103 : memref<128xi32, #tpu.memory_space<vmem>>) semaphore(%arg20 : memref<!tpu.dma_semaphore, #tpu.memory_space<semaphore_mem>>) {add = true}
        %add3A_107 = arith.constant 2 : i32
        %add3A_108 = arith.addi %add3A_88, %add3A_107 : i32
        %lt3A_109 = arith.cmpi slt, %add3A_108, %add3A_7 : i32
        %convert_element_type3A_110 = arith.extui %lt3A_109 : i1 to i32
        %cond3A_111 = arith.constant 0 : i32
        %cond3A_112 = arith.cmpi ne, %convert_element_type3A_110, %cond3A_111 : i32
        scf.if %cond3A_112 {
          %ge3A = arith.constant 2 : i32
          %ge3A_113 = arith.cmpi sge, %add3A_88, %ge3A : i32
          %convert_element_type3A_114 = arith.extui %ge3A_113 : i1 to i32
          %cond3A_115 = arith.constant 0 : i32
          %cond3A_116 = arith.cmpi ne, %convert_element_type3A_114, %cond3A_115 : i32
          scf.if %cond3A_116 {
            %dma_wait3A_126 = arith.constant 0 : i32
            %dma_wait3A_127 = arith.constant 0 : i32
            %dma_wait3A_128 = tpu.memref_slice %arg7[%dma_wait3A_126, %dma_wait3A_127] : memref<79x128xi32, #tpu.memory_space<vmem>> -> memref<1x128xi32, #tpu.memory_space<vmem>>
            %dma_wait3A_129 = tpu.memref_squeeze %dma_wait3A_128 : memref<1x128xi32, #tpu.memory_space<vmem>> -> memref<128xi32, #tpu.memory_space<vmem>>
            %dma_wait3A_130 = arith.constant 0 : i32
            %dma_wait3A_131 = arith.constant 0 : i32
            %dma_wait3A_132 = tpu.memref_slice %arg12[%dma_wait3A_130, %dma_wait3A_131] : memref<10240x48xf32, #tpu.memory_space<vmem_shared>> -> memref<10240x48xf32, #tpu.memory_space<vmem_shared>>
            tpu.wait_indirect_dma semaphore(%arg18 : memref<!tpu.dma_semaphore, #tpu.memory_space<semaphore_mem>>) src(%arg9 : memref<128x48xf32, #tpu.memory_space<vmem>>) dst(%dma_wait3A_132 : memref<10240x48xf32, #tpu.memory_space<vmem_shared>>)
          } else {
          }
          %add3A_117 = arith.constant 2 : i32
          %add3A_118 = arith.addi %add3A_88, %add3A_117 : i32
          %add3A_119 = arith.addi %add3A_118, %sub3A : i32
          %dma_start3A_120 = arith.constant 0 : i32
          %dma_start3A_121 = tpu.memref_slice %arg6[%add3A_119, %dma_start3A_120] : memref<79x128xi32, #tpu.memory_space<vmem>> -> memref<1x128xi32, #tpu.memory_space<vmem>>
          %dma_start3A_122 = tpu.memref_squeeze %dma_start3A_121 : memref<1x128xi32, #tpu.memory_space<vmem>> -> memref<128xi32, #tpu.memory_space<vmem>>
          %dma_start3A_123 = arith.constant 0 : i32
          %dma_start3A_124 = arith.constant 0 : i32
          %dma_start3A_125 = tpu.memref_slice %arg2[%dma_start3A_123, %dma_start3A_124] : memref<10000x48xf32, #tpu.memory_space<hbm>> -> memref<10000x48xf32, #tpu.memory_space<hbm>>
          tpu.enqueue_indirect_dma source(%dma_start3A_125 : memref<10000x48xf32, #tpu.memory_space<hbm>>) target(%arg9 : memref<128x48xf32, #tpu.memory_space<vmem>>) offsets(%dma_start3A_122 : memref<128xi32, #tpu.memory_space<vmem>>) semaphore(%arg14 : memref<!tpu.dma_semaphore, #tpu.memory_space<semaphore_mem>>)
        } else {
        }
      } else {
      }
    }
    %scan3A_32 = arith.constant 20 : i32
    %dma_wait3A = arith.constant 0 : i32
    %dma_wait3A_33 = arith.constant 0 : i32
    %dma_wait3A_34 = tpu.memref_slice %arg7[%dma_wait3A, %dma_wait3A_33] : memref<79x128xi32, #tpu.memory_space<vmem>> -> memref<1x128xi32, #tpu.memory_space<vmem>>
    %dma_wait3A_35 = tpu.memref_squeeze %dma_wait3A_34 : memref<1x128xi32, #tpu.memory_space<vmem>> -> memref<128xi32, #tpu.memory_space<vmem>>
    %dma_wait3A_36 = arith.constant 0 : i32
    %dma_wait3A_37 = arith.constant 0 : i32
    %dma_wait3A_38 = tpu.memref_slice %arg12[%dma_wait3A_36, %dma_wait3A_37] : memref<10240x48xf32, #tpu.memory_space<vmem_shared>> -> memref<10240x48xf32, #tpu.memory_space<vmem_shared>>
    tpu.wait_indirect_dma semaphore(%arg17 : memref<!tpu.dma_semaphore, #tpu.memory_space<semaphore_mem>>) src(%arg8 : memref<128x48xf32, #tpu.memory_space<vmem>>) dst(%dma_wait3A_38 : memref<10240x48xf32, #tpu.memory_space<vmem_shared>>)
    %dma_wait3A_39 = arith.constant 0 : i32
    %dma_wait3A_40 = arith.constant 0 : i32
    %dma_wait3A_41 = tpu.memref_slice %arg7[%dma_wait3A_39, %dma_wait3A_40] : memref<79x128xi32, #tpu.memory_space<vmem>> -> memref<1x128xi32, #tpu.memory_space<vmem>>
    %dma_wait3A_42 = tpu.memref_squeeze %dma_wait3A_41 : memref<1x128xi32, #tpu.memory_space<vmem>> -> memref<128xi32, #tpu.memory_space<vmem>>
    %dma_wait3A_43 = arith.constant 0 : i32
    %dma_wait3A_44 = arith.constant 0 : i32
    %dma_wait3A_45 = tpu.memref_slice %arg12[%dma_wait3A_43, %dma_wait3A_44] : memref<10240x48xf32, #tpu.memory_space<vmem_shared>> -> memref<10240x48xf32, #tpu.memory_space<vmem_shared>>
    tpu.wait_indirect_dma semaphore(%arg18 : memref<!tpu.dma_semaphore, #tpu.memory_space<semaphore_mem>>) src(%arg9 : memref<128x48xf32, #tpu.memory_space<vmem>>) dst(%dma_wait3A_45 : memref<10240x48xf32, #tpu.memory_space<vmem_shared>>)
    %dma_wait3A_46 = arith.constant 0 : i32
    %dma_wait3A_47 = arith.constant 0 : i32
    %dma_wait3A_48 = tpu.memref_slice %arg7[%dma_wait3A_46, %dma_wait3A_47] : memref<79x128xi32, #tpu.memory_space<vmem>> -> memref<1x128xi32, #tpu.memory_space<vmem>>
    %dma_wait3A_49 = tpu.memref_squeeze %dma_wait3A_48 : memref<1x128xi32, #tpu.memory_space<vmem>> -> memref<128xi32, #tpu.memory_space<vmem>>
    %dma_wait3A_50 = arith.constant 0 : i32
    %dma_wait3A_51 = arith.constant 0 : i32
    %dma_wait3A_52 = tpu.memref_slice %arg12[%dma_wait3A_50, %dma_wait3A_51] : memref<10240x48xf32, #tpu.memory_space<vmem_shared>> -> memref<10240x48xf32, #tpu.memory_space<vmem_shared>>
    tpu.wait_indirect_dma semaphore(%arg19 : memref<!tpu.dma_semaphore, #tpu.memory_space<semaphore_mem>>) src(%arg10 : memref<128x48xf32, #tpu.memory_space<vmem>>) dst(%dma_wait3A_52 : memref<10240x48xf32, #tpu.memory_space<vmem_shared>>)
    %dma_wait3A_53 = arith.constant 0 : i32
    %dma_wait3A_54 = arith.constant 0 : i32
    %dma_wait3A_55 = tpu.memref_slice %arg7[%dma_wait3A_53, %dma_wait3A_54] : memref<79x128xi32, #tpu.memory_space<vmem>> -> memref<1x128xi32, #tpu.memory_space<vmem>>
    %dma_wait3A_56 = tpu.memref_squeeze %dma_wait3A_55 : memref<1x128xi32, #tpu.memory_space<vmem>> -> memref<128xi32, #tpu.memory_space<vmem>>
    %dma_wait3A_57 = arith.constant 0 : i32
    %dma_wait3A_58 = arith.constant 0 : i32
    %dma_wait3A_59 = tpu.memref_slice %arg12[%dma_wait3A_57, %dma_wait3A_58] : memref<10240x48xf32, #tpu.memory_space<vmem_shared>> -> memref<10240x48xf32, #tpu.memory_space<vmem_shared>>
    tpu.wait_indirect_dma semaphore(%arg20 : memref<!tpu.dma_semaphore, #tpu.memory_space<semaphore_mem>>) src(%arg11 : memref<128x48xf32, #tpu.memory_space<vmem>>) dst(%dma_wait3A_59 : memref<10240x48xf32, #tpu.memory_space<vmem_shared>>)
    %barrier3A_60 = arith.constant 0 : index
    tpu.barrier barrier_id(%barrier3A_60)
    "tpu.region"() ({
      %run_scoped3A_61 = tpu.sem_alloc : memref<!tpu.dma_semaphore, #tpu.memory_space<semaphore_mem>>
      %dma_start3A_62 = arith.constant 0 : i32
      %dma_start3A_63 = tpu.memref_slice %arg5[%arg0, %mul3A_11, %dma_start3A_62] : memref<2x10240x48xf32, #tpu.memory_space<hbm>> -> memref<1x640x48xf32, #tpu.memory_space<hbm>>
      %dma_start3A_64 = tpu.memref_squeeze %dma_start3A_63 : memref<1x640x48xf32, #tpu.memory_space<hbm>> -> memref<640x48xf32, #tpu.memory_space<hbm>>
      %dma_start3A_65 = arith.constant 0 : i32
      %dma_start3A_66 = tpu.memref_slice %arg12[%mul3A_11, %dma_start3A_65] : memref<10240x48xf32, #tpu.memory_space<vmem_shared>> -> memref<640x48xf32, #tpu.memory_space<vmem_shared>>
      tpu.enqueue_dma source(%dma_start3A_66 : memref<640x48xf32, #tpu.memory_space<vmem_shared>>) target(%dma_start3A_64 : memref<640x48xf32, #tpu.memory_space<hbm>>) target_semaphore(%run_scoped3A_61 : memref<!tpu.dma_semaphore, #tpu.memory_space<semaphore_mem>>)
      %dma_wait3A_67 = arith.constant 0 : i32
      %dma_wait3A_68 = tpu.memref_slice %arg5[%arg0, %mul3A_11, %dma_wait3A_67] : memref<2x10240x48xf32, #tpu.memory_space<hbm>> -> memref<1x640x48xf32, #tpu.memory_space<hbm>>
      %dma_wait3A_69 = tpu.memref_squeeze %dma_wait3A_68 : memref<1x640x48xf32, #tpu.memory_space<hbm>> -> memref<640x48xf32, #tpu.memory_space<hbm>>
      %dma_wait3A_70 = arith.constant 0 : i32
      %dma_wait3A_71 = tpu.memref_slice %arg12[%mul3A_11, %dma_wait3A_70] : memref<10240x48xf32, #tpu.memory_space<vmem_shared>> -> memref<640x48xf32, #tpu.memory_space<vmem_shared>>
      tpu.wait_dma2 semaphore(%run_scoped3A_61 : memref<!tpu.dma_semaphore, #tpu.memory_space<semaphore_mem>>) src(%dma_wait3A_71 : memref<640x48xf32, #tpu.memory_space<vmem_shared>>) dst(%dma_wait3A_69 : memref<640x48xf32, #tpu.memory_space<hbm>>)
      tpu.yield
    }) : () -> ()
    return
  }
}

module attributes {stable_mosaic.version = 14 : i64} {
  func.func @body(%arg0: i32, %arg1: memref<1000x128xf32, #tpu.memory_space<vmem>>, %arg2: memref<2x1000x16xf32, #tpu.memory_space<vmem>>, %arg3: memref<2x1000x72xf32, #tpu.memory_space<vmem>>) attributes {dimension_semantics = [#tpu.dimension_semantics<arbitrary>], iteration_bounds = array<i64: 10>, scalar_prefetch = 0 : i64, scratch_operands = 0 : i64, tpu.core_type = #tpu.core_type<tc>, window_params = [{transform_indices = @transform_0, window_bounds = array<i64: 1000, 128>}, {transform_indices = @transform_1, window_bounds = array<i64: 2, 1000, 16>}, {transform_indices = @transform_2, window_bounds = array<i64: 2, 1000, 72>}]} {
    %get3A = arith.constant 0 : index
    %get3A_0 = arith.constant 0 : index
    %get3A_1 = arith.constant 0 : index
    %get3A_2 = vector.load %arg2[%get3A, %get3A_0, %get3A_1] : memref<2x1000x16xf32, #tpu.memory_space<vmem>>, vector<1x1000x16xf32>
    %get3A_3 = vector.shape_cast %get3A_2 : vector<1x1000x16xf32> to vector<1000x16xf32>
    %get3A_4 = arith.constant 1 : index
    %get3A_5 = arith.constant 0 : index
    %get3A_6 = arith.constant 0 : index
    %get3A_7 = vector.load %arg2[%get3A_4, %get3A_5, %get3A_6] : memref<2x1000x16xf32, #tpu.memory_space<vmem>>, vector<1x1000x16xf32>
    %get3A_8 = vector.shape_cast %get3A_7 : vector<1x1000x16xf32> to vector<1000x16xf32>
    %add3A = arith.addf %get3A_3, %get3A_8 : vector<1000x16xf32>
    %slice3A = vector.extract_strided_slice %add3A {offsets = [0, 0], sizes = [1000, 1], strides = [1, 1]} : vector<1000x16xf32> to vector<1000x1xf32>
    %add3A_9 = arith.constant 1.000000e+00 : f32
    %add3A_10 = vector.broadcast %add3A_9 : f32 to vector<1000x1xf32>
    %add3A_11 = arith.addf %slice3A, %add3A_10 : vector<1000x1xf32>
    %rsqrt3A = math.rsqrt %add3A_11 : vector<1000x1xf32>
    %get3A_12 = arith.constant 0 : index
    %get3A_13 = arith.constant 0 : index
    %get3A_14 = vector.load %arg1[%get3A_12, %get3A_13] : memref<1000x128xf32, #tpu.memory_space<vmem>>, vector<1000x128xf32>
    %mul3A = vector.broadcast %rsqrt3A : vector<1000x1xf32> to vector<1000x128xf32>
    %mul3A_15 = arith.mulf %get3A_14, %mul3A : vector<1000x128xf32>
    %slice3A_16 = vector.extract_strided_slice %mul3A_15 {offsets = [0, 0], sizes = [1000, 72], strides = [1, 1]} : vector<1000x128xf32> to vector<1000x72xf32>
    %swap3A = arith.constant 0 : index
    %swap3A_17 = arith.constant 0 : index
    %swap3A_18 = arith.constant 0 : index
    %swap3A_19 = vector.load %arg3[%swap3A, %swap3A_17, %swap3A_18] : memref<2x1000x72xf32, #tpu.memory_space<vmem>>, vector<1x1000x72xf32>
    %swap3A_20 = vector.shape_cast %swap3A_19 : vector<1x1000x72xf32> to vector<1000x72xf32>
    %swap3A_21 = vector.shape_cast %slice3A_16 : vector<1000x72xf32> to vector<1x1000x72xf32>
    tpu.vector_store %arg3[%swap3A, %swap3A_17, %swap3A_18], %swap3A_21 {strides = array<i32>} : memref<2x1000x72xf32, #tpu.memory_space<vmem>>, vector<1x1000x72xf32>,
    %slice3A_22 = vector.extract_strided_slice %mul3A_15 {offsets = [0, 72], sizes = [1000, 56], strides = [1, 1]} : vector<1000x128xf32> to vector<1000x56xf32>
    %broadcast_in_dim3A = arith.constant 0.000000e+00 : f32
    %broadcast_in_dim3A_23 = vector.broadcast %broadcast_in_dim3A : f32 to vector<1000x15xf32>
    %concatenate3A = tpu.concatenate %slice3A_22, %rsqrt3A, %broadcast_in_dim3A_23 in 1 : vector<1000x56xf32>, vector<1000x1xf32>, vector<1000x15xf32> -> vector<1000x72xf32>
    %swap3A_24 = arith.constant 1 : index
    %swap3A_25 = arith.constant 0 : index
    %swap3A_26 = arith.constant 0 : index
    %swap3A_27 = vector.load %arg3[%swap3A_24, %swap3A_25, %swap3A_26] : memref<2x1000x72xf32, #tpu.memory_space<vmem>>, vector<1x1000x72xf32>
    %swap3A_28 = vector.shape_cast %swap3A_27 : vector<1x1000x72xf32> to vector<1000x72xf32>
    %swap3A_29 = vector.shape_cast %concatenate3A : vector<1000x72xf32> to vector<1x1000x72xf32>
    tpu.vector_store %arg3[%swap3A_24, %swap3A_25, %swap3A_26], %swap3A_29 {strides = array<i32>} : memref<2x1000x72xf32, #tpu.memory_space<vmem>>, vector<1x1000x72xf32>,
    return
  }
  func.func @transform_0(%arg0: i32) -> (i32, i32) {
    %c0_i32 = arith.constant 0 : i32
    %c0_i32_0 = arith.constant 0 : i32
    return %arg0, %c0_i32 : i32, i32
  }
  func.func @transform_1(%arg0: i32) -> (i32, i32, i32) {
    %c0_i32 = arith.constant 0 : i32
    %c0_i32_0 = arith.constant 0 : i32
    %c0_i32_1 = arith.constant 0 : i32
    return %c0_i32, %arg0, %c0_i32_0 : i32, i32, i32
  }
  func.func @transform_2(%arg0: i32) -> (i32, i32, i32) {
    %c0_i32 = arith.constant 0 : i32
    %c0_i32_0 = arith.constant 0 : i32
    %c0_i32_1 = arith.constant 0 : i32
    return %c0_i32, %arg0, %c0_i32_0 : i32, i32, i32
  }
}

module attributes {stable_mosaic.version = 14 : i64} {
  func.func @body(%arg0: i32, %arg1: memref<2x1000x72xf32, #tpu.memory_space<vmem>>, %arg2: memref<2x1000x16xf32, #tpu.memory_space<vmem>>, %arg3: memref<2x1000x16xf32, #tpu.memory_space<vmem>>, %arg4: memref<128x256xf32, #tpu.memory_space<vmem>>, %arg5: memref<1x256xf32, #tpu.memory_space<vmem>>, %arg6: memref<256x48xf32, #tpu.memory_space<vmem>>, %arg7: memref<1x48xf32, #tpu.memory_space<vmem>>, %arg8: memref<1000x48xf32, #tpu.memory_space<vmem>>) attributes {dimension_semantics = [#tpu.dimension_semantics<arbitrary>], iteration_bounds = array<i64: 10>, scalar_prefetch = 0 : i64, scratch_operands = 0 : i64, tpu.core_type = #tpu.core_type<tc>, window_params = [{transform_indices = @transform_0, window_bounds = array<i64: 2, 1000, 72>}, {transform_indices = @transform_1, window_bounds = array<i64: 2, 1000, 16>}, {transform_indices = @transform_2, window_bounds = array<i64: 2, 1000, 16>}, {pipeline_mode = #tpu.pipeline_mode<synchronous>, transform_indices = @transform_3, window_bounds = array<i64: 128, 256>}, {pipeline_mode = #tpu.pipeline_mode<synchronous>, transform_indices = @transform_4, window_bounds = array<i64: 1, 256>}, {pipeline_mode = #tpu.pipeline_mode<synchronous>, transform_indices = @transform_5, window_bounds = array<i64: 256, 48>}, {pipeline_mode = #tpu.pipeline_mode<synchronous>, transform_indices = @transform_6, window_bounds = array<i64: 1, 48>}, {transform_indices = @transform_7, window_bounds = array<i64: 1000, 48>}]} {
    %get3A = arith.constant 0 : index
    %get3A_0 = arith.constant 0 : index
    %get3A_1 = arith.constant 0 : index
    %get3A_2 = vector.load %arg1[%get3A, %get3A_0, %get3A_1] : memref<2x1000x72xf32, #tpu.memory_space<vmem>>, vector<1x1000x72xf32>
    %get3A_3 = vector.shape_cast %get3A_2 : vector<1x1000x72xf32> to vector<1000x72xf32>
    %get3A_4 = arith.constant 1 : index
    %get3A_5 = arith.constant 0 : index
    %get3A_6 = arith.constant 0 : index
    %get3A_7 = vector.load %arg1[%get3A_4, %get3A_5, %get3A_6] : memref<2x1000x72xf32, #tpu.memory_space<vmem>>, vector<1x1000x72xf32>
    %get3A_8 = vector.shape_cast %get3A_7 : vector<1x1000x72xf32> to vector<1000x72xf32>
    %concatenate3A = tpu.concatenate %get3A_3, %get3A_8 in 1 : vector<1000x72xf32>, vector<1000x72xf32> -> vector<1000x144xf32>
    %get3A_9 = arith.constant 0 : index
    %get3A_10 = arith.constant 0 : index
    %get3A_11 = arith.constant 0 : index
    %get3A_12 = vector.load %arg2[%get3A_9, %get3A_10, %get3A_11] : memref<2x1000x16xf32, #tpu.memory_space<vmem>>, vector<1x1000x16xf32>
    %get3A_13 = vector.shape_cast %get3A_12 : vector<1x1000x16xf32> to vector<1000x16xf32>
    %get3A_14 = arith.constant 1 : index
    %get3A_15 = arith.constant 0 : index
    %get3A_16 = arith.constant 0 : index
    %get3A_17 = vector.load %arg2[%get3A_14, %get3A_15, %get3A_16] : memref<2x1000x16xf32, #tpu.memory_space<vmem>>, vector<1x1000x16xf32>
    %get3A_18 = vector.shape_cast %get3A_17 : vector<1x1000x16xf32> to vector<1000x16xf32>
    %add3A = arith.addf %get3A_13, %get3A_18 : vector<1000x16xf32>
    %get3A_19 = arith.constant 0 : index
    %get3A_20 = arith.constant 0 : index
    %get3A_21 = arith.constant 0 : index
    %get3A_22 = vector.load %arg3[%get3A_19, %get3A_20, %get3A_21] : memref<2x1000x16xf32, #tpu.memory_space<vmem>>, vector<1x1000x16xf32>
    %get3A_23 = vector.shape_cast %get3A_22 : vector<1x1000x16xf32> to vector<1000x16xf32>
    %get3A_24 = arith.constant 1 : index
    %get3A_25 = arith.constant 0 : index
    %get3A_26 = arith.constant 0 : index
    %get3A_27 = vector.load %arg3[%get3A_24, %get3A_25, %get3A_26] : memref<2x1000x16xf32, #tpu.memory_space<vmem>>, vector<1x1000x16xf32>
    %get3A_28 = vector.shape_cast %get3A_27 : vector<1x1000x16xf32> to vector<1000x16xf32>
    %add3A_29 = arith.addf %get3A_23, %get3A_28 : vector<1000x16xf32>
    %slice3A = vector.extract_strided_slice %add3A {offsets = [0, 0], sizes = [1000, 1], strides = [1, 1]} : vector<1000x16xf32> to vector<1000x1xf32>
    %add3A_30 = arith.constant 1.000000e+00 : f32
    %add3A_31 = vector.broadcast %add3A_30 : f32 to vector<1000x1xf32>
    %add3A_32 = arith.addf %slice3A, %add3A_31 : vector<1000x1xf32>
    %rsqrt3A = math.rsqrt %add3A_32 : vector<1000x1xf32>
    %slice3A_33 = vector.extract_strided_slice %add3A_29 {offsets = [0, 0], sizes = [1000, 1], strides = [1, 1]} : vector<1000x16xf32> to vector<1000x1xf32>
    %add3A_34 = arith.constant 1.000000e+00 : f32
    %add3A_35 = vector.broadcast %add3A_34 : f32 to vector<1000x1xf32>
    %add3A_36 = arith.addf %slice3A_33, %add3A_35 : vector<1000x1xf32>
    %rsqrt3A_37 = math.rsqrt %add3A_36 : vector<1000x1xf32>
    %slice3A_38 = vector.extract_strided_slice %concatenate3A {offsets = [0, 0], sizes = [1000, 128], strides = [1, 1]} : vector<1000x144xf32> to vector<1000x128xf32>
    %mul3A = vector.broadcast %rsqrt3A_37 : vector<1000x1xf32> to vector<1000x128xf32>
    %mul3A_39 = arith.mulf %slice3A_38, %mul3A : vector<1000x128xf32>
    %slice3A_40 = vector.extract_strided_slice %concatenate3A {offsets = [0, 128], sizes = [1000, 1], strides = [1, 1]} : vector<1000x144xf32> to vector<1000x1xf32>
    %mul3A_41 = arith.mulf %slice3A_40, %rsqrt3A_37 : vector<1000x1xf32>
    %get3A_42 = arith.constant 0 : index
    %get3A_43 = arith.constant 0 : index
    %get3A_44 = vector.load %arg4[%get3A_42, %get3A_43] : memref<128x256xf32, #tpu.memory_space<vmem>>, vector<128x256xf32>
    %dot_general3A = arith.constant dense<0.000000e+00> : vector<1000x256xf32>
    %dot_general3A_45 = tpu.matmul %mul3A_39, %get3A_44, %dot_general3A {dimension_numbers = #tpu.dot_dimension_numbers<[1], [0], [0], [1], [0, 0, 1, 1], [], []>, transpose_lhs_hint = false} : vector<1000x128xf32>, vector<128x256xf32>, vector<1000x256xf32> -> vector<1000x256xf32>
    %get3A_46 = arith.constant 0 : index
    %get3A_47 = arith.constant 0 : index
    %get3A_48 = vector.load %arg5[%get3A_46, %get3A_47] : memref<1x256xf32, #tpu.memory_space<vmem>>, vector<1x256xf32>
    %mul3A_49 = vector.broadcast %mul3A_41 : vector<1000x1xf32> to vector<1000x256xf32>
    %mul3A_50 = vector.broadcast %get3A_48 : vector<1x256xf32> to vector<1000x256xf32>
    %mul3A_51 = arith.mulf %mul3A_49, %mul3A_50 : vector<1000x256xf32>
    %add3A_52 = arith.addf %dot_general3A_45, %mul3A_51 : vector<1000x256xf32>
    %max3A = arith.constant 0.000000e+00 : f32
    %max3A_53 = vector.broadcast %max3A : f32 to vector<1000x256xf32>
    %max3A_54 = arith.maximumf %add3A_52, %max3A_53 : vector<1000x256xf32>
    %get3A_55 = arith.constant 0 : index
    %get3A_56 = arith.constant 0 : index
    %get3A_57 = vector.load %arg6[%get3A_55, %get3A_56] : memref<256x48xf32, #tpu.memory_space<vmem>>, vector<256x48xf32>
    %dot_general3A_58 = arith.constant dense<0.000000e+00> : vector<1000x48xf32>
    %dot_general3A_59 = tpu.matmul %max3A_54, %get3A_57, %dot_general3A_58 {dimension_numbers = #tpu.dot_dimension_numbers<[1], [0], [0], [1], [0, 0, 1, 1], [], []>, transpose_lhs_hint = false} : vector<1000x256xf32>, vector<256x48xf32>, vector<1000x48xf32> -> vector<1000x48xf32>
    %get3A_60 = arith.constant 0 : index
    %get3A_61 = arith.constant 0 : index
    %get3A_62 = vector.load %arg7[%get3A_60, %get3A_61] : memref<1x48xf32, #tpu.memory_space<vmem>>, vector<1x48xf32>
    %add3A_63 = vector.broadcast %get3A_62 : vector<1x48xf32> to vector<1000x48xf32>
    %add3A_64 = arith.addf %dot_general3A_59, %add3A_63 : vector<1000x48xf32>
    %mul3A_65 = vector.broadcast %rsqrt3A : vector<1000x1xf32> to vector<1000x48xf32>
    %mul3A_66 = arith.mulf %mul3A_65, %add3A_64 : vector<1000x48xf32>
    %swap3A = arith.constant 0 : index
    %swap3A_67 = arith.constant 0 : index
    %swap3A_68 = vector.load %arg8[%swap3A, %swap3A_67] : memref<1000x48xf32, #tpu.memory_space<vmem>>, vector<1000x48xf32>
    tpu.vector_store %arg8[%swap3A, %swap3A_67], %mul3A_66 {strides = array<i32>} : memref<1000x48xf32, #tpu.memory_space<vmem>>, vector<1000x48xf32>,
    return
  }
  func.func @transform_0(%arg0: i32) -> (i32, i32, i32) {
    %c0_i32 = arith.constant 0 : i32
    %c0_i32_0 = arith.constant 0 : i32
    %c0_i32_1 = arith.constant 0 : i32
    return %c0_i32, %arg0, %c0_i32_0 : i32, i32, i32
  }
  func.func @transform_1(%arg0: i32) -> (i32, i32, i32) {
    %c0_i32 = arith.constant 0 : i32
    %c0_i32_0 = arith.constant 0 : i32
    %c0_i32_1 = arith.constant 0 : i32
    return %c0_i32, %arg0, %c0_i32_0 : i32, i32, i32
  }
  func.func @transform_2(%arg0: i32) -> (i32, i32, i32) {
    %c0_i32 = arith.constant 0 : i32
    %c0_i32_0 = arith.constant 0 : i32
    %c0_i32_1 = arith.constant 0 : i32
    return %c0_i32, %arg0, %c0_i32_0 : i32, i32, i32
  }
  func.func @transform_3(%arg0: i32) -> (i32, i32) {
    %c0_i32 = arith.constant 0 : i32
    %c0_i32_0 = arith.constant 0 : i32
    %c0_i32_1 = arith.constant 0 : i32
    return %c0_i32, %c0_i32_0 : i32, i32
  }
  func.func @transform_4(%arg0: i32) -> (i32, i32) {
    %c0_i32 = arith.constant 0 : i32
    %c0_i32_0 = arith.constant 0 : i32
    %c0_i32_1 = arith.constant 0 : i32
    return %c0_i32, %c0_i32_0 : i32, i32
  }
  func.func @transform_5(%arg0: i32) -> (i32, i32) {
    %c0_i32 = arith.constant 0 : i32
    %c0_i32_0 = arith.constant 0 : i32
    %c0_i32_1 = arith.constant 0 : i32
    return %c0_i32, %c0_i32_0 : i32, i32
  }
  func.func @transform_6(%arg0: i32) -> (i32, i32) {
    %c0_i32 = arith.constant 0 : i32
    %c0_i32_0 = arith.constant 0 : i32
    %c0_i32_1 = arith.constant 0 : i32
    return %c0_i32, %c0_i32_0 : i32, i32
  }
  func.func @transform_7(%arg0: i32) -> (i32, i32) {
    %c0_i32 = arith.constant 0 : i32
    %c0_i32_0 = arith.constant 0 : i32
    return %arg0, %c0_i32 : i32, i32
  }
}

module attributes {stable_mosaic.version = 14 : i64} {
  func.func @body(%arg0: i32, %arg1: memref<2x1000x48xf32, #tpu.memory_space<vmem>>, %arg2: memref<2x1000x16xf32, #tpu.memory_space<vmem>>, %arg3: memref<1000x40xf32, #tpu.memory_space<vmem>>) attributes {dimension_semantics = [#tpu.dimension_semantics<arbitrary>], iteration_bounds = array<i64: 10>, scalar_prefetch = 0 : i64, scratch_operands = 0 : i64, tpu.core_type = #tpu.core_type<tc>, window_params = [{transform_indices = @transform_0, window_bounds = array<i64: 2, 1000, 48>}, {transform_indices = @transform_1, window_bounds = array<i64: 2, 1000, 16>}, {transform_indices = @transform_2, window_bounds = array<i64: 1000, 40>}]} {
    %get3A = arith.constant 0 : index
    %get3A_0 = arith.constant 0 : index
    %get3A_1 = arith.constant 0 : index
    %get3A_2 = vector.load %arg1[%get3A, %get3A_0, %get3A_1] : memref<2x1000x48xf32, #tpu.memory_space<vmem>>, vector<1x1000x48xf32>
    %get3A_3 = vector.shape_cast %get3A_2 : vector<1x1000x48xf32> to vector<1000x48xf32>
    %get3A_4 = arith.constant 1 : index
    %get3A_5 = arith.constant 0 : index
    %get3A_6 = arith.constant 0 : index
    %get3A_7 = vector.load %arg1[%get3A_4, %get3A_5, %get3A_6] : memref<2x1000x48xf32, #tpu.memory_space<vmem>>, vector<1x1000x48xf32>
    %get3A_8 = vector.shape_cast %get3A_7 : vector<1x1000x48xf32> to vector<1000x48xf32>
    %add3A = arith.addf %get3A_3, %get3A_8 : vector<1000x48xf32>
    %get3A_9 = arith.constant 0 : index
    %get3A_10 = arith.constant 0 : index
    %get3A_11 = arith.constant 0 : index
    %get3A_12 = vector.load %arg2[%get3A_9, %get3A_10, %get3A_11] : memref<2x1000x16xf32, #tpu.memory_space<vmem>>, vector<1x1000x16xf32>
    %get3A_13 = vector.shape_cast %get3A_12 : vector<1x1000x16xf32> to vector<1000x16xf32>
    %get3A_14 = arith.constant 1 : index
    %get3A_15 = arith.constant 0 : index
    %get3A_16 = arith.constant 0 : index
    %get3A_17 = vector.load %arg2[%get3A_14, %get3A_15, %get3A_16] : memref<2x1000x16xf32, #tpu.memory_space<vmem>>, vector<1x1000x16xf32>
    %get3A_18 = vector.shape_cast %get3A_17 : vector<1x1000x16xf32> to vector<1000x16xf32>
    %add3A_19 = arith.addf %get3A_13, %get3A_18 : vector<1000x16xf32>
    %slice3A = vector.extract_strided_slice %add3A_19 {offsets = [0, 0], sizes = [1000, 1], strides = [1, 1]} : vector<1000x16xf32> to vector<1000x1xf32>
    %add3A_20 = arith.constant 1.000000e+00 : f32
    %add3A_21 = vector.broadcast %add3A_20 : f32 to vector<1000x1xf32>
    %add3A_22 = arith.addf %slice3A, %add3A_21 : vector<1000x1xf32>
    %rsqrt3A = math.rsqrt %add3A_22 : vector<1000x1xf32>
    %slice3A_23 = vector.extract_strided_slice %add3A {offsets = [0, 0], sizes = [1000, 40], strides = [1, 1]} : vector<1000x48xf32> to vector<1000x40xf32>
    %mul3A = vector.broadcast %rsqrt3A : vector<1000x1xf32> to vector<1000x40xf32>
    %mul3A_24 = arith.mulf %slice3A_23, %mul3A : vector<1000x40xf32>
    %reduce_max3A = arith.constant dense<0xFF800000> : vector<1000xf32>
    %reduce_max3A_25 = vector.multi_reduction <maximumf>, %mul3A_24, %reduce_max3A [1] : vector<1000x40xf32> to vector<1000xf32>
    %broadcast_in_dim3A = vector.shape_cast %reduce_max3A_25 : vector<1000xf32> to vector<1000x1xf32>
    %sub3A = vector.broadcast %broadcast_in_dim3A : vector<1000x1xf32> to vector<1000x40xf32>
    %sub3A_26 = arith.subf %mul3A_24, %sub3A : vector<1000x40xf32>
    %exp3A = math.exp %sub3A_26 : vector<1000x40xf32>
    %reduce_sum3A = arith.constant dense<0.000000e+00> : vector<1000xf32>
    %reduce_sum3A_27 = vector.multi_reduction <add>, %exp3A, %reduce_sum3A [1] : vector<1000x40xf32> to vector<1000xf32>
    %broadcast_in_dim3A_28 = vector.shape_cast %reduce_sum3A_27 : vector<1000xf32> to vector<1000x1xf32>
    %log3A = math.log %broadcast_in_dim3A_28 : vector<1000x1xf32>
    %sub3A_29 = vector.broadcast %broadcast_in_dim3A : vector<1000x1xf32> to vector<1000x40xf32>
    %sub3A_30 = arith.subf %mul3A_24, %sub3A_29 : vector<1000x40xf32>
    %sub3A_31 = vector.broadcast %log3A : vector<1000x1xf32> to vector<1000x40xf32>
    %sub3A_32 = arith.subf %sub3A_30, %sub3A_31 : vector<1000x40xf32>
    %swap3A = arith.constant 0 : index
    %swap3A_33 = arith.constant 0 : index
    %swap3A_34 = vector.load %arg3[%swap3A, %swap3A_33] : memref<1000x40xf32, #tpu.memory_space<vmem>>, vector<1000x40xf32>
    tpu.vector_store %arg3[%swap3A, %swap3A_33], %sub3A_32 {strides = array<i32>} : memref<1000x40xf32, #tpu.memory_space<vmem>>, vector<1000x40xf32>,
    return
  }
  func.func @transform_0(%arg0: i32) -> (i32, i32, i32) {
    %c0_i32 = arith.constant 0 : i32
    %c0_i32_0 = arith.constant 0 : i32
    %c0_i32_1 = arith.constant 0 : i32
    return %c0_i32, %arg0, %c0_i32_0 : i32, i32, i32
  }
  func.func @transform_1(%arg0: i32) -> (i32, i32, i32) {
    %c0_i32 = arith.constant 0 : i32
    %c0_i32_0 = arith.constant 0 : i32
    %c0_i32_1 = arith.constant 0 : i32
    return %c0_i32, %arg0, %c0_i32_0 : i32, i32, i32
  }
  func.func @transform_2(%arg0: i32) -> (i32, i32) {
    %c0_i32 = arith.constant 0 : i32
    %c0_i32_0 = arith.constant 0 : i32
    return %arg0, %c0_i32 : i32, i32
  }
}

</mosaic_0001>

<sc_bundles>
// kernel: kernel.11.cloned.1.call-start
scs
__scs_entry_jumppad:
0x0: {  	(pc) =	sbr.rel $0x88, $3  }
0x1: {  	(tag) =	ssettag $0x0;
	lr =	simm.s32 $0x1  }
0x2: {  	[smem:$0x3F9B] =	sst lr;
	_ =	strace $0xD0000000  }
0x3: {  	_ = 	snop  }
0x4: {  	_ = 	snop  }
0x5: {  	_ = 	snop  }
0x6: {  	_ = 	snop  }
0x7: {  	_ = 	snop  }
__scs_overlays_trampoline_lowered:
0x8: {  	[smem:$0x3FAA] =	sst s0  }
0x9: {  	[smem:$0x3FAB] =	sst s1  }
0xa: {  	[smem:$0x3FAC] =	sst s2  }
0xb: {  	[smem:$0x3FAD] =	sst s3  }
0xc: {  	[smem:$0x3FAE] =	sst s4  }
0xd: {  	[smem:$0x3FAF] =	sst s5  }
0xe: {  	[smem:$0x3FB0] =	sst s6  }
0xf: {  	[smem:$0x3FB1] =	sst s7  }
0x10: {  	[smem:$0x3FB2] =	sst s8  }
0x11: {  	[smem:$0x3FB3] =	sst s9;
	s0 =	simm.s32 @!p0 $0x0  }
0x12: {  	s1 =	sld [smem:$0x3F99];
	s0 =	simm.s32 @p0 $0x1  }
0x13: {  	[smem:$0x3FB4] =	sst s0;
	s0 =	simm.s32 @!p1 $0x0  }
0x14: {  	s2 =	sld [smem:$0x3F98];
	s0 =	simm.s32 @p1 $0x1  }
0x15: {  	[smem:$0x3FB5] =	sst s0;
	s0 =	simm.s32 @!p2 $0x0  }
0x16: {  	s3 =	sld [smem:$0x3FDB];
	s0 =	simm.s32 @p2 $0x1  }
0x17: {  	s4 =	simm.s32 $0x1BF5;
	[smem:$0x3FB7] =	sst s0  }
0x18: {  	s0 =	sld [smem:$0x3F9A];
	_ =	swait.ge [sflag:s4], $0x0  }
0x19: {  	s7 =	sld [smem:$0x3F9B]  }
0x1a: {  	s8 =	sadd.s32 $0xFFFFE003, lr  }
0x1b: {  	s9 =	sadd.s32 $0xFFFFFEF7, lr;
	s5 =	simm.s32 $0xFFFFFFFF;
	p2 =	slt.u32 s8, $0xFFFFF086  }
0x1c: {  	p1 =	slt.u32 s9, $0xF7A;
	s5 =	simm.s32 @!p2 $0x0  }
0x1d: {  	s5 =	simm.s32 @p1 $0x1;
	p0 =	seq.s32 s7, s2  }
0x1e: {  	s7 =	smul.u32 @!p0 $0xF7A, s2;
	p2 =	seq.s32 @!p0 s5, $0x0  }
0x1f: {  	s9 =	smul.u32 $0xF7A, s1;
	s8 =	simm.s32 @!p0 $0x1BF5;
	p2 =	por !p2, p0  }
0x20: {  	[sflag:s8] =	ssyncset.s32 @!p0 $0xFFFFF086;
	s6 =	sadd.s32 @!p0 s3, s7;
	s7 =	simm.s32 @!p0 $0x108  }
0x21: {  	s3 =	sadd.s32 s3, s9;
	s6 =	sadd.s32 @!p0 $0x88, s6;
	s7 =	simm.s32 @p2 $0x1082  }
0x22: {  	[simem:s7], [sflag:s8] =	dma.local @!p0 [hbm:s6], $0xF7A  }
0x23: {  	s9 =	sor.u32 $0xD0000000, s2;
	s6 =	simm.s32 $0x108;
	_ =	swait.ge @!p0 [sflag:s8], $0x0  }
0x24: {  	s3 =	sadd.s32 $0x88, s3;
	s6 =	simm.s32 @!p1 $0x1082;
	[sflag:s4] =	ssyncset.s32 $0xFFFFF086  }
0x25: {  	[simem:s6], [sflag:s4] =	dma.local [hbm:s3], $0xF7A  }
0x26: {  	[smem:$0x3F9B] =	sst s1;
	(tag) =	ssettag s2;
	_ =	strace s9  }
0x27: {  	s1 =	sld [smem:$0x3FAB]  }
0x28: {  	s2 =	sld [smem:$0x3FAC]  }
0x29: {  	s4 =	sld [smem:$0x3FAE]  }
0x2a: {  	p0 =	seq.s32 s5, $0x0;
	s5 =	sld [smem:$0x3FAF]  }
0x2b: {  	s6 =	sld [smem:$0x3FB0]  }
0x2c: {  	s7 =	sld [smem:$0x3FB1]  }
0x2d: {  	s3 =	simm.s32 $0x108;
	s8 =	sld [smem:$0x3FB2]  }
0x2e: {  	s3 =	simm.s32 @!p0 $0x1082;
	s9 =	sld [smem:$0x3FB3]  }
0x2f: {  	lr =	sadd.s32 s0, s3;
	s0 =	sld [smem:$0x3FAA]  }
0x30: {  	s3 =	sld [smem:$0x3FAD]  }
0x31: {  	[smem:$0x3FB6] =	sst s10  }
0x32: {  	s10 =	sld [smem:$0x3FB4];
	_ =	sdelay $0x3  }
0x33: {  	p0 =	seq.s32 s10, $0x1;
	s10 =	sld [smem:$0x3FB6];
	_ =	sdelay $0x3  }
0x34: {  	[smem:$0x3FB6] =	sst s10  }
0x35: {  	s10 =	sld [smem:$0x3FB5];
	_ =	sdelay $0x3  }
0x36: {  	p1 =	seq.s32 s10, $0x1;
	s10 =	sld [smem:$0x3FB6];
	_ =	sdelay $0x3  }
0x37: {  	[smem:$0x3FB6] =	sst s10  }
0x38: {  	s10 =	sld [smem:$0x3FB7]  }
0x39: {  	_ = 	snop;
	(pc) =	sbr.ind lr, $3  }
0x3a: {  	_ = 	snop  }
0x3b: {  	_ = 	snop  }
0x3c: {  	p2 =	seq.s32 s10, $0x1;
	s10 =	sld [smem:$0x3FB6]  }
0x3d: {  	_ =	shalt  }
0x3e: {  	_ =	shalt  }
0x3f: {  	_ =	shalt  }
0x40: {  	_ =	shalt  }
0x41: {  	_ =	shalt  }
0x42: {  	_ =	shalt  }
0x43: {  	_ =	shalt  }
0x44: {  	_ =	shalt  }
0x45: {  	_ =	shalt  }
0x46: {  	_ =	shalt  }
0x47: {  	_ =	shalt  }
0x48: {  	_ =	shalt  }
0x49: {  	_ =	shalt  }
0x4a: {  	_ =	shalt  }
0x4b: {  	_ =	shalt  }
0x4c: {  	_ =	shalt  }
0x4d: {  	_ =	shalt  }
0x4e: {  	_ =	shalt  }
0x4f: {  	_ =	shalt  }
0x50: {  	_ =	shalt  }
0x51: {  	_ =	shalt  }
0x52: {  	_ =	shalt  }
0x53: {  	_ =	shalt  }
0x54: {  	_ =	shalt  }
0x55: {  	_ =	shalt  }
0x56: {  	_ =	shalt  }
0x57: {  	_ =	shalt  }
0x58: {  	_ =	shalt  }
0x59: {  	_ =	shalt  }
0x5a: {  	_ =	shalt  }
0x5b: {  	_ =	shalt  }
0x5c: {  	_ =	shalt  }
0x5d: {  	_ =	shalt  }
0x5e: {  	_ =	shalt  }
0x5f: {  	_ =	shalt  }
0x60: {  	_ =	shalt  }
0x61: {  	_ =	shalt  }
0x62: {  	_ =	shalt  }
0x63: {  	_ =	shalt  }
0x64: {  	_ =	shalt  }
0x65: {  	_ =	shalt  }
0x66: {  	_ =	shalt  }
0x67: {  	_ =	shalt  }
0x68: {  	_ =	shalt  }
0x69: {  	_ =	shalt  }
0x6a: {  	_ =	shalt  }
0x6b: {  	_ =	shalt  }
0x6c: {  	_ =	shalt  }
0x6d: {  	_ =	shalt  }
0x6e: {  	_ =	shalt  }
0x6f: {  	_ =	shalt  }
0x70: {  	_ =	shalt  }
0x71: {  	_ =	shalt  }
0x72: {  	_ =	shalt  }
0x73: {  	_ =	shalt  }
0x74: {  	_ =	shalt  }
0x75: {  	_ =	shalt  }
0x76: {  	_ =	shalt  }
0x77: {  	_ =	shalt  }
0x78: {  	_ =	shalt  }
0x79: {  	_ =	shalt  }
0x7a: {  	_ =	shalt  }
0x7b: {  	_ =	shalt  }
0x7c: {  	_ =	shalt  }
0x7d: {  	_ =	shalt  }
0x7e: {  	_ =	shalt  }
0x7f: {  	_ =	shalt  }
0x80: {  	_ =	shalt  }
0x81: {  	_ =	shalt  }
0x82: {  	_ =	shalt  }
0x83: {  	_ =	shalt  }
0x84: {  	_ =	shalt  }
0x85: {  	_ =	shalt  }
0x86: {  	_ =	shalt  }
0x87: {  	_ =	shalt  }
.Lfunc_end0:
.L_simem_size_0:
called_computation.1_lowered:
.L_overlay_start_0:
0x88: {  	s2 =	sld [smem:$0x3FD9]  }
0x89: {  	s3 =	sld [smem:$0x3FFE];
	_ =	sdelay $0x1  }
0x8a: {  	s1 =	srdreg.scid  }
0x8b: {  	s0 =	sand.u32 $0x1, s1  }
0x8c: {  	s16 =	sshll.u32 s0, $0xA;
	s2 =	sadd.s32 s3, s2  }
0x8d: {  	s2 =	sadd.s32 s2, s16  }
0x8e: {  	[smem:$0x3FC2] =	sst s2  }
0x8f: {  	_ = 	snop  }
0x90: {  	(tm) =	ssettm $0x1  }
0x91: {  	s17 =	sld [smem:$0x3FFB];
	_ =	sdelay $0x3  }
0x92: {  	_ =	strace s17  }
0x93: {  	s2 =	sld [smem:$0x3FFC];
	_ =	sdelay $0x3  }
0x94: {  	_ =	strace s2  }
0x95: {  	s2 =	sld [smem:$0x3FFD];
	_ =	sdelay $0x3  }
0x96: {  	_ =	strace s2  }
0x97: {  	_ =	strace $0x8FFFFFFF  }
0x98: {  	s18 =	sld [smem:$0x3FDB];
	_ =	sdelay $0x1  }
0x99: {  	s19 =	simm.s32 $_scs_section_size  }
0x9a: {  	s4 =	simm.s32 $_size__tile_overlayer_lowered;
	s5 =	simm.s32 $_tile_overlayer_lowered  }
0x9b: {  	s22 =	simm.s32 $0x1BFF;
	s21 =	sshll.u32 s5, $0x1;
	s2 =	sadd.s32 s19, s18  }
0x9c: {  	s6 =	simm.s32 $0x0;
	s20 =	sshll.u32 s4, $0x1;
	s4 =	sadd.s32 s21, s2  }
0x9d: {  	[timem:s6], [sflag:s22] =	dma.local [hbm:s4], s20  }
0x9e: {  	_ =	swait.ge [sflag:s22], s20  }
0x9f: {  	s3 =	ssub.s32 $0x0, s20;
	[sflag:s22] =	ssyncset.done $0x0  }
0xa0: {  	[sflag:s22] =	ssyncadd.s32 s3;
	_ =	sdelay $0x1  }
0xa1: {  	s23 =	simm.s32 $0x1B8B  }
0xa2: {  	_ =	swait.ge [sflag:s23], $0x1  }
0xa3: {  	[sflag:s23] =	ssyncset.done $0x0  }
0xa4: {  	s25 =	simm.s32 $0x1B8E;
	s24 =	sld [smem:$0x3FFE];
	[sflag:s23] =	ssyncadd.s32 $0xFFFFFFFF  }
0xa5: {  	s26 =	simm.s32 $execute0_lowered;
	[smem:$0x3FD2] =	sst s25  }
0xa6: {  	s4 =	sshll.u32 s26, $0x1;
	_ =	strace $0x80000049;
	[dreg:$0x1] =	wrdreg $0xFFFFFFFF  }
0xa7: {  	s28 =	simm.s32 $_size_execute0_lowered;
	s2 =	sadd.s32 s2, s4;
	[dreg:$0x0] =	wrdreg $0x0  }
0xa8: {  	s4 =	sshll.u32 s28, $0x1;
	[dreg:$0x2] =	wrdreg s2  }
0xa9: {  	[dreg:$0x3] =	wrdreg s4  }
0xaa: {  	[dreg:$0x4] =	wrdreg $0xC0  }
0xab: {  	_ =	task [dreg:s6], $0x5FFFF  }
0xac: {  	[dreg:$0x1] =	wrdreg $0xFFFFFFFF  }
0xad: {  	[dreg:$0x0] =	wrdreg $0x60  }
0xae: {  	[dreg:$0x2] =	wrdreg s24  }
0xaf: {  	[dreg:$0x3] =	wrdreg $0x12D000  }
0xb0: {  	[dreg:$0x4] =	wrdreg $0x9  }
0xb1: {  	_ =	task.clear_ibuf [dreg:s6], $0x5FFFF;
	_ =	strace $0x90000049  }
0xb2: {  	s29 =	simm.s32 $0x9;
	_ =	strace $0x8000004B  }
0xb3: {  	_ =	swait.ge [sflag:s29], $0x1  }
0xb4: {  	[sflag:s29] =	ssyncadd.s32 $0xFFFFFFFF  }
0xb5: {  	_ =	strace $0x9000004B  }
0xb6: {  	_ =	sfence  }
0xb7: {  	s30 =	sld [smem:$0x0];
	_ =	sdelay $0x2  }
0xb8: {  	s31 =	sshll.u32 s1, $0xD;
	s1 =	sshrl.u32 s1, $0x2  }
0xb9: {  	s3 =	sand.u32 $0x4000, s31;
	s1 =	sadd.s32 s1, s30  }
0xba: {  	s0 =	sor.u32 s3, s0;
	s1 =	sshll.u32 s1, $0x11  }
0xbb: {  	s0 =	sor.u32 s1, s0  }
0xbc: {  	s0 =	sadd.s32 $0x8F2B, s0  }
0xbd: {  	[sflag:s0] =	ssyncadd.remote.s32 $0x1  }
0xbe: {  	_ =	sfence.sel $0xFFFF  }
0xbf: {  	[dreg:$0x0] =	wrdreg $0xFFFFFFFF;
	(pc) =	sbr.abs _section_cstart, $3  }
0xc0: {  	[dreg:$0x1] =	wrdreg $0xFFFFFFFF  }
0xc1: {  	_ =	task.clear_ibuf [dreg:s6], $0x2FFFF;
	_ =	strace $0x9FFFFFFF  }
0xc2: {  	(tm) =	ssettm $0x7FFFFFFF  }
0xc3: {  	_ =	shalt  }
tec
execute0_lowered:
.L_overlay_start_1:
0x0: {  	(tag) =	ssettag $0x1  }
0x1: {  	s0 =	rddreg [dreg:$0x0];
	s3 =	stileid.u32  }
0x2: {  	s1 =	srdreg.scid;
	s5 =	smul.u32 $0x9C, s3  }
0x3: {  	s2 =	rddreg [dreg:$0x1];
	s6 =	simm.s32 $0x0;
	s7 =	smul.u32 $0xB400, s3  }
0x4: {  	s15 =	simm.s32 $0x9;
	s1 =	sand.u32 $0x1, s1;
	s24 =	smul.u32 $0x13800, s3  }
0x5: {  	s8 =	smin.u32 s3, $0x4;
	[smem:$0x7FF] =	sst s6;
	s4 =	smul.u32 $0x15F90, s1  }
0x6: {  	p0 =	slt.u32 s3, $0x4;
	s31 =	sshll.u32 s3, $0x6;
	s18 =	smul.u32 $0xB4000, s1  }
0x7: {  	_ =	strace $0x8000004A;
	s1 =	ssub.s32 $0x2, s1;
	s17 =	sor.u32 $0x1C09, s31  }
0x8: {  	s5 =	sadd.s32 s8, s5;
	s20 =	sshrl.u32 s7, $0x3;
	s21 =	sshrl.u32 s1, $0x1  }
0x9: {  	s16 =	sadd.s32 s7, s2;
	s8 =	sshll.u32 s8, $0x9;
	s9 =	smin.u32 s5, $0x927  }
0xa: {  	s10 =	sadd.s32 s4, s0;
	s6 =	sadd.s32 s7, s18;
	s12 =	sadd.s32 s20, s0  }
0xb: {  	s4 =	simm.s32 $0x9D;
	s1 =	ssub.s32 s1, s21;
	s18 =	sshrl.u32 s16, $0x3  }
0xc: {  	s19 =	sshll.u32 s9, $0x4;
	s6 =	sshrl.u32 s6, $0x3;
	s4 =	simm.s32 @!p0 $0x9C  }
0xd: {  	s13 =	ssub.s32 s5, s9;
	s25 =	sadd.s32 $0xA0A00, s12;
	s28 =	sshll.u32 s9, $0x9  }
0xe: {  	s9 =	sadd.s32 $0x74A00, s10;
	s11 =	sadd.s32 s19, s0;
	s0 =	sadd.s32 s6, s0  }
0xf: {  	[dreg:$0x5] =	wrdreg s25;
	s26 =	sshll.u32 s13, $0x9;
	s13 =	smax.u32 s1, $0x1  }
0x10: {  	s19 =	simm.s32 $0x80;
	s25 =	simm.s32 $0x8;
	s22 =	sadd.s32 $0x1E00, s11  }
0x11: {  	s23 =	sadd.s32 $0xBA40, s11;
	s11 =	sadd.s32 s8, s24;
	s8 =	sshra.s32 s26, $0x2  }
0x12: {  	s24 =	simm.s32 $0x7;
	s26 =	simm.s32 $0x0;
	[dreg:$0x3] =	wrdreg s22  }
0x13: {  	[dreg:$0x4] =	wrdreg s23;
	s29 =	ssub.s32 s11, s28;
	s30 =	sadd.s32 $0x80, s8  }
0x14: {  	s11 =	sadd.s32 $0xB7200, s0;
	s22 =	simm.s32 $0x5;
	s12 =	sshra.s32 s29, $0x2  }
0x15: {  	s23 =	simm.s32 $0x6;
	[dreg:$0x6] =	wrdreg s30;
	s14 =	sadd.s32 $0x4E80, s12  }
.LBB2_1:
0x16: {  	s0 =	simm.s32 $0x0;
	s1 =	rddreg [dreg:$0x3]  }
0x17: {  	[tilespmem:s0], [sflag:$0x9] =	stream.linear.gather [hbm4b:s1+s0], $0x4E80, $0x38;
	[tilespmem:$0x1E100] =	vst v63  }
0x18: {  	_ =	swait.ge [sflag:s15], $0x4E80  }
0x19: {  	[sflag:s15] =	ssyncset.done $0x0  }
0x1a: {  	s3 =	simm.s32 $0x4E80;
	s7 =	rddreg [dreg:$0x4];
	[sflag:s15] =	ssyncadd.s32 $0xFFFFB180  }
0x1b: {  	[tilespmem:s3], [sflag:$0x9] =	stream.linear.gather [hbm4b:s7+s0], $0x4E80, $0x38;
	[tilespmem:$0x1E100] =	vst v63  }
0x1c: {  	_ =	swait.ge [sflag:s15], $0x4E80  }
0x1d: {  	[sflag:s15] =	ssyncset.done $0x0  }
0x1e: {  	p0 =	sle.u32 s4, $0x0;
	s10 =	rddreg [dreg:$0x5];
	[sflag:s15] =	ssyncadd.s32 $0xFFFFB180  }
0x1f: {  	[spmem:s18], [sflag:s17] =	dma.local [hbm:s10], $0x1680  }
0x20: {  	s16 =	simm.s32 $0x9D00;
	p2 =	sle.u32 @!p0 s4, $0x2;
	_ =	swait.ge [sflag:s15], $0x1680  }
0x21: {  	s21 =	simm.s32 $0xC100;
	p1 =	por p2, p0;
	[sflag:s15] =	ssyncset.done $0x0  }
0x22: {  	s1 =	sadd.s32 @!p0 $0x0, s14;
	p3 =	por @!p1 $0x1, $0x1;
	[sflag:s15] =	ssyncadd.s32 $0xFFFFE980  }
0x23: {  	s29 =	simm.s32 @!p1 $0x80;
	p2 =	por @!p0 p3, p2;
	[bflag:$0x0] =	sbarrier.arrive $0xFFFF  }
0x24: {  	[tilespmem:s16], [sflag:$0x1] =	stream.indirect.gather [hbm4b:s9+s19], $0x48, s8, s19, $0xb8;
	[tilespmem:$0x1E100] =	vst v63  }
0x25: {  	s0 =	simm.s32 @!p0 $0x1;
	p3 =	por p2, p0;
	s20 =	rddreg [dreg:$0x6]  }
0x26: {  	[tilespmem:s21], [sflag:$0x2] =	stream.indirect.gather [hbm4b:s9+s19], $0x48, s20, s19, $0xb8;
	[tilespmem:$0x1E100] =	vst v63  }
0x27: {  	p2 =	sle.u32 s4, $0x1;
	s28 =	simm.s32 @!p3 $0x7;
	_ =	swait.ge @!p0 [sflag:s0], $0x2400  }
0x28: {  	p4 =	sle.u32 @!p2 s4, $0x3;
	s16 =	simm.s32 @!p0 $0x80;
	[sflag:s0] =	ssyncset.done @!p0 $0x0  }
0x29: {  	s20 =	simm.s32 @!p0 $0x9D00;
	[sflag:s0] =	ssyncadd.s32 @!p0 $0xFFFFDC00;
	s0 =	sadd.s32 @!p1 $0x0, s12  }
0x2a: {  	[spmem:s2] =	stream.indirect.scatter.add.f32 @!p0 [tilespmem:s20], [sflag:$0x5], $0x48, s1, s16, $0xb8;
	[tilespmem:$0x1E100] =	vst v63  }
0x2b: {  	s0 =	sadd.s32 @!p1 $0x100, s0;
	s1 =	simm.s32 @!p1 $0xE500;
	_ =	swait.ge @!p3 [sflag:s28], $0x2400  }
0x2c: {  	s16 =	simm.s32 @!p2 $0xC100;
	p0 =	por p4, p2;
	[sflag:s28] =	ssyncset.done @!p3 $0x0  }
0x2d: {  	s20 =	simm.s32 @!p2 $0x2;
	p5 =	por @!p0 $0x1, $0x1;
	[sflag:s28] =	ssyncadd.s32 @!p3 $0xFFFFDC00  }
0x2e: {  	[tilespmem:s1], [sflag:$0x3] =	stream.indirect.gather @!p1 [hbm4b:s9+s29], $0x48, s0, s29, $0xb8;
	[tilespmem:$0x1E100] =	vst v63  }
0x2f: {  	s28 =	simm.s32 $0x800;
	s0 =	sadd.s32 @!p2 $0x0, s14;
	_ =	swait.ge @!p2 [sflag:s20], $0x2400  }
0x30: {  	p1 =	por @!p2 p5, p4;
	s1 =	simm.s32 @!p2 $0x80;
	[sflag:s20] =	ssyncset.done @!p2 $0x0  }
0x31: {  	p1 =	por p1, p2;
	s0 =	sadd.s32 @!p2 $0x80, s0;
	[sflag:s20] =	ssyncadd.s32 @!p2 $0xFFFFDC00  }
0x32: {  	[spmem:s2] =	stream.indirect.scatter.add.f32 @!p2 [tilespmem:s16], [sflag:$0x6], $0x48, s0, s1, $0xb8;
	[tilespmem:$0x1E100] =	vst v63  }
0x33: {  	s29 =	simm.s32 @!p1 $0x8;
	s0 =	sadd.s32 @!p0 $0x0, s12;
	p2 =	sle.u32 s4, $0x2  }
0x34: {  	s1 =	simm.s32 @!p0 $0x80;
	_ =	swait.ge @!p1 [sflag:s29], $0x2400;
	s0 =	sadd.s32 @!p0 $0x180, s0  }
0x35: {  	s16 =	simm.s32 @!p2 $0x3;
	s20 =	simm.s32 @!p2 $0xE500;
	[sflag:s29] =	ssyncset.done @!p1 $0x0  }
0x36: {  	s30 =	sadd.s32 @!p2 $0x0, s14;
	[sflag:s29] =	ssyncadd.s32 @!p1 $0xFFFFDC00;
	s29 =	simm.s32 @!p0 $0x10900  }
0x37: {  	[tilespmem:s29], [sflag:$0x4] =	stream.indirect.gather @!p0 [hbm4b:s9+s1], $0x48, s0, s1, $0xb8;
	[tilespmem:$0x1E100] =	vst v63  }
0x38: {  	p0 =	sle.u32 @!p2 s4, $0x4;
	s0 =	simm.s32 @!p2 $0x80;
	_ =	swait.ge @!p2 [sflag:s16], $0x2400  }
0x39: {  	s1 =	sadd.s32 @!p2 $0x100, s30;
	p1 =	por p0, p2;
	[sflag:s16] =	ssyncset.done @!p2 $0x0  }
0x3a: {  	s30 =	simm.s32 $0x0;
	s29 =	sadd.s32 @!p1 $0x0, s12;
	[sflag:s16] =	ssyncadd.s32 @!p2 $0xFFFFDC00  }
0x3b: {  	[spmem:s2] =	stream.indirect.scatter.add.f32 @!p2 [tilespmem:s20], [sflag:$0x7], $0x48, s1, s0, $0xb8;
	[tilespmem:$0x1E100] =	vst v63  }
0x3c: {  	s16 =	simm.s32 @!p1 $0x5;
	s0 =	simm.s32 @!p1 $0x9D00;
	s1 =	sadd.s32 @!p1 $0x200, s29  }
0x3d: {  	p2 =	sle.u32 s4, $0x3;
	s20 =	simm.s32 @!p1 $0x80;
	_ =	swait.ge @!p1 [sflag:s16], $0x2400  }
0x3e: {  	s29 =	simm.s32 $0x4;
	s31 =	simm.s32 @!p2 $0x4;
	[sflag:s16] =	ssyncset.done @!p1 $0x0  }
0x3f: {  	p3 =	sle.u32 @!p2 s4, $0x5;
	[sflag:s16] =	ssyncadd.s32 @!p1 $0xFFFFDC00;
	s16 =	sadd.s32 @!p2 $0x0, s14  }
.LBB2_2:
0x40: {  	[tilespmem:s0], [sflag:$0x1] =	stream.indirect.gather @!p1 [hbm4b:s9+s20], $0x48, s1, s20, $0xb8;
	[tilespmem:$0x1E100] =	vst v63  }
0x41: {  	s0 =	smov.u32 s28  }
0x42: {  	s1 =	simm.s32 @!p2 $0x80;
	s20 =	simm.s32 @!p2 $0x10900;
	_ =	swait.ge @!p2 [sflag:s31], $0x2400  }
0x43: {  	s16 =	sadd.s32 @!p2 $0x180, s16;
	p0 =	por p3, p2;
	[sflag:s31] =	ssyncset.done @!p2 $0x0  }
0x44: {  	s30 =	sshra.s32 @!p0 s30, $0x2;
	[sflag:s31] =	ssyncadd.s32 @!p2 $0xFFFFDC00;
	s31 =	simm.s32 @!p0 $0x6  }
0x45: {  	[spmem:s2] =	stream.indirect.scatter.add.f32 @!p2 [tilespmem:s20], [sflag:$0x8], $0x48, s16, s1, $0xb8;
	[tilespmem:$0x1E100] =	vst v63  }
0x46: {  	s1 =	sadd.s32 @!p0 s30, s12;
	s16 =	simm.s32 @!p0 $0x80;
	_ =	swait.ge @!p0 [sflag:s31], $0x2400  }
0x47: {  	s20 =	simm.s32 @!p0 $0xC100;
	s1 =	sadd.s32 @!p0 $0x280, s1;
	[sflag:s31] =	ssyncset.done @!p0 $0x0  }
0x48: {  	p1 =	sge.u32 s29, s4;
	s28 =	sadd.s32 $0x800, s28;
	[sflag:s31] =	ssyncadd.s32 @!p0 $0xFFFFDC00  }
0x49: {  	[tilespmem:s20], [sflag:$0x2] =	stream.indirect.gather @!p0 [hbm4b:s9+s16], $0x48, s1, s16, $0xb8;
	[tilespmem:$0x1E100] =	vst v63  }
0x4a: {  	s1 =	simm.s32 @!p1 $0x1;
	s16 =	sshra.s32 @!p1 s0, $0x2;
	s20 =	sadd.s32 @!p1 $0x2, s29  }
0x4b: {  	s16 =	sadd.s32 @!p1 s16, s14;
	p3 =	sge.u32 @!p1 s20, s4;
	_ =	swait.ge @!p1 [sflag:s1], $0x2400  }
0x4c: {  	p0 =	sne.s32 s28, $0x14000;
	p2 =	por p3, p1;
	[sflag:s1] =	ssyncset.done @!p1 $0x0  }
0x4d: {  	p4 =	seq.s32 @!p2 s0, $0x0;
	[sflag:s1] =	ssyncadd.s32 @!p1 $0xFFFFDC00;
	s1 =	sshra.s32 @!p2 s0, $0x2  }
0x4e: {  	s30 =	smov.u32 s0;
	p3 =	por @!p1 p4, p3;
	s1 =	sadd.s32 @!p2 s1, s12  }
0x4f: {  	s20 =	simm.s32 @!p1 $0x9D00;
	s0 =	simm.s32 @!p1 $0x80;
	p4 =	por p3, p1  }
0x50: {  	s21 =	sadd.s32 $0x1, s29;
	s31 =	simm.s32 @!p4 $0x7;
	s1 =	sadd.s32 @!p2 $0x100, s1  }
0x51: {  	s3 =	simm.s32 @!p2 $0x80;
	s5 =	simm.s32 @!p2 $0xE500;
	p3 =	sge.u32 s21, s4  }
0x52: {  	s21 =	sshra.s32 @!p3 s30, $0x2;
	s6 =	simm.s32 @!p3 $0xC100;
	s7 =	sadd.s32 @!p3 $0x3, s29  }
0x53: {  	s10 =	simm.s32 @!p3 $0x80;
	s21 =	sadd.s32 @!p3 s21, s14;
	p5 =	sge.u32 @!p3 s7, s4  }
0x54: {  	[spmem:s2] =	stream.indirect.scatter.add.f32 @!p1 [tilespmem:s20], [sflag:$0x5], $0x48, s16, s0, $0xb8;
	[tilespmem:$0x1E100] =	vst v63  }
0x55: {  	s0 =	sadd.s32 @!p3 $0x80, s21;
	p1 =	por p5, p3;
	_ =	swait.ge @!p4 [sflag:s31], $0x2400  }
0x56: {  	s7 =	simm.s32 @!p3 $0x2;
	p6 =	seq.s32 @!p1 s30, $0x0;
	[sflag:s31] =	ssyncset.done @!p4 $0x0  }
0x57: {  	s16 =	sshra.s32 @!p1 s30, $0x2;
	[sflag:s31] =	ssyncadd.s32 @!p4 $0xFFFFDC00;
	p4 =	por @!p3 p6, p5  }
0x58: {  	[tilespmem:s5], [sflag:$0x3] =	stream.indirect.gather @!p2 [hbm4b:s9+s3], $0x48, s1, s3, $0xb8;
	[tilespmem:$0x1E100] =	vst v63  }
0x59: {  	p4 =	por p4, p3;
	s1 =	sadd.s32 @!p1 s16, s12;
	_ =	swait.ge @!p3 [sflag:s7], $0x2400  }
0x5a: {  	s3 =	simm.s32 @!p4 $0x8;
	s1 =	sadd.s32 @!p1 $0x180, s1;
	[sflag:s7] =	ssyncset.done @!p3 $0x0  }
0x5b: {  	[sflag:s7] =	ssyncadd.s32 @!p3 $0xFFFFDC00  }
0x5c: {  	[spmem:s2] =	stream.indirect.scatter.add.f32 @!p3 [tilespmem:s6], [sflag:$0x6], $0x48, s0, s10, $0xb8;
	[tilespmem:$0x1E100] =	vst v63  }
0x5d: {  	s0 =	sadd.s32 $0x2, s29;
	_ =	swait.ge @!p4 [sflag:s3], $0x2400  }
0x5e: {  	s5 =	simm.s32 @!p1 $0x80;
	p2 =	sge.u32 s0, s4;
	[sflag:s3] =	ssyncset.done @!p4 $0x0  }
0x5f: {  	s0 =	simm.s32 @!p2 $0x3;
	[sflag:s3] =	ssyncadd.s32 @!p4 $0xFFFFDC00;
	s3 =	simm.s32 @!p2 $0xE500  }
0x60: {  	s6 =	simm.s32 @!p1 $0x10900;
	s7 =	sshra.s32 @!p2 s30, $0x2;
	s10 =	sadd.s32 @!p2 $0x4, s29  }
0x61: {  	s7 =	sadd.s32 @!p2 s7, s14;
	p3 =	sge.u32 @!p2 s10, s4  }
0x62: {  	[tilespmem:s6], [sflag:$0x4] =	stream.indirect.gather @!p1 [hbm4b:s9+s5], $0x48, s1, s5, $0xb8;
	[tilespmem:$0x1E100] =	vst v63  }
0x63: {  	s1 =	simm.s32 @!p2 $0x80;
	p1 =	por p3, p2;
	_ =	swait.ge @!p2 [sflag:s0], $0x2400  }
0x64: {  	s5 =	sadd.s32 @!p2 $0x100, s7;
	[sflag:s0] =	ssyncset.done @!p2 $0x0  }
0x65: {  	s6 =	simm.s32 @!p1 $0x5;
	[sflag:s0] =	ssyncadd.s32 @!p2 $0xFFFFDC00;
	s0 =	sshra.s32 @!p1 s30, $0x2  }
0x66: {  	s10 =	sadd.s32 $0x3, s29;
	s7 =	sadd.s32 @!p1 s0, s12;
	s0 =	simm.s32 @!p1 $0x9D00  }
0x67: {  	[spmem:s2] =	stream.indirect.scatter.add.f32 @!p2 [tilespmem:s3], [sflag:$0x7], $0x48, s5, s1, $0xb8;
	[tilespmem:$0x1E100] =	vst v63  }
.Ltmp0:
0x68: {  	_ = 	snop;
	(pc) =	sbr.rel @p0 .LBB2_2-.Ltmp0, $4  }
0x69: {  	s1 =	sadd.s32 @!p1 $0x200, s7;
	p2 =	sge.u32 s10, s4;
	_ =	swait.ge @!p1 [sflag:s6], $0x2400  }
0x6a: {  	s20 =	simm.s32 @!p1 $0x80;
	s31 =	simm.s32 @!p2 $0x4;
	[sflag:s6] =	ssyncset.done @!p1 $0x0  }
0x6b: {  	s3 =	sshra.s32 @!p2 s30, $0x2;
	s5 =	sadd.s32 @!p2 $0x5, s29;
	[sflag:s6] =	ssyncadd.s32 @!p1 $0xFFFFDC00  }
0x6c: {  	s29 =	sadd.s32 $0x4, s29;
	s16 =	sadd.s32 @!p2 s3, s14;
	p3 =	sge.u32 @!p2 s5, s4  }
0x6d: {  	[tilespmem:s0], [sflag:$0x1] =	stream.indirect.gather @!p1 [hbm4b:s9+s20], $0x48, s1, s20, $0xb8;
	[tilespmem:$0x1E100] =	vst v63  }
0x6e: {  	s0 =	simm.s32 @!p2 $0x80;
	_ =	swait.ge @!p2 [sflag:s31], $0x2400  }
0x6f: {  	s1 =	simm.s32 @!p2 $0x10900;
	p0 =	por p3, p2;
	[sflag:s31] =	ssyncset.done @!p2 $0x0  }
0x70: {  	s3 =	sadd.s32 @!p2 $0x180, s16;
	s5 =	simm.s32 @!p0 $0x6;
	[sflag:s31] =	ssyncadd.s32 @!p2 $0xFFFFDC00  }
0x71: {  	[spmem:s2] =	stream.indirect.scatter.add.f32 @!p2 [tilespmem:s1], [sflag:$0x8], $0x48, s3, s0, $0xb8;
	[tilespmem:$0x1E100] =	vst v63  }
0x72: {  	s0 =	sshra.s32 @!p0 s30, $0x2;
	_ =	swait.ge @!p0 [sflag:s5], $0x2400  }
0x73: {  	s1 =	simm.s32 @!p0 $0x80;
	s0 =	sadd.s32 @!p0 s0, s12;
	[sflag:s5] =	ssyncset.done @!p0 $0x0  }
0x74: {  	s3 =	simm.s32 @!p0 $0xC100;
	s0 =	sadd.s32 @!p0 $0x280, s0;
	[sflag:s5] =	ssyncadd.s32 @!p0 $0xFFFFDC00  }
0x75: {  	[tilespmem:s3], [sflag:$0x2] =	stream.indirect.gather @!p0 [hbm4b:s9+s1], $0x48, s0, s1, $0xb8;
	[tilespmem:$0x1E100] =	vst v63  }
0x76: {  	_ =	swait.ge [sflag:s22], $0x2400  }
0x77: {  	[sflag:s22] =	ssyncset.done $0x0  }
0x78: {  	[sflag:s22] =	ssyncadd.s32 $0xFFFFDC00  }
0x79: {  	_ =	swait.ge [sflag:s23], $0x2400  }
0x7a: {  	[sflag:s23] =	ssyncset.done $0x0  }
0x7b: {  	[sflag:s23] =	ssyncadd.s32 $0xFFFFDC00  }
0x7c: {  	_ =	swait.ge [sflag:s24], $0x2400  }
0x7d: {  	[sflag:s24] =	ssyncset.done $0x0  }
0x7e: {  	[sflag:s24] =	ssyncadd.s32 $0xFFFFDC00  }
0x7f: {  	_ =	swait.ge [sflag:s25], $0x2400  }
0x80: {  	s26 =	sadd.s32 $0x1, s26;
	[sflag:s25] =	ssyncset.done $0x0  }
0x81: {  	p0 =	sne.s32 s26, s13;
	[sflag:s25] =	ssyncadd.s32 $0xFFFFDC00  }
.Ltmp1:
0x82: {  	[bflag:$0x0] =	sbarrier.arrive $0xFFFF;
	(pc) =	sbr.rel @p0 .LBB2_1-.Ltmp1, $4  }
0x83: {  	[hbm:s11], [sflag:s17] =	dma.local [spmem:s18], $0x1680  }
0x84: {  	_ =	swait.ge [sflag:s15], $0x1680  }
0x85: {  	[sflag:s15] =	ssyncset.done $0x0  }
0x86: {  	[sflag:s15] =	ssyncadd.s32 $0xFFFFE980  }
0x87: {  	_ =	sfence.sel $0x180000  }
0x88: {  	[bflag:$0x0] =	sbarrier.arrive $0xFFFF  }
0x89: {  	_ =	strace $0x9000004A  }
0x8a: {  	s0 =	stileid.u32;
	[bflag:$0x2] =	sbarrier.arrive $0xFFFF  }
0x8b: {  	p0 =	sne.s32 s0, $0x0;
	s0 =	rddreg [dreg:$0x2]  }
0x8c: {  	s0 =	sadd.s32 @!p0 $0x100000, s0  }
0x8d: {  	[sflag:s0] =	ssyncadd.tile.s32 @!p0 $0x1;
	_ =	shalt  }
.Lfunc_end2:
_tile_overlayer_lowered:
.L_overlay_start_2:
0x8e: {  	(tag) =	ssettag $0x2  }
0x8f: {  	s0 =	rddreg [dreg:$0x0];
	s2 =	stileid.u32  }
0x90: {  	s1 =	rddreg [dreg:$0x1];
	p0 =	sne.s32 s2, $0x0  }
0x91: {  	s3 =	rddreg [dreg:$0x2];
	[bflag:$0x3] =	sbarrier.arrive $0xFFFF;
	s2 =	simm.s32 @!p0 $0x1C09  }
0x92: {  	[timem:s3], [sflag:s2] =	dma.local @!p0 [hbm:s0], s1  }
0x93: {  	s0 =	simm.s32 @!p0 $0x9  }
0x94: {  	_ =	swait.ge @!p0 [sflag:s0], s1  }
0x95: {  	s1 =	ssub.s32 @!p0 $0x0, s1;
	[sflag:s0] =	ssyncset.done @!p0 $0x0  }
0x96: {  	[sflag:s0] =	ssyncadd.s32 @!p0 s1  }
0x97: {  	[bflag:$0x3] =	sbarrier.arrive $0xFFFF  }
0x98: {  	_ =	shalt  }

// kernel: kernel.14.cloned.1.call-start
scs
__scs_entry_jumppad:
0x0: {  	(pc) =	sbr.rel $0x88, $3  }
0x1: {  	(tag) =	ssettag $0x0;
	lr =	simm.s32 $0x1  }
0x2: {  	[smem:$0x3F9B] =	sst lr;
	_ =	strace $0xD0000000  }
0x3: {  	_ = 	snop  }
0x4: {  	_ = 	snop  }
0x5: {  	_ = 	snop  }
0x6: {  	_ = 	snop  }
0x7: {  	_ = 	snop  }
__scs_overlays_trampoline_lowered:
0x8: {  	[smem:$0x3FAA] =	sst s0  }
0x9: {  	[smem:$0x3FAB] =	sst s1  }
0xa: {  	[smem:$0x3FAC] =	sst s2  }
0xb: {  	[smem:$0x3FAD] =	sst s3  }
0xc: {  	[smem:$0x3FAE] =	sst s4  }
0xd: {  	[smem:$0x3FAF] =	sst s5  }
0xe: {  	[smem:$0x3FB0] =	sst s6  }
0xf: {  	[smem:$0x3FB1] =	sst s7  }
0x10: {  	[smem:$0x3FB2] =	sst s8  }
0x11: {  	[smem:$0x3FB3] =	sst s9;
	s0 =	simm.s32 @!p0 $0x0  }
0x12: {  	s1 =	sld [smem:$0x3F99];
	s0 =	simm.s32 @p0 $0x1  }
0x13: {  	[smem:$0x3FB4] =	sst s0;
	s0 =	simm.s32 @!p1 $0x0  }
0x14: {  	s2 =	sld [smem:$0x3F98];
	s0 =	simm.s32 @p1 $0x1  }
0x15: {  	[smem:$0x3FB5] =	sst s0;
	s0 =	simm.s32 @!p2 $0x0  }
0x16: {  	s3 =	sld [smem:$0x3FDB];
	s0 =	simm.s32 @p2 $0x1  }
0x17: {  	s4 =	simm.s32 $0x1BF5;
	[smem:$0x3FB7] =	sst s0  }
0x18: {  	s0 =	sld [smem:$0x3F9A];
	_ =	swait.ge [sflag:s4], $0x0  }
0x19: {  	s7 =	sld [smem:$0x3F9B]  }
0x1a: {  	s8 =	sadd.s32 $0xFFFFE003, lr  }
0x1b: {  	s9 =	sadd.s32 $0xFFFFFEF7, lr;
	s5 =	simm.s32 $0xFFFFFFFF;
	p2 =	slt.u32 s8, $0xFFFFF086  }
0x1c: {  	p1 =	slt.u32 s9, $0xF7A;
	s5 =	simm.s32 @!p2 $0x0  }
0x1d: {  	s5 =	simm.s32 @p1 $0x1;
	p0 =	seq.s32 s7, s2  }
0x1e: {  	s7 =	smul.u32 @!p0 $0xF7A, s2;
	p2 =	seq.s32 @!p0 s5, $0x0  }
0x1f: {  	s9 =	smul.u32 $0xF7A, s1;
	s8 =	simm.s32 @!p0 $0x1BF5;
	p2 =	por !p2, p0  }
0x20: {  	[sflag:s8] =	ssyncset.s32 @!p0 $0xFFFFF086;
	s6 =	sadd.s32 @!p0 s3, s7;
	s7 =	simm.s32 @!p0 $0x108  }
0x21: {  	s3 =	sadd.s32 s3, s9;
	s6 =	sadd.s32 @!p0 $0x88, s6;
	s7 =	simm.s32 @p2 $0x1082  }
0x22: {  	[simem:s7], [sflag:s8] =	dma.local @!p0 [hbm:s6], $0xF7A  }
0x23: {  	s9 =	sor.u32 $0xD0000000, s2;
	s6 =	simm.s32 $0x108;
	_ =	swait.ge @!p0 [sflag:s8], $0x0  }
0x24: {  	s3 =	sadd.s32 $0x88, s3;
	s6 =	simm.s32 @!p1 $0x1082;
	[sflag:s4] =	ssyncset.s32 $0xFFFFF086  }
0x25: {  	[simem:s6], [sflag:s4] =	dma.local [hbm:s3], $0xF7A  }
0x26: {  	[smem:$0x3F9B] =	sst s1;
	(tag) =	ssettag s2;
	_ =	strace s9  }
0x27: {  	s1 =	sld [smem:$0x3FAB]  }
0x28: {  	s2 =	sld [smem:$0x3FAC]  }
0x29: {  	s4 =	sld [smem:$0x3FAE]  }
0x2a: {  	p0 =	seq.s32 s5, $0x0;
	s5 =	sld [smem:$0x3FAF]  }
0x2b: {  	s6 =	sld [smem:$0x3FB0]  }
0x2c: {  	s7 =	sld [smem:$0x3FB1]  }
0x2d: {  	s3 =	simm.s32 $0x108;
	s8 =	sld [smem:$0x3FB2]  }
0x2e: {  	s3 =	simm.s32 @!p0 $0x1082;
	s9 =	sld [smem:$0x3FB3]  }
0x2f: {  	lr =	sadd.s32 s0, s3;
	s0 =	sld [smem:$0x3FAA]  }
0x30: {  	s3 =	sld [smem:$0x3FAD]  }
0x31: {  	[smem:$0x3FB6] =	sst s10  }
0x32: {  	s10 =	sld [smem:$0x3FB4];
	_ =	sdelay $0x3  }
0x33: {  	p0 =	seq.s32 s10, $0x1;
	s10 =	sld [smem:$0x3FB6];
	_ =	sdelay $0x3  }
0x34: {  	[smem:$0x3FB6] =	sst s10  }
0x35: {  	s10 =	sld [smem:$0x3FB5];
	_ =	sdelay $0x3  }
0x36: {  	p1 =	seq.s32 s10, $0x1;
	s10 =	sld [smem:$0x3FB6];
	_ =	sdelay $0x3  }
0x37: {  	[smem:$0x3FB6] =	sst s10  }
0x38: {  	s10 =	sld [smem:$0x3FB7]  }
0x39: {  	_ = 	snop;
	(pc) =	sbr.ind lr, $3  }
0x3a: {  	_ = 	snop  }
0x3b: {  	_ = 	snop  }
0x3c: {  	p2 =	seq.s32 s10, $0x1;
	s10 =	sld [smem:$0x3FB6]  }
0x3d: {  	_ =	shalt  }
0x3e: {  	_ =	shalt  }
0x3f: {  	_ =	shalt  }
0x40: {  	_ =	shalt  }
0x41: {  	_ =	shalt  }
0x42: {  	_ =	shalt  }
0x43: {  	_ =	shalt  }
0x44: {  	_ =	shalt  }
0x45: {  	_ =	shalt  }
0x46: {  	_ =	shalt  }
0x47: {  	_ =	shalt  }
0x48: {  	_ =	shalt  }
0x49: {  	_ =	shalt  }
0x4a: {  	_ =	shalt  }
0x4b: {  	_ =	shalt  }
0x4c: {  	_ =	shalt  }
0x4d: {  	_ =	shalt  }
0x4e: {  	_ =	shalt  }
0x4f: {  	_ =	shalt  }
0x50: {  	_ =	shalt  }
0x51: {  	_ =	shalt  }
0x52: {  	_ =	shalt  }
0x53: {  	_ =	shalt  }
0x54: {  	_ =	shalt  }
0x55: {  	_ =	shalt  }
0x56: {  	_ =	shalt  }
0x57: {  	_ =	shalt  }
0x58: {  	_ =	shalt  }
0x59: {  	_ =	shalt  }
0x5a: {  	_ =	shalt  }
0x5b: {  	_ =	shalt  }
0x5c: {  	_ =	shalt  }
0x5d: {  	_ =	shalt  }
0x5e: {  	_ =	shalt  }
0x5f: {  	_ =	shalt  }
0x60: {  	_ =	shalt  }
0x61: {  	_ =	shalt  }
0x62: {  	_ =	shalt  }
0x63: {  	_ =	shalt  }
0x64: {  	_ =	shalt  }
0x65: {  	_ =	shalt  }
0x66: {  	_ =	shalt  }
0x67: {  	_ =	shalt  }
0x68: {  	_ =	shalt  }
0x69: {  	_ =	shalt  }
0x6a: {  	_ =	shalt  }
0x6b: {  	_ =	shalt  }
0x6c: {  	_ =	shalt  }
0x6d: {  	_ =	shalt  }
0x6e: {  	_ =	shalt  }
0x6f: {  	_ =	shalt  }
0x70: {  	_ =	shalt  }
0x71: {  	_ =	shalt  }
0x72: {  	_ =	shalt  }
0x73: {  	_ =	shalt  }
0x74: {  	_ =	shalt  }
0x75: {  	_ =	shalt  }
0x76: {  	_ =	shalt  }
0x77: {  	_ =	shalt  }
0x78: {  	_ =	shalt  }
0x79: {  	_ =	shalt  }
0x7a: {  	_ =	shalt  }
0x7b: {  	_ =	shalt  }
0x7c: {  	_ =	shalt  }
0x7d: {  	_ =	shalt  }
0x7e: {  	_ =	shalt  }
0x7f: {  	_ =	shalt  }
0x80: {  	_ =	shalt  }
0x81: {  	_ =	shalt  }
0x82: {  	_ =	shalt  }
0x83: {  	_ =	shalt  }
0x84: {  	_ =	shalt  }
0x85: {  	_ =	shalt  }
0x86: {  	_ =	shalt  }
0x87: {  	_ =	shalt  }
.Lfunc_end0:
.L_simem_size_0:
called_computation.2_lowered:
.L_overlay_start_0:
0x88: {  	s2 =	sld [smem:$0x3FD9]  }
0x89: {  	s3 =	sld [smem:$0x3FFE];
	_ =	sdelay $0x1  }
0x8a: {  	s1 =	srdreg.scid  }
0x8b: {  	s0 =	sand.u32 $0x1, s1  }
0x8c: {  	s16 =	sshll.u32 s0, $0xA;
	s2 =	sadd.s32 s3, s2  }
0x8d: {  	s2 =	sadd.s32 s2, s16  }
0x8e: {  	[smem:$0x3FC2] =	sst s2  }
0x8f: {  	_ = 	snop  }
0x90: {  	(tm) =	ssettm $0x1  }
0x91: {  	s17 =	sld [smem:$0x3FFB];
	_ =	sdelay $0x3  }
0x92: {  	_ =	strace s17  }
0x93: {  	s2 =	sld [smem:$0x3FFC];
	_ =	sdelay $0x3  }
0x94: {  	_ =	strace s2  }
0x95: {  	s2 =	sld [smem:$0x3FFD];
	_ =	sdelay $0x3  }
0x96: {  	_ =	strace s2  }
0x97: {  	_ =	strace $0x8FFFFFFF  }
0x98: {  	s18 =	sld [smem:$0x3FDB];
	_ =	sdelay $0x1  }
0x99: {  	s19 =	simm.s32 $_scs_section_size  }
0x9a: {  	s4 =	simm.s32 $_size__tile_overlayer_lowered;
	s5 =	simm.s32 $_tile_overlayer_lowered  }
0x9b: {  	s22 =	simm.s32 $0x1BFF;
	s21 =	sshll.u32 s5, $0x1;
	s2 =	sadd.s32 s19, s18  }
0x9c: {  	s6 =	simm.s32 $0x0;
	s20 =	sshll.u32 s4, $0x1;
	s4 =	sadd.s32 s21, s2  }
0x9d: {  	[timem:s6], [sflag:s22] =	dma.local [hbm:s4], s20  }
0x9e: {  	_ =	swait.ge [sflag:s22], s20  }
0x9f: {  	s3 =	ssub.s32 $0x0, s20;
	[sflag:s22] =	ssyncset.done $0x0  }
0xa0: {  	[sflag:s22] =	ssyncadd.s32 s3;
	_ =	sdelay $0x1  }
0xa1: {  	s23 =	simm.s32 $0x1B8B  }
0xa2: {  	_ =	swait.ge [sflag:s23], $0x1  }
0xa3: {  	[sflag:s23] =	ssyncset.done $0x0  }
0xa4: {  	s25 =	simm.s32 $0x1B8E;
	s24 =	sld [smem:$0x3FFE];
	[sflag:s23] =	ssyncadd.s32 $0xFFFFFFFF  }
0xa5: {  	s26 =	simm.s32 $execute0_lowered;
	[smem:$0x3FD2] =	sst s25  }
0xa6: {  	s4 =	sshll.u32 s26, $0x1;
	_ =	strace $0x8000004C;
	[dreg:$0x1] =	wrdreg $0xFFFFFFFF  }
0xa7: {  	s28 =	simm.s32 $_size_execute0_lowered;
	s2 =	sadd.s32 s2, s4;
	[dreg:$0x0] =	wrdreg $0x0  }
0xa8: {  	s4 =	sshll.u32 s28, $0x1;
	[dreg:$0x2] =	wrdreg s2  }
0xa9: {  	[dreg:$0x3] =	wrdreg s4  }
0xaa: {  	[dreg:$0x4] =	wrdreg $0xC0  }
0xab: {  	_ =	task [dreg:s6], $0x5FFFF  }
0xac: {  	[dreg:$0x1] =	wrdreg $0xFFFFFFFF  }
0xad: {  	[dreg:$0x0] =	wrdreg $0x60  }
0xae: {  	[dreg:$0x2] =	wrdreg s24  }
0xaf: {  	[dreg:$0x3] =	wrdreg $0xAF000  }
0xb0: {  	[dreg:$0x4] =	wrdreg $0x9  }
0xb1: {  	_ =	task.clear_ibuf [dreg:s6], $0x5FFFF;
	_ =	strace $0x9000004C  }
0xb2: {  	s29 =	simm.s32 $0x9;
	_ =	strace $0x8000004E  }
0xb3: {  	_ =	swait.ge [sflag:s29], $0x1  }
0xb4: {  	[sflag:s29] =	ssyncadd.s32 $0xFFFFFFFF  }
0xb5: {  	_ =	strace $0x9000004E  }
0xb6: {  	_ =	sfence  }
0xb7: {  	s30 =	sld [smem:$0x0];
	_ =	sdelay $0x2  }
0xb8: {  	s31 =	sshll.u32 s1, $0xD;
	s1 =	sshrl.u32 s1, $0x2  }
0xb9: {  	s3 =	sand.u32 $0x4000, s31;
	s1 =	sadd.s32 s1, s30  }
0xba: {  	s0 =	sor.u32 s3, s0;
	s1 =	sshll.u32 s1, $0x11  }
0xbb: {  	s0 =	sor.u32 s1, s0  }
0xbc: {  	s0 =	sadd.s32 $0x8F2B, s0  }
0xbd: {  	[sflag:s0] =	ssyncadd.remote.s32 $0x1  }
0xbe: {  	_ =	sfence.sel $0xFFFF  }
0xbf: {  	[dreg:$0x0] =	wrdreg $0xFFFFFFFF;
	(pc) =	sbr.abs _section_cstart, $3  }
0xc0: {  	[dreg:$0x1] =	wrdreg $0xFFFFFFFF  }
0xc1: {  	_ =	task.clear_ibuf [dreg:s6], $0x2FFFF;
	_ =	strace $0x9FFFFFFF  }
0xc2: {  	(tm) =	ssettm $0x7FFFFFFF  }
0xc3: {  	_ =	shalt  }
tec
execute0_lowered:
.L_overlay_start_1:
0x0: {  	(tag) =	ssettag $0x1  }
0x1: {  	s0 =	srdreg.scid  }
0x2: {  	s3 =	stileid.u32;
	s5 =	rddreg [dreg:$0x0]  }
0x3: {  	s2 =	rddreg [dreg:$0x1];
	s9 =	smul.u32 $0x7800, s3  }
0x4: {  	s7 =	simm.s32 $0x0;
	s28 =	simm.s32 $0x8;
	s17 =	smul.u32 $0x4E, s3  }
0x5: {  	s29 =	simm.s32 $0x0;
	s0 =	sand.u32 $0x1, s0;
	s16 =	smul.u32 $0x9C00, s3  }
0x6: {  	[smem:$0x7FF] =	sst s7;
	s1 =	sshll.u32 s0, $0x4;
	s10 =	smul.u32 $0x78000, s0  }
0x7: {  	_ =	strace $0x8000004D;
	s13 =	ssub.s32 $0x2, s0;
	s15 =	smul.u32 $0x9C000, s0  }
0x8: {  	s0 =	smul.u32 $0x4E0, s0;
	s1 =	sor.u32 s3, s1;
	s12 =	sshrl.u32 s9, $0x3  }
0x9: {  	s30 =	sshrl.u32 s13, $0x1;
	s23 =	sadd.s32 s9, s2;
	s4 =	smul.u32 $0x4E, s1  }
0xa: {  	s8 =	smin.u32 s1, $0x4;
	s10 =	sadd.s32 s9, s10;
	s12 =	sadd.s32 s12, s5  }
0xb: {  	p0 =	slt.u32 s1, $0x4;
	s31 =	ssub.s32 s13, s30;
	s21 =	sadd.s32 s16, s15  }
0xc: {  	s15 =	simm.s32 $0x9;
	s10 =	sshrl.u32 s10, $0x3;
	s0 =	sor.u32 s0, s8  }
0xd: {  	s24 =	sadd.s32 $0x24400, s12;
	s30 =	smax.u32 s31, $0x1;
	s31 =	sshll.u32 s3, $0x6  }
0xe: {  	s6 =	sadd.s32 s8, s4;
	s4 =	sadd.s32 $0x15800, s5;
	s14 =	sadd.s32 s10, s5  }
0xf: {  	s0 =	sadd.s32 s17, s0;
	s8 =	sshll.u32 s8, $0x9;
	[dreg:$0x5] =	wrdreg s24  }
0x10: {  	[dreg:$0x8] =	wrdreg s30;
	s17 =	sor.u32 $0x1C09, s31;
	s24 =	simm.s32 $0x5  }
0x11: {  	s26 =	smin.u32 s6, $0x975;
	s0 =	smin.u32 s0, $0x975;
	s10 =	sadd.s32 s8, s21  }
0x12: {  	s21 =	simm.s32 $0x6700;
	s11 =	sshll.u32 s26, $0x4;
	s18 =	ssub.s32 s6, s26  }
0x13: {  	s0 =	sshll.u32 s0, $0x9;
	s26 =	sadd.s32 $0x33400, s14;
	s11 =	sadd.s32 s11, s5  }
0x14: {  	s5 =	simm.s32 $0x4F;
	s22 =	sshll.u32 s18, $0x9;
	s0 =	ssub.s32 s10, s0  }
0x15: {  	[dreg:$0x7] =	wrdreg s26;
	s18 =	sshrl.u32 s23, $0x3;
	s23 =	simm.s32 $0x2  }
0x16: {  	s26 =	simm.s32 $0x7;
	s5 =	simm.s32 @!p0 $0x4E;
	s19 =	sadd.s32 $0x1E00, s11  }
0x17: {  	s20 =	sadd.s32 $0xBA40, s11;
	s8 =	sshra.s32 s22, $0x2;
	[dreg:$0x3] =	wrdreg s19  }
0x18: {  	s11 =	sshra.s32 s0, $0x2;
	s22 =	simm.s32 $0x1;
	[dreg:$0x4] =	wrdreg s20  }
0x19: {  	s25 =	sadd.s32 $0x80, s8;
	s14 =	sadd.s32 $0x2780, s11;
	s19 =	simm.s32 $0x80  }
0x1a: {  	s20 =	simm.s32 $0x4F00;
	[dreg:$0x6] =	wrdreg s25;
	s25 =	simm.s32 $0x6  }
.LBB2_1:
0x1b: {  	s0 =	simm.s32 $0x0;
	s1 =	rddreg [dreg:$0x3]  }
0x1c: {  	[tilespmem:s0], [sflag:$0x9] =	stream.linear.gather [hbm4b:s1+s0], $0x2780, $0x38;
	[tilespmem:$0x12700] =	vst v63  }
0x1d: {  	_ =	swait.ge [sflag:s15], $0x2780  }
0x1e: {  	[sflag:s15] =	ssyncset.done $0x0  }
0x1f: {  	s3 =	simm.s32 $0x2780;
	s9 =	rddreg [dreg:$0x4];
	[sflag:s15] =	ssyncadd.s32 $0xFFFFD880  }
0x20: {  	[tilespmem:s3], [sflag:$0x9] =	stream.linear.gather [hbm4b:s9+s0], $0x2780, $0x38;
	[tilespmem:$0x12700] =	vst v63  }
0x21: {  	_ =	swait.ge [sflag:s15], $0x2780  }
0x22: {  	[sflag:s15] =	ssyncset.done $0x0  }
0x23: {  	s10 =	rddreg [dreg:$0x5];
	[sflag:s15] =	ssyncadd.s32 $0xFFFFD880  }
0x24: {  	[spmem:s18], [sflag:s17] =	dma.local [hbm:s10], $0xF00  }
0x25: {  	_ =	swait.ge [sflag:s15], $0xF00  }
0x26: {  	[sflag:s15] =	ssyncset.done $0x0  }
0x27: {  	[sflag:s15] =	ssyncadd.s32 $0xFFFFF100  }
0x28: {  	[bflag:$0x0] =	sbarrier.arrive $0xFFFF  }
0x29: {  	[tilespmem:s20], [sflag:$0x1] =	stream.indirect.gather [hbm4b:s4+s19], $0x30, s8, s19, $0xb8;
	[tilespmem:$0x12700] =	vst v63  }
0x2a: {  	p0 =	sle.u32 s5, $0x2;
	s12 =	rddreg [dreg:$0x6]  }
0x2b: {  	[tilespmem:s21], [sflag:$0x2] =	stream.indirect.gather [hbm4b:s4+s19], $0x30, s12, s19, $0xb8;
	[tilespmem:$0x12700] =	vst v63  }
0x2c: {  	p1 =	por @!p0 $0x1, $0x1;
	_ =	swait.ge [sflag:s22], $0x1800  }
0x2d: {  	p1 =	por p1, p0;
	[sflag:s22] =	ssyncset.done $0x0  }
0x2e: {  	s13 =	sadd.s32 $0x0, s14;
	s1 =	simm.s32 @!p1 $0x7;
	[sflag:s22] =	ssyncadd.s32 $0xFFFFE800  }
0x2f: {  	[spmem:s2] =	stream.indirect.scatter.add.f32 [tilespmem:s20], [sflag:$0x5], $0x30, s13, s19, $0xb8;
	[tilespmem:$0x12700] =	vst v63  }
0x30: {  	_ =	swait.ge @!p1 [sflag:s1], $0x1800  }
0x31: {  	s16 =	sadd.s32 @!p0 $0x0, s11;
	s30 =	simm.s32 @!p0 $0x7F00;
	[sflag:s1] =	ssyncset.done @!p1 $0x0  }
0x32: {  	s31 =	simm.s32 @!p0 $0x80;
	s16 =	sadd.s32 @!p0 $0x100, s16;
	[sflag:s1] =	ssyncadd.s32 @!p1 $0xFFFFE800  }
0x33: {  	[tilespmem:s30], [sflag:$0x3] =	stream.indirect.gather @!p0 [hbm4b:s4+s31], $0x30, s16, s31, $0xb8;
	[tilespmem:$0x12700] =	vst v63  }
0x34: {  	p1 =	sle.u32 s5, $0x3;
	_ =	swait.ge [sflag:s23], $0x1800  }
0x35: {  	p2 =	por @!p1 $0x1, $0x1;
	[sflag:s23] =	ssyncset.done $0x0  }
0x36: {  	s0 =	sadd.s32 $0x80, s13;
	p2 =	por p2, p1;
	[sflag:s23] =	ssyncadd.s32 $0xFFFFE800  }
0x37: {  	[spmem:s2] =	stream.indirect.scatter.add.f32 [tilespmem:s21], [sflag:$0x6], $0x30, s0, s19, $0xb8;
	[tilespmem:$0x12700] =	vst v63  }
0x38: {  	s0 =	simm.s32 @!p2 $0x8  }
0x39: {  	s1 =	sadd.s32 @!p1 $0x0, s11;
	_ =	swait.ge @!p2 [sflag:s0], $0x1800  }
0x3a: {  	s16 =	simm.s32 @!p1 $0x80;
	s3 =	simm.s32 @!p1 $0x9700;
	[sflag:s0] =	ssyncset.done @!p2 $0x0  }
0x3b: {  	s1 =	sadd.s32 @!p1 $0x180, s1;
	[sflag:s0] =	ssyncadd.s32 @!p2 $0xFFFFE800;
	s0 =	simm.s32 @!p0 $0x3  }
0x3c: {  	[tilespmem:s3], [sflag:$0x4] =	stream.indirect.gather @!p1 [hbm4b:s4+s16], $0x30, s1, s16, $0xb8;
	[tilespmem:$0x12700] =	vst v63  }
0x3d: {  	_ =	swait.ge @!p0 [sflag:s0], $0x1800  }
0x3e: {  	p2 =	sle.u32 @!p0 s5, $0x4;
	s1 =	sadd.s32 @!p0 $0x0, s14;
	[sflag:s0] =	ssyncset.done @!p0 $0x0  }
0x3f: {  	p2 =	por p2, p0;
	[sflag:s0] =	ssyncadd.s32 @!p0 $0xFFFFE800;
	s0 =	sadd.s32 @!p0 $0x100, s1  }
0x40: {  	[spmem:s2] =	stream.indirect.scatter.add.f32 @!p0 [tilespmem:s30], [sflag:$0x7], $0x30, s0, s31, $0xb8;
	[tilespmem:$0x12700] =	vst v63  }
0x41: {  	s0 =	simm.s32 @!p2 $0x5  }
0x42: {  	s1 =	sadd.s32 @!p2 $0x0, s11;
	_ =	swait.ge @!p2 [sflag:s0], $0x1800  }
0x43: {  	s1 =	sadd.s32 @!p2 $0x200, s1;
	[sflag:s0] =	ssyncset.done @!p2 $0x0  }
0x44: {  	s30 =	simm.s32 @!p2 $0x80;
	[sflag:s0] =	ssyncadd.s32 @!p2 $0xFFFFE800;
	s0 =	simm.s32 @!p2 $0x4F00  }
0x45: {  	[tilespmem:s0], [sflag:$0x1] =	stream.indirect.gather @!p2 [hbm4b:s4+s30], $0x30, s1, s30, $0xb8;
	[tilespmem:$0x12700] =	vst v63  }
0x46: {  	p0 =	sle.u32 @!p1 s5, $0x5;
	s0 =	simm.s32 @!p1 $0x4  }
0x47: {  	s31 =	simm.s32 $0x9;
	s1 =	sadd.s32 @!p1 $0x0, s14;
	_ =	swait.ge @!p1 [sflag:s0], $0x1800  }
0x48: {  	p2 =	por p0, p1;
	s30 =	simm.s32 $0x800;
	[sflag:s0] =	ssyncset.done @!p1 $0x0  }
0x49: {  	s1 =	sadd.s32 @!p1 $0x180, s1;
	[sflag:s0] =	ssyncadd.s32 @!p1 $0xFFFFE800;
	s0 =	simm.s32 @!p2 $0x6  }
0x4a: {  	[spmem:s2] =	stream.indirect.scatter.add.f32 @!p1 [tilespmem:s3], [sflag:$0x8], $0x30, s1, s16, $0xb8;
	[tilespmem:$0x12700] =	vst v63  }
0x4b: {  	s1 =	sadd.s32 @!p2 $0x0, s11;
	s16 =	simm.s32 @!p2 $0x80;
	_ =	swait.ge @!p2 [sflag:s0], $0x1800  }
.LBB2_2:
0x4c: {  	s3 =	sadd.s32 $0xFFFFFFFD, s31  }
0x4d: {  	[sflag:s0] =	ssyncset.done @!p2 $0x0;
	s6 =	sadd.s32 @!p2 $0x280, s1;
	s1 =	smov.u32 s30  }
0x4e: {  	p0 =	sge.u32 s3, s5;
	[sflag:s0] =	ssyncadd.s32 @!p2 $0xFFFFE800;
	s0 =	simm.s32 @!p2 $0x6700  }
0x4f: {  	[tilespmem:s0], [sflag:$0x2] =	stream.indirect.gather @!p2 [hbm4b:s4+s16], $0x30, s6, s16, $0xb8;
	[tilespmem:$0x12700] =	vst v63  }
0x50: {  	s0 =	sshra.s32 s30, $0x2;
	p1 =	seq.s32 @!p0 s30, $0x0;
	_ =	swait.ge [sflag:s22], $0x1800  }
0x51: {  	s0 =	sadd.s32 s0, s14;
	p1 =	por p1, p0;
	[sflag:s22] =	ssyncset.done $0x0  }
0x52: {  	s6 =	sshra.s32 @!p0 s30, $0x2;
	s3 =	simm.s32 @!p1 $0x7;
	[sflag:s22] =	ssyncadd.s32 $0xFFFFE800  }
0x53: {  	[spmem:s2] =	stream.indirect.scatter.add.f32 [tilespmem:s20], [sflag:$0x5], $0x30, s0, s19, $0xb8;
	[tilespmem:$0x12700] =	vst v63  }
0x54: {  	s7 =	simm.s32 @!p0 $0x7F00;
	s16 =	sadd.s32 @!p0 s6, s11;
	_ =	swait.ge @!p1 [sflag:s3], $0x1800  }
0x55: {  	s9 =	simm.s32 @!p0 $0x80;
	s16 =	sadd.s32 @!p0 $0x100, s16;
	[sflag:s3] =	ssyncset.done @!p1 $0x0  }
0x56: {  	s6 =	sadd.s32 @!p0 s6, s14;
	[sflag:s3] =	ssyncadd.s32 @!p1 $0xFFFFE800;
	s3 =	sadd.s32 $0xFFFFFFFE, s31  }
0x57: {  	[tilespmem:s7], [sflag:$0x3] =	stream.indirect.gather @!p0 [hbm4b:s4+s9], $0x30, s16, s9, $0xb8;
	[tilespmem:$0x12700] =	vst v63  }
0x58: {  	p1 =	sge.u32 s3, s5;
	s3 =	sadd.s32 @!p0 $0x100, s6;
	_ =	swait.ge [sflag:s23], $0x1800  }
0x59: {  	s0 =	sadd.s32 $0x80, s0;
	p2 =	seq.s32 @!p1 s30, $0x0;
	[sflag:s23] =	ssyncset.done $0x0  }
0x5a: {  	s6 =	sshra.s32 @!p1 s30, $0x2;
	p2 =	por p2, p1;
	[sflag:s23] =	ssyncadd.s32 $0xFFFFE800  }
0x5b: {  	[spmem:s2] =	stream.indirect.scatter.add.f32 [tilespmem:s21], [sflag:$0x6], $0x30, s0, s19, $0xb8;
	[tilespmem:$0x12700] =	vst v63  }
0x5c: {  	s16 =	sadd.s32 @!p1 s6, s11;
	s6 =	sadd.s32 @!p1 s6, s14;
	s0 =	simm.s32 @!p2 $0x8  }
0x5d: {  	s16 =	sadd.s32 @!p1 $0x180, s16;
	s6 =	sadd.s32 @!p1 $0x180, s6;
	_ =	swait.ge @!p2 [sflag:s0], $0x1800  }
0x5e: {  	s10 =	simm.s32 @!p1 $0x80;
	s12 =	simm.s32 @!p1 $0x9700;
	[sflag:s0] =	ssyncset.done @!p2 $0x0  }
0x5f: {  	s13 =	sadd.s32 @!p0 $0xFFFFFFFF, s31;
	[sflag:s0] =	ssyncadd.s32 @!p2 $0xFFFFE800;
	s0 =	simm.s32 @!p0 $0x3  }
0x60: {  	[tilespmem:s12], [sflag:$0x4] =	stream.indirect.gather @!p1 [hbm4b:s4+s10], $0x30, s16, s10, $0xb8;
	[tilespmem:$0x12700] =	vst v63  }
0x61: {  	p3 =	sge.u32 @!p0 s13, s5;
	p2 =	sge.u32 @!p1 s31, s5;
	_ =	swait.ge @!p0 [sflag:s0], $0x1800  }
0x62: {  	p3 =	por p3, p0;
	s30 =	sadd.s32 $0x800, s30;
	[sflag:s0] =	ssyncset.done @!p0 $0x0  }
0x63: {  	s13 =	sshra.s32 @!p3 s1, $0x2;
	[sflag:s0] =	ssyncadd.s32 @!p0 $0xFFFFE800;
	s0 =	simm.s32 @!p3 $0x5  }
0x64: {  	[spmem:s2] =	stream.indirect.scatter.add.f32 @!p0 [tilespmem:s7], [sflag:$0x7], $0x30, s3, s9, $0xb8;
	[tilespmem:$0x12700] =	vst v63  }
0x65: {  	s3 =	sadd.s32 @!p3 s13, s11;
	p0 =	sne.s32 s30, $0xA000;
	_ =	swait.ge @!p3 [sflag:s0], $0x1800  }
0x66: {  	s7 =	simm.s32 @!p3 $0x80;
	s3 =	sadd.s32 @!p3 $0x200, s3;
	[sflag:s0] =	ssyncset.done @!p3 $0x0  }
0x67: {  	s9 =	simm.s32 @!p1 $0x4;
	[sflag:s0] =	ssyncadd.s32 @!p3 $0xFFFFE800;
	s0 =	simm.s32 @!p3 $0x4F00  }
0x68: {  	[tilespmem:s0], [sflag:$0x1] =	stream.indirect.gather @!p3 [hbm4b:s4+s7], $0x30, s3, s7, $0xb8;
	[tilespmem:$0x12700] =	vst v63  }
.Ltmp0:
0x69: {  	_ =	swait.ge @!p1 [sflag:s9], $0x1800;
	(pc) =	sbr.rel @p0 .LBB2_2-.Ltmp0, $4  }
0x6a: {  	s31 =	sadd.s32 $0x4, s31;
	p2 =	por p2, p1;
	[sflag:s9] =	ssyncset.done @!p1 $0x0  }
0x6b: {  	s1 =	sshra.s32 @!p2 s1, $0x2;
	s0 =	simm.s32 @!p2 $0x6;
	[sflag:s9] =	ssyncadd.s32 @!p1 $0xFFFFE800  }
0x6c: {  	[spmem:s2] =	stream.indirect.scatter.add.f32 @!p1 [tilespmem:s12], [sflag:$0x8], $0x30, s6, s10, $0xb8;
	[tilespmem:$0x12700] =	vst v63  }
0x6d: {  	s16 =	simm.s32 @!p2 $0x80;
	s1 =	sadd.s32 @!p2 s1, s11;
	_ =	swait.ge @!p2 [sflag:s0], $0x1800  }
0x6e: {  	[sflag:s0] =	ssyncset.done @!p2 $0x0  }
0x6f: {  	s1 =	sadd.s32 @!p2 $0x280, s1;
	[sflag:s0] =	ssyncadd.s32 @!p2 $0xFFFFE800;
	s0 =	simm.s32 @!p2 $0x6700  }
0x70: {  	[tilespmem:s0], [sflag:$0x2] =	stream.indirect.gather @!p2 [hbm4b:s4+s16], $0x30, s1, s16, $0xb8;
	[tilespmem:$0x12700] =	vst v63  }
0x71: {  	_ =	swait.ge [sflag:s24], $0x1800  }
0x72: {  	[sflag:s24] =	ssyncset.done $0x0  }
0x73: {  	[sflag:s24] =	ssyncadd.s32 $0xFFFFE800  }
0x74: {  	_ =	swait.ge [sflag:s25], $0x1800  }
0x75: {  	[sflag:s25] =	ssyncset.done $0x0  }
0x76: {  	[sflag:s25] =	ssyncadd.s32 $0xFFFFE800  }
0x77: {  	_ =	swait.ge [sflag:s26], $0x1800  }
0x78: {  	[sflag:s26] =	ssyncset.done $0x0  }
0x79: {  	[sflag:s26] =	ssyncadd.s32 $0xFFFFE800  }
0x7a: {  	_ =	swait.ge [sflag:s28], $0x1800  }
0x7b: {  	[sflag:s28] =	ssyncset.done $0x0  }
0x7c: {  	[sflag:s28] =	ssyncadd.s32 $0xFFFFE800  }
0x7d: {  	[bflag:$0x0] =	sbarrier.arrive $0xFFFF  }
0x7e: {  	s30 =	rddreg [dreg:$0x7]  }
0x7f: {  	[hbm:s30], [sflag:s17] =	dma.local [spmem:s18], $0xF00  }
0x80: {  	_ =	swait.ge [sflag:s15], $0xF00  }
0x81: {  	s29 =	sadd.s32 $0x1, s29;
	s31 =	rddreg [dreg:$0x8]  }
0x82: {  	p0 =	sne.s32 s29, s31  }
.Ltmp1:
0x83: {  	_ = 	snop;
	(pc) =	sbr.rel @p0 .LBB2_1-.Ltmp1, $3  }
0x84: {  	_ =	sdelay $0x1  }
0x85: {  	[sflag:s15] =	ssyncset.done $0x0  }
0x86: {  	[sflag:s15] =	ssyncadd.s32 $0xFFFFF100  }
0x87: {  	_ =	sfence.sel $0x180000  }
0x88: {  	[bflag:$0x0] =	sbarrier.arrive $0xFFFF  }
0x89: {  	_ =	strace $0x9000004D  }
0x8a: {  	s0 =	stileid.u32;
	[bflag:$0x2] =	sbarrier.arrive $0xFFFF  }
0x8b: {  	p0 =	sne.s32 s0, $0x0;
	s0 =	rddreg [dreg:$0x2]  }
0x8c: {  	s0 =	sadd.s32 @!p0 $0x100000, s0  }
0x8d: {  	[sflag:s0] =	ssyncadd.tile.s32 @!p0 $0x1;
	_ =	shalt  }
.Lfunc_end2:
_tile_overlayer_lowered:
.L_overlay_start_2:
0x8e: {  	(tag) =	ssettag $0x2  }
0x8f: {  	s0 =	rddreg [dreg:$0x0];
	s2 =	stileid.u32  }
0x90: {  	s1 =	rddreg [dreg:$0x1];
	p0 =	sne.s32 s2, $0x0  }
0x91: {  	s3 =	rddreg [dreg:$0x2];
	[bflag:$0x3] =	sbarrier.arrive $0xFFFF;
	s2 =	simm.s32 @!p0 $0x1C09  }
0x92: {  	[timem:s3], [sflag:s2] =	dma.local @!p0 [hbm:s0], s1  }
0x93: {  	s0 =	simm.s32 @!p0 $0x9  }
0x94: {  	_ =	swait.ge @!p0 [sflag:s0], s1  }
0x95: {  	s1 =	ssub.s32 @!p0 $0x0, s1;
	[sflag:s0] =	ssyncset.done @!p0 $0x0  }
0x96: {  	[sflag:s0] =	ssyncadd.s32 @!p0 s1  }
0x97: {  	[bflag:$0x3] =	sbarrier.arrive $0xFFFF  }
0x98: {  	_ =	shalt  }

// kernel: kernel.8.cloned.1.call-start
scs
__scs_entry_jumppad:
0x0: {  	(pc) =	sbr.rel $0x88, $3  }
0x1: {  	(tag) =	ssettag $0x0;
	lr =	simm.s32 $0x1  }
0x2: {  	[smem:$0x3F9B] =	sst lr;
	_ =	strace $0xD0000000  }
0x3: {  	_ = 	snop  }
0x4: {  	_ = 	snop  }
0x5: {  	_ = 	snop  }
0x6: {  	_ = 	snop  }
0x7: {  	_ = 	snop  }
__scs_overlays_trampoline_lowered:
0x8: {  	[smem:$0x3FAA] =	sst s0  }
0x9: {  	[smem:$0x3FAB] =	sst s1  }
0xa: {  	[smem:$0x3FAC] =	sst s2  }
0xb: {  	[smem:$0x3FAD] =	sst s3  }
0xc: {  	[smem:$0x3FAE] =	sst s4  }
0xd: {  	[smem:$0x3FAF] =	sst s5  }
0xe: {  	[smem:$0x3FB0] =	sst s6  }
0xf: {  	[smem:$0x3FB1] =	sst s7  }
0x10: {  	[smem:$0x3FB2] =	sst s8  }
0x11: {  	[smem:$0x3FB3] =	sst s9;
	s0 =	simm.s32 @!p0 $0x0  }
0x12: {  	s1 =	sld [smem:$0x3F99];
	s0 =	simm.s32 @p0 $0x1  }
0x13: {  	[smem:$0x3FB4] =	sst s0;
	s0 =	simm.s32 @!p1 $0x0  }
0x14: {  	s2 =	sld [smem:$0x3F98];
	s0 =	simm.s32 @p1 $0x1  }
0x15: {  	[smem:$0x3FB5] =	sst s0;
	s0 =	simm.s32 @!p2 $0x0  }
0x16: {  	s3 =	sld [smem:$0x3FDB];
	s0 =	simm.s32 @p2 $0x1  }
0x17: {  	s4 =	simm.s32 $0x1BF5;
	[smem:$0x3FB7] =	sst s0  }
0x18: {  	s0 =	sld [smem:$0x3F9A];
	_ =	swait.ge [sflag:s4], $0x0  }
0x19: {  	s7 =	sld [smem:$0x3F9B]  }
0x1a: {  	s8 =	sadd.s32 $0xFFFFE003, lr  }
0x1b: {  	s9 =	sadd.s32 $0xFFFFFEF7, lr;
	s5 =	simm.s32 $0xFFFFFFFF;
	p2 =	slt.u32 s8, $0xFFFFF086  }
0x1c: {  	p1 =	slt.u32 s9, $0xF7A;
	s5 =	simm.s32 @!p2 $0x0  }
0x1d: {  	s5 =	simm.s32 @p1 $0x1;
	p0 =	seq.s32 s7, s2  }
0x1e: {  	s7 =	smul.u32 @!p0 $0xF7A, s2;
	p2 =	seq.s32 @!p0 s5, $0x0  }
0x1f: {  	s9 =	smul.u32 $0xF7A, s1;
	s8 =	simm.s32 @!p0 $0x1BF5;
	p2 =	por !p2, p0  }
0x20: {  	[sflag:s8] =	ssyncset.s32 @!p0 $0xFFFFF086;
	s6 =	sadd.s32 @!p0 s3, s7;
	s7 =	simm.s32 @!p0 $0x108  }
0x21: {  	s3 =	sadd.s32 s3, s9;
	s6 =	sadd.s32 @!p0 $0x88, s6;
	s7 =	simm.s32 @p2 $0x1082  }
0x22: {  	[simem:s7], [sflag:s8] =	dma.local @!p0 [hbm:s6], $0xF7A  }
0x23: {  	s9 =	sor.u32 $0xD0000000, s2;
	s6 =	simm.s32 $0x108;
	_ =	swait.ge @!p0 [sflag:s8], $0x0  }
0x24: {  	s3 =	sadd.s32 $0x88, s3;
	s6 =	simm.s32 @!p1 $0x1082;
	[sflag:s4] =	ssyncset.s32 $0xFFFFF086  }
0x25: {  	[simem:s6], [sflag:s4] =	dma.local [hbm:s3], $0xF7A  }
0x26: {  	[smem:$0x3F9B] =	sst s1;
	(tag) =	ssettag s2;
	_ =	strace s9  }
0x27: {  	s1 =	sld [smem:$0x3FAB]  }
0x28: {  	s2 =	sld [smem:$0x3FAC]  }
0x29: {  	s4 =	sld [smem:$0x3FAE]  }
0x2a: {  	p0 =	seq.s32 s5, $0x0;
	s5 =	sld [smem:$0x3FAF]  }
0x2b: {  	s6 =	sld [smem:$0x3FB0]  }
0x2c: {  	s7 =	sld [smem:$0x3FB1]  }
0x2d: {  	s3 =	simm.s32 $0x108;
	s8 =	sld [smem:$0x3FB2]  }
0x2e: {  	s3 =	simm.s32 @!p0 $0x1082;
	s9 =	sld [smem:$0x3FB3]  }
0x2f: {  	lr =	sadd.s32 s0, s3;
	s0 =	sld [smem:$0x3FAA]  }
0x30: {  	s3 =	sld [smem:$0x3FAD]  }
0x31: {  	[smem:$0x3FB6] =	sst s10  }
0x32: {  	s10 =	sld [smem:$0x3FB4];
	_ =	sdelay $0x3  }
0x33: {  	p0 =	seq.s32 s10, $0x1;
	s10 =	sld [smem:$0x3FB6];
	_ =	sdelay $0x3  }
0x34: {  	[smem:$0x3FB6] =	sst s10  }
0x35: {  	s10 =	sld [smem:$0x3FB5];
	_ =	sdelay $0x3  }
0x36: {  	p1 =	seq.s32 s10, $0x1;
	s10 =	sld [smem:$0x3FB6];
	_ =	sdelay $0x3  }
0x37: {  	[smem:$0x3FB6] =	sst s10  }
0x38: {  	s10 =	sld [smem:$0x3FB7]  }
0x39: {  	_ = 	snop;
	(pc) =	sbr.ind lr, $3  }
0x3a: {  	_ = 	snop  }
0x3b: {  	_ = 	snop  }
0x3c: {  	p2 =	seq.s32 s10, $0x1;
	s10 =	sld [smem:$0x3FB6]  }
0x3d: {  	_ =	shalt  }
0x3e: {  	_ =	shalt  }
0x3f: {  	_ =	shalt  }
0x40: {  	_ =	shalt  }
0x41: {  	_ =	shalt  }
0x42: {  	_ =	shalt  }
0x43: {  	_ =	shalt  }
0x44: {  	_ =	shalt  }
0x45: {  	_ =	shalt  }
0x46: {  	_ =	shalt  }
0x47: {  	_ =	shalt  }
0x48: {  	_ =	shalt  }
0x49: {  	_ =	shalt  }
0x4a: {  	_ =	shalt  }
0x4b: {  	_ =	shalt  }
0x4c: {  	_ =	shalt  }
0x4d: {  	_ =	shalt  }
0x4e: {  	_ =	shalt  }
0x4f: {  	_ =	shalt  }
0x50: {  	_ =	shalt  }
0x51: {  	_ =	shalt  }
0x52: {  	_ =	shalt  }
0x53: {  	_ =	shalt  }
0x54: {  	_ =	shalt  }
0x55: {  	_ =	shalt  }
0x56: {  	_ =	shalt  }
0x57: {  	_ =	shalt  }
0x58: {  	_ =	shalt  }
0x59: {  	_ =	shalt  }
0x5a: {  	_ =	shalt  }
0x5b: {  	_ =	shalt  }
0x5c: {  	_ =	shalt  }
0x5d: {  	_ =	shalt  }
0x5e: {  	_ =	shalt  }
0x5f: {  	_ =	shalt  }
0x60: {  	_ =	shalt  }
0x61: {  	_ =	shalt  }
0x62: {  	_ =	shalt  }
0x63: {  	_ =	shalt  }
0x64: {  	_ =	shalt  }
0x65: {  	_ =	shalt  }
0x66: {  	_ =	shalt  }
0x67: {  	_ =	shalt  }
0x68: {  	_ =	shalt  }
0x69: {  	_ =	shalt  }
0x6a: {  	_ =	shalt  }
0x6b: {  	_ =	shalt  }
0x6c: {  	_ =	shalt  }
0x6d: {  	_ =	shalt  }
0x6e: {  	_ =	shalt  }
0x6f: {  	_ =	shalt  }
0x70: {  	_ =	shalt  }
0x71: {  	_ =	shalt  }
0x72: {  	_ =	shalt  }
0x73: {  	_ =	shalt  }
0x74: {  	_ =	shalt  }
0x75: {  	_ =	shalt  }
0x76: {  	_ =	shalt  }
0x77: {  	_ =	shalt  }
0x78: {  	_ =	shalt  }
0x79: {  	_ =	shalt  }
0x7a: {  	_ =	shalt  }
0x7b: {  	_ =	shalt  }
0x7c: {  	_ =	shalt  }
0x7d: {  	_ =	shalt  }
0x7e: {  	_ =	shalt  }
0x7f: {  	_ =	shalt  }
0x80: {  	_ =	shalt  }
0x81: {  	_ =	shalt  }
0x82: {  	_ =	shalt  }
0x83: {  	_ =	shalt  }
0x84: {  	_ =	shalt  }
0x85: {  	_ =	shalt  }
0x86: {  	_ =	shalt  }
0x87: {  	_ =	shalt  }
.Lfunc_end0:
.L_simem_size_0:
called_computation_lowered:
.L_overlay_start_0:
0x88: {  	s2 =	sld [smem:$0x3FD9]  }
0x89: {  	s3 =	sld [smem:$0x3FFE];
	_ =	sdelay $0x1  }
0x8a: {  	s1 =	srdreg.scid  }
0x8b: {  	s0 =	sand.u32 $0x1, s1  }
0x8c: {  	s17 =	sshll.u32 s0, $0xA;
	s2 =	sadd.s32 s3, s2  }
0x8d: {  	s2 =	sadd.s32 s2, s17  }
0x8e: {  	[smem:$0x3FC2] =	sst s2  }
0x8f: {  	_ = 	snop  }
0x90: {  	s2 =	sld [smem:$0x3FD0];
	(tm) =	ssettm $0x1  }
0x91: {  	s18 =	sld [smem:$0x3FFB];
	_ =	sdelay $0x3  }
0x92: {  	_ =	strace s18  }
0x93: {  	s3 =	sld [smem:$0x3FFC];
	_ =	sdelay $0x3  }
0x94: {  	_ =	strace s3  }
0x95: {  	s3 =	sld [smem:$0x3FFD];
	_ =	sdelay $0x3  }
0x96: {  	_ =	strace s3  }
0x97: {  	_ =	strace $0x8FFFFFFF  }
0x98: {  	s19 =	sld [smem:$0x3FDB];
	_ =	sdelay $0x1  }
0x99: {  	s4 =	simm.s32 $_scs_section_size  }
0x9a: {  	s5 =	simm.s32 $_size__tile_overlayer_lowered;
	s6 =	simm.s32 $_tile_overlayer_lowered  }
0x9b: {  	s22 =	simm.s32 $0x1BFF;
	s21 =	sshll.u32 s6, $0x1;
	s3 =	sadd.s32 s4, s19  }
0x9c: {  	s7 =	simm.s32 $0x0;
	s20 =	sshll.u32 s5, $0x1;
	s5 =	sadd.s32 s21, s3  }
0x9d: {  	[timem:s7], [sflag:s22] =	dma.local [hbm:s5], s20  }
0x9e: {  	_ =	swait.ge [sflag:s22], s20  }
0x9f: {  	s4 =	ssub.s32 $0x0, s20;
	[sflag:s22] =	ssyncset.done $0x0  }
0xa0: {  	[sflag:s22] =	ssyncadd.s32 s4;
	_ =	sdelay $0x1  }
0xa1: {  	s23 =	simm.s32 $0x1B8B  }
0xa2: {  	_ =	swait.ge [sflag:s23], $0x1  }
0xa3: {  	[sflag:s23] =	ssyncset.done $0x0  }
0xa4: {  	s25 =	simm.s32 $0x1B8E;
	s24 =	sld [smem:$0x3FFE];
	[sflag:s23] =	ssyncadd.s32 $0xFFFFFFFF  }
0xa5: {  	s26 =	simm.s32 $execute0_lowered;
	[smem:$0x3FD2] =	sst s25  }
0xa6: {  	s5 =	sshll.u32 s26, $0x1;
	_ =	strace $0x80000046;
	[dreg:$0x1] =	wrdreg $0xFFFFFFFF  }
0xa7: {  	s28 =	simm.s32 $_size_execute0_lowered;
	s3 =	sadd.s32 s3, s5;
	[dreg:$0x0] =	wrdreg $0x0  }
0xa8: {  	s5 =	sshll.u32 s28, $0x1;
	[dreg:$0x2] =	wrdreg s3  }
0xa9: {  	[dreg:$0x3] =	wrdreg s5  }
0xaa: {  	[dreg:$0x4] =	wrdreg $0xC0  }
0xab: {  	_ =	task [dreg:s7], $0x5FFFF  }
0xac: {  	[dreg:$0x1] =	wrdreg $0xFFFFFFFF  }
0xad: {  	[dreg:$0x0] =	wrdreg $0x60  }
0xae: {  	[dreg:$0x2] =	wrdreg s24  }
0xaf: {  	[dreg:$0x3] =	wrdreg s2  }
0xb0: {  	[dreg:$0x4] =	wrdreg $0x57000  }
0xb1: {  	[dreg:$0x5] =	wrdreg $0x7F000  }
0xb2: {  	[dreg:$0x6] =	wrdreg $0x9  }
0xb3: {  	_ =	task.clear_ibuf [dreg:s7], $0x7FFFF;
	_ =	strace $0x90000046  }
0xb4: {  	s29 =	simm.s32 $0x9;
	_ =	strace $0x80000048  }
0xb5: {  	_ =	swait.ge [sflag:s29], $0x1  }
0xb6: {  	[sflag:s29] =	ssyncadd.s32 $0xFFFFFFFF  }
0xb7: {  	_ =	strace $0x90000048  }
0xb8: {  	_ =	sfence  }
0xb9: {  	s30 =	sld [smem:$0x0];
	_ =	sdelay $0x2  }
0xba: {  	s31 =	sshll.u32 s1, $0xD;
	s1 =	sshrl.u32 s1, $0x2  }
0xbb: {  	s3 =	sand.u32 $0x4000, s31;
	s1 =	sadd.s32 s1, s30  }
0xbc: {  	s0 =	sor.u32 s3, s0;
	s1 =	sshll.u32 s1, $0x11  }
0xbd: {  	s0 =	sor.u32 s1, s0  }
0xbe: {  	s0 =	sadd.s32 $0x8F2B, s0  }
0xbf: {  	[sflag:s0] =	ssyncadd.remote.s32 $0x1  }
0xc0: {  	_ =	sfence.sel $0xFFFF  }
0xc1: {  	[dreg:$0x0] =	wrdreg $0xFFFFFFFF;
	(pc) =	sbr.abs _section_cstart, $3  }
0xc2: {  	[dreg:$0x1] =	wrdreg $0xFFFFFFFF  }
0xc3: {  	_ =	task.clear_ibuf [dreg:s7], $0x2FFFF;
	_ =	strace $0x9FFFFFFF  }
0xc4: {  	(tm) =	ssettm $0x7FFFFFFF  }
0xc5: {  	_ =	shalt  }
tec
execute0_lowered:
.L_overlay_start_1:
0x0: {  	(tag) =	ssettag $0x1  }
0x1: {  	s1 =	rddreg [dreg:$0x0]  }
0x2: {  	s0 =	srdreg.scid;
	s5 =	rddreg [dreg:$0x1]  }
0x3: {  	s16 =	stileid.u32;
	s2 =	rddreg [dreg:$0x2];
	s4 =	simm.s32 $0x0  }
0x4: {  	s28 =	simm.s32 $0x4F00;
	s29 =	simm.s32 $0x80;
	s30 =	simm.s32 $0x1  }
0x5: {  	s31 =	simm.s32 $0x5;
	s0 =	sand.u32 $0x1, s0;
	s9 =	smul.u32 $0x2800, s16  }
0x6: {  	[smem:$0x7FF] =	sst s4;
	s13 =	sadd.s32 $0x15800, s1;
	s11 =	smul.u32 $0x28000, s0  }
0x7: {  	s3 =	sshll.u32 s0, $0x4;
	s14 =	ssub.s32 $0x2, s0;
	s26 =	smul.u32 $0x9C000, s0  }
0x8: {  	s0 =	smul.u32 $0x4E0, s0;
	s6 =	sor.u32 s16, s3;
	s3 =	rddreg [dreg:$0x3]  }
0x9: {  	_ =	strace $0x80000047;
	[dreg:$0x5] =	wrdreg s13;
	s22 =	sshrl.u32 s9, $0x3  }
0xa: {  	s15 =	sshrl.u32 s14, $0x1;
	s25 =	sadd.s32 s9, s2;
	s7 =	smul.u32 $0x4E, s6  }
0xb: {  	s8 =	smin.u32 s6, $0x4;
	s11 =	sadd.s32 s9, s11;
	s13 =	sadd.s32 s22, s1  }
0xc: {  	s15 =	ssub.s32 s14, s15;
	p0 =	slt.u32 s6, $0x4;
	s6 =	simm.s32 $0x4F  }
0xd: {  	[dreg:$0x8] =	wrdreg s25;
	s9 =	sadd.s32 s9, s3;
	s11 =	sshrl.u32 s11, $0x3  }
0xe: {  	s6 =	simm.s32 @!p0 $0x4E;
	[dreg:$0x9] =	wrdreg s9;
	s0 =	sor.u32 s0, s8  }
0xf: {  	s17 =	smax.u32 s15, $0x1;
	s20 =	sshll.u32 s8, $0x9;
	s9 =	simm.s32 $0x0  }
0x10: {  	s7 =	sadd.s32 s8, s7;
	s5 =	sadd.s32 s5, s11;
	[dreg:$0xc] =	wrdreg s17  }
0x11: {  	s8 =	simm.s32 $0x8;
	s10 =	smin.u32 s7, $0x975;
	[dreg:$0xa] =	wrdreg s5  }
0x12: {  	s5 =	simm.s32 $0x7;
	s12 =	sshll.u32 s10, $0x4;
	s7 =	ssub.s32 s7, s10  }
0x13: {  	s10 =	sadd.s32 $0x15A00, s13;
	s13 =	smul.u32 $0x4E, s16;
	s12 =	sadd.s32 s12, s1  }
0x14: {  	s16 =	smul.u32 $0x9C00, s16;
	s1 =	sadd.s32 s11, s1;
	s23 =	sadd.s32 $0x1E00, s12  }
0x15: {  	s14 =	sshll.u32 s7, $0x7;
	s24 =	sadd.s32 $0xBA40, s12;
	[dreg:$0x6] =	wrdreg s23  }
0x16: {  	s7 =	simm.s32 $0x4;
	s1 =	sadd.s32 $0x1AA00, s1;
	[dreg:$0x7] =	wrdreg s24  }
0x17: {  	s18 =	sadd.s32 $0x2780, s14;
	s0 =	sadd.s32 s13, s0;
	[dreg:$0xb] =	wrdreg s1  }
0x18: {  	s19 =	sadd.s32 s16, s26;
	s21 =	sadd.s32 $0x80, s14;
	[dreg:$0xd] =	wrdreg s18  }
0x19: {  	s22 =	sadd.s32 $0x2800, s14;
	s25 =	sadd.s32 $0x180, s14;
	[dreg:$0xe] =	wrdreg s21  }
0x1a: {  	s26 =	sadd.s32 $0x2900, s14;
	s0 =	smin.u32 s0, $0x975;
	[dreg:$0xf] =	wrdreg s22  }
0x1b: {  	s1 =	sadd.s32 s20, s19;
	s23 =	sadd.s32 $0x100, s14;
	[dreg:$0x12] =	wrdreg s25  }
0x1c: {  	s24 =	sadd.s32 $0x2880, s14;
	[dreg:$0x13] =	wrdreg s26;
	s0 =	sshll.u32 s0, $0x9  }
0x1d: {  	s25 =	simm.s32 $0x9;
	[dreg:$0x10] =	wrdreg s23;
	s0 =	ssub.s32 s1, s0  }
0x1e: {  	s26 =	simm.s32 $0x3;
	[dreg:$0x11] =	wrdreg s24;
	s22 =	sshra.s32 s0, $0x2  }
0x1f: {  	s1 =	simm.s32 $0x2;
	s0 =	simm.s32 $0x6;
	s24 =	sadd.s32 $0x2780, s22  }
.LBB2_1:
0x20: {  	s11 =	rddreg [dreg:$0x6]  }
0x21: {  	[tilespmem:s4], [sflag:$0x9] =	stream.linear.gather [hbm4b:s11+s4], $0x2780, $0x38;
	[tilespmem:$0xA700] =	vst v63  }
0x22: {  	_ =	swait.ge [sflag:s25], $0x2780  }
0x23: {  	[sflag:s25] =	ssyncset.done $0x0  }
0x24: {  	s12 =	simm.s32 $0x2780;
	s17 =	rddreg [dreg:$0x7];
	[sflag:s25] =	ssyncadd.s32 $0xFFFFD880  }
0x25: {  	[tilespmem:s12], [sflag:$0x9] =	stream.linear.gather [hbm4b:s17+s4], $0x2780, $0x38;
	[tilespmem:$0xA700] =	vst v63  }
0x26: {  	_ =	swait.ge [sflag:s25], $0x2780  }
0x27: {  	[sflag:s25] =	ssyncset.done $0x0  }
0x28: {  	s18 =	rddreg [dreg:$0x5];
	[sflag:s25] =	ssyncadd.s32 $0xFFFFD880  }
0x29: {  	[tilespmem:s28], [sflag:$0x9] =	stream.linear.gather [hbm4b:s18+s4], $0x800, $0x38;
	[tilespmem:$0xA700] =	vst v63  }
0x2a: {  	s19 =	stileid.u32;
	_ =	swait.ge [sflag:s25], $0x800  }
0x2b: {  	s11 =	sshll.u32 s19, $0x6;
	[sflag:s25] =	ssyncset.done $0x0;
	s20 =	rddreg [dreg:$0x8]  }
0x2c: {  	s11 =	sor.u32 $0x1C09, s11;
	[sflag:s25] =	ssyncadd.s32 $0xFFFFF800;
	s12 =	sshrl.u32 s20, $0x3  }
0x2d: {  	[spmem:s12], [sflag:s11] =	dma.local [hbm:s10], $0x500  }
0x2e: {  	_ =	swait.ge [sflag:s25], $0x500  }
0x2f: {  	[sflag:s25] =	ssyncset.done $0x0;
	s13 =	rddreg [dreg:$0x9]  }
0x30: {  	[sflag:s25] =	ssyncadd.s32 $0xFFFFFB00;
	s13 =	sshrl.u32 s13, $0x3  }
0x31: {  	[spmem:s13], [sflag:s11] =	dma.local [hbm:s10], $0x500  }
0x32: {  	_ =	swait.ge [sflag:s25], $0x500  }
0x33: {  	[sflag:s25] =	ssyncset.done $0x0  }
0x34: {  	[sflag:s25] =	ssyncadd.s32 $0xFFFFFB00  }
0x35: {  	[bflag:$0x0] =	sbarrier.arrive $0xFFFF  }
0x36: {  	[spmem:s2] =	stream.indirect.scatter.add.f32 [tilespmem:s28], [sflag:$0x1], $0x10, s14, s29, $0xb8;
	[tilespmem:$0xA700] =	vst v63  }
0x37: {  	s15 =	rddreg [dreg:$0xd]  }
0x38: {  	[spmem:s3] =	stream.indirect.scatter.add.f32 [tilespmem:s28], [sflag:$0x5], $0x10, s15, s29, $0xb8;
	[tilespmem:$0xA700] =	vst v63  }
0x39: {  	s21 =	rddreg [dreg:$0xe]  }
0x3a: {  	[spmem:s2] =	stream.indirect.scatter.add.f32 [tilespmem:s28], [sflag:$0x2], $0x10, s21, s29, $0xb8;
	[tilespmem:$0xA700] =	vst v63  }
0x3b: {  	s23 =	rddreg [dreg:$0xf]  }
0x3c: {  	[spmem:s3] =	stream.indirect.scatter.add.f32 [tilespmem:s28], [sflag:$0x6], $0x10, s23, s29, $0xb8;
	[tilespmem:$0xA700] =	vst v63  }
0x3d: {  	s16 =	rddreg [dreg:$0x10]  }
0x3e: {  	[spmem:s2] =	stream.indirect.scatter.add.f32 [tilespmem:s28], [sflag:$0x3], $0x10, s16, s29, $0xb8;
	[tilespmem:$0xA700] =	vst v63  }
0x3f: {  	s17 =	rddreg [dreg:$0x11]  }
0x40: {  	[spmem:s3] =	stream.indirect.scatter.add.f32 [tilespmem:s28], [sflag:$0x7], $0x10, s17, s29, $0xb8;
	[tilespmem:$0xA700] =	vst v63  }
0x41: {  	s18 =	rddreg [dreg:$0x12]  }
0x42: {  	[spmem:s2] =	stream.indirect.scatter.add.f32 [tilespmem:s28], [sflag:$0x4], $0x10, s18, s29, $0xb8;
	[tilespmem:$0xA700] =	vst v63  }
0x43: {  	s19 =	rddreg [dreg:$0x13]  }
0x44: {  	[spmem:s3] =	stream.indirect.scatter.add.f32 [tilespmem:s28], [sflag:$0x8], $0x10, s19, s29, $0xb8;
	[tilespmem:$0xA700] =	vst v63  }
0x45: {  	_ =	swait.ge [sflag:s30], $0x800  }
0x46: {  	[sflag:s30] =	ssyncset.done $0x0  }
0x47: {  	[sflag:s30] =	ssyncadd.s32 $0xFFFFF800  }
0x48: {  	_ =	swait.ge [sflag:s31], $0x800  }
0x49: {  	s20 =	sadd.s32 $0x0, s22;
	[sflag:s31] =	ssyncset.done $0x0  }
0x4a: {  	s16 =	sadd.s32 $0x0, s24;
	s17 =	sadd.s32 $0x200, s20;
	[sflag:s31] =	ssyncadd.s32 $0xFFFFF800  }
0x4b: {  	[spmem:s2] =	stream.indirect.scatter.add.f32 [tilespmem:s28], [sflag:$0x1], $0x10, s17, s29, $0xb8;
	[tilespmem:$0xA700] =	vst v63  }
0x4c: {  	s21 =	sadd.s32 $0x200, s16  }
0x4d: {  	[spmem:s3] =	stream.indirect.scatter.add.f32 [tilespmem:s28], [sflag:$0x5], $0x10, s21, s29, $0xb8;
	[tilespmem:$0xA700] =	vst v63  }
0x4e: {  	_ =	swait.ge [sflag:s1], $0x800  }
0x4f: {  	[sflag:s1] =	ssyncset.done $0x0  }
0x50: {  	[sflag:s1] =	ssyncadd.s32 $0xFFFFF800  }
0x51: {  	_ =	swait.ge [sflag:s0], $0x800  }
0x52: {  	[sflag:s0] =	ssyncset.done $0x0  }
0x53: {  	p0 =	sle.u32 s6, $0x6;
	s15 =	sadd.s32 $0x280, s20;
	[sflag:s0] =	ssyncadd.s32 $0xFFFFF800  }
0x54: {  	[spmem:s2] =	stream.indirect.scatter.add.f32 [tilespmem:s28], [sflag:$0x2], $0x10, s15, s29, $0xb8;
	[tilespmem:$0xA700] =	vst v63  }
0x55: {  	s23 =	sadd.s32 $0x280, s16;
	s15 =	simm.s32 @!p0 $0x3  }
0x56: {  	[spmem:s3] =	stream.indirect.scatter.add.f32 [tilespmem:s28], [sflag:$0x6], $0x10, s23, s29, $0xb8;
	[tilespmem:$0xA700] =	vst v63  }
0x57: {  	_ =	swait.ge @!p0 [sflag:s15], $0x800  }
0x58: {  	[sflag:s15] =	ssyncset.done @!p0 $0x0  }
0x59: {  	s16 =	simm.s32 @!p0 $0x7;
	[sflag:s15] =	ssyncadd.s32 @!p0 $0xFFFFF800  }
0x5a: {  	p1 =	sle.u32 s6, $0x7;
	s18 =	simm.s32 @!p0 $0x80;
	_ =	swait.ge @!p0 [sflag:s16], $0x800  }
0x5b: {  	s19 =	simm.s32 @!p0 $0x4F00;
	s15 =	sadd.s32 @!p0 $0x0, s22;
	[sflag:s16] =	ssyncset.done @!p0 $0x0  }
0x5c: {  	s17 =	sadd.s32 @!p0 $0x0, s24;
	s15 =	sadd.s32 @!p0 $0x300, s15;
	[sflag:s16] =	ssyncadd.s32 @!p0 $0xFFFFF800  }
0x5d: {  	[spmem:s2] =	stream.indirect.scatter.add.f32 @!p0 [tilespmem:s19], [sflag:$0x3], $0x10, s15, s18, $0xb8;
	[tilespmem:$0xA700] =	vst v63  }
0x5e: {  	s16 =	simm.s32 @!p1 $0x4;
	s15 =	sadd.s32 @!p0 $0x300, s17  }
0x5f: {  	[spmem:s3] =	stream.indirect.scatter.add.f32 @!p0 [tilespmem:s19], [sflag:$0x7], $0x10, s15, s18, $0xb8;
	[tilespmem:$0xA700] =	vst v63  }
0x60: {  	_ =	swait.ge @!p1 [sflag:s16], $0x800  }
0x61: {  	[sflag:s16] =	ssyncset.done @!p1 $0x0  }
0x62: {  	s15 =	simm.s32 @!p1 $0x8;
	[sflag:s16] =	ssyncadd.s32 @!p1 $0xFFFFF800  }
0x63: {  	_ =	swait.ge @!p1 [sflag:s15], $0x800  }
0x64: {  	s18 =	simm.s32 @!p1 $0x80;
	s16 =	sadd.s32 @!p1 $0x0, s22;
	[sflag:s15] =	ssyncset.done @!p1 $0x0  }
0x65: {  	s19 =	simm.s32 @!p1 $0x4F00;
	s16 =	sadd.s32 @!p1 $0x380, s16;
	[sflag:s15] =	ssyncadd.s32 @!p1 $0xFFFFF800  }
0x66: {  	[spmem:s2] =	stream.indirect.scatter.add.f32 @!p1 [tilespmem:s19], [sflag:$0x4], $0x10, s16, s18, $0xb8;
	[tilespmem:$0xA700] =	vst v63  }
0x67: {  	s16 =	sadd.s32 @!p1 $0x0, s24  }
0x68: {  	s15 =	simm.s32 $0x800;
	s20 =	sadd.s32 @!p1 $0x380, s16;
	s16 =	simm.s32 $0x7  }
.LBB2_2:
0x69: {  	s16 =	sadd.s32 $0x4, s16;
	s17 =	smov.u32 s15;
	s15 =	sadd.s32 $0x800, s15  }
0x6a: {  	[spmem:s3] =	stream.indirect.scatter.add.f32 @!p1 [tilespmem:s19], [sflag:$0x8], $0x10, s20, s18, $0xb8;
	[tilespmem:$0xA700] =	vst v63  }
0x6b: {  	p0 =	sne.s32 s15, $0x9800;
	_ =	swait.ge [sflag:s30], $0x800  }
0x6c: {  	[sflag:s30] =	ssyncset.done $0x0  }
0x6d: {  	[sflag:s30] =	ssyncadd.s32 $0xFFFFF800  }
0x6e: {  	s18 =	sshra.s32 s17, $0x2;
	_ =	swait.ge [sflag:s31], $0x800  }
0x6f: {  	s19 =	sadd.s32 s18, s22;
	s18 =	sadd.s32 s18, s24;
	[sflag:s31] =	ssyncset.done $0x0  }
0x70: {  	s20 =	sadd.s32 $0x200, s19;
	[sflag:s31] =	ssyncadd.s32 $0xFFFFF800  }
0x71: {  	[spmem:s2] =	stream.indirect.scatter.add.f32 [tilespmem:s28], [sflag:$0x1], $0x10, s20, s29, $0xb8;
	[tilespmem:$0xA700] =	vst v63  }
0x72: {  	s20 =	sadd.s32 $0x200, s18  }
0x73: {  	[spmem:s3] =	stream.indirect.scatter.add.f32 [tilespmem:s28], [sflag:$0x5], $0x10, s20, s29, $0xb8;
	[tilespmem:$0xA700] =	vst v63  }
0x74: {  	_ =	swait.ge [sflag:s1], $0x800  }
0x75: {  	[sflag:s1] =	ssyncset.done $0x0  }
0x76: {  	[sflag:s1] =	ssyncadd.s32 $0xFFFFF800  }
0x77: {  	_ =	swait.ge [sflag:s0], $0x800  }
0x78: {  	[sflag:s0] =	ssyncset.done $0x0  }
0x79: {  	s19 =	sadd.s32 $0x280, s19;
	s20 =	sadd.s32 $0xFFFFFFFF, s16;
	[sflag:s0] =	ssyncadd.s32 $0xFFFFF800  }
0x7a: {  	[spmem:s2] =	stream.indirect.scatter.add.f32 [tilespmem:s28], [sflag:$0x2], $0x10, s19, s29, $0xb8;
	[tilespmem:$0xA700] =	vst v63  }
0x7b: {  	s18 =	sadd.s32 $0x280, s18;
	p2 =	sge.u32 s20, s6  }
0x7c: {  	[spmem:s3] =	stream.indirect.scatter.add.f32 [tilespmem:s28], [sflag:$0x6], $0x10, s18, s29, $0xb8;
	[tilespmem:$0xA700] =	vst v63  }
0x7d: {  	s19 =	sshra.s32 @!p2 s17, $0x2;
	s18 =	simm.s32 @!p2 $0x3  }
0x7e: {  	s20 =	sadd.s32 @!p2 s19, s22;
	s19 =	sadd.s32 @!p2 s19, s24;
	_ =	swait.ge @!p2 [sflag:s18], $0x800  }
0x7f: {  	s21 =	simm.s32 @!p2 $0x7;
	s20 =	sadd.s32 @!p2 $0x300, s20;
	[sflag:s18] =	ssyncset.done @!p2 $0x0  }
0x80: {  	[sflag:s18] =	ssyncadd.s32 @!p2 $0xFFFFF800;
	s18 =	sadd.s32 @!p2 $0x300, s19  }
0x81: {  	_ =	swait.ge @!p2 [sflag:s21], $0x800  }
0x82: {  	s23 =	simm.s32 @!p2 $0x4F00;
	s19 =	simm.s32 @!p2 $0x80;
	[sflag:s21] =	ssyncset.done @!p2 $0x0  }
0x83: {  	p1 =	sge.u32 s16, s6;
	[sflag:s21] =	ssyncadd.s32 @!p2 $0xFFFFF800  }
0x84: {  	[spmem:s2] =	stream.indirect.scatter.add.f32 @!p2 [tilespmem:s23], [sflag:$0x3], $0x10, s20, s19, $0xb8;
	[tilespmem:$0xA700] =	vst v63  }
0x85: {  	s17 =	sshra.s32 @!p1 s17, $0x2;
	s20 =	simm.s32 @!p1 $0x4  }
0x86: {  	[spmem:s3] =	stream.indirect.scatter.add.f32 @!p2 [tilespmem:s23], [sflag:$0x7], $0x10, s18, s19, $0xb8;
	[tilespmem:$0xA700] =	vst v63  }
0x87: {  	s18 =	sadd.s32 @!p1 s17, s22;
	s17 =	sadd.s32 @!p1 s17, s24;
	_ =	swait.ge @!p1 [sflag:s20], $0x800  }
0x88: {  	s21 =	simm.s32 @!p1 $0x8;
	s23 =	sadd.s32 @!p1 $0x380, s18;
	[sflag:s20] =	ssyncset.done @!p1 $0x0  }
.Ltmp0:
0x89: {  	[sflag:s20] =	ssyncadd.s32 @!p1 $0xFFFFF800;
	(pc) =	sbr.rel @p0 .LBB2_2-.Ltmp0, $4  }
0x8a: {  	_ =	swait.ge @!p1 [sflag:s21], $0x800  }
0x8b: {  	s19 =	simm.s32 @!p1 $0x4F00;
	s18 =	simm.s32 @!p1 $0x80;
	[sflag:s21] =	ssyncset.done @!p1 $0x0  }
0x8c: {  	s20 =	sadd.s32 @!p1 $0x380, s17;
	[sflag:s21] =	ssyncadd.s32 @!p1 $0xFFFFF800  }
0x8d: {  	[spmem:s2] =	stream.indirect.scatter.add.f32 @!p1 [tilespmem:s19], [sflag:$0x4], $0x10, s23, s18, $0xb8;
	[tilespmem:$0xA700] =	vst v63  }
0x8e: {  	[spmem:s3] =	stream.indirect.scatter.add.f32 @!p1 [tilespmem:s19], [sflag:$0x8], $0x10, s20, s18, $0xb8;
	[tilespmem:$0xA700] =	vst v63  }
0x8f: {  	_ =	swait.ge [sflag:s30], $0x800  }
0x90: {  	[sflag:s30] =	ssyncset.done $0x0  }
0x91: {  	[sflag:s30] =	ssyncadd.s32 $0xFFFFF800  }
0x92: {  	_ =	swait.ge [sflag:s31], $0x800  }
0x93: {  	[sflag:s31] =	ssyncset.done $0x0  }
0x94: {  	[sflag:s31] =	ssyncadd.s32 $0xFFFFF800  }
0x95: {  	_ =	swait.ge [sflag:s1], $0x800  }
0x96: {  	[sflag:s1] =	ssyncset.done $0x0  }
0x97: {  	[sflag:s1] =	ssyncadd.s32 $0xFFFFF800  }
0x98: {  	_ =	swait.ge [sflag:s0], $0x800  }
0x99: {  	[sflag:s0] =	ssyncset.done $0x0  }
0x9a: {  	[sflag:s0] =	ssyncadd.s32 $0xFFFFF800  }
0x9b: {  	_ =	swait.ge [sflag:s26], $0x800  }
0x9c: {  	[sflag:s26] =	ssyncset.done $0x0  }
0x9d: {  	[sflag:s26] =	ssyncadd.s32 $0xFFFFF800  }
0x9e: {  	_ =	swait.ge [sflag:s5], $0x800  }
0x9f: {  	[sflag:s5] =	ssyncset.done $0x0  }
0xa0: {  	[sflag:s5] =	ssyncadd.s32 $0xFFFFF800  }
0xa1: {  	_ =	swait.ge [sflag:s7], $0x800  }
0xa2: {  	[sflag:s7] =	ssyncset.done $0x0  }
0xa3: {  	[sflag:s7] =	ssyncadd.s32 $0xFFFFF800  }
0xa4: {  	_ =	swait.ge [sflag:s8], $0x800  }
0xa5: {  	[sflag:s8] =	ssyncset.done $0x0  }
0xa6: {  	[sflag:s8] =	ssyncadd.s32 $0xFFFFF800  }
0xa7: {  	[bflag:$0x0] =	sbarrier.arrive $0xFFFF  }
0xa8: {  	s15 =	rddreg [dreg:$0xa]  }
0xa9: {  	[hbm:s15], [sflag:s11] =	dma.local [spmem:s12], $0x500  }
0xaa: {  	_ =	swait.ge [sflag:s25], $0x500  }
0xab: {  	[sflag:s25] =	ssyncset.done $0x0  }
0xac: {  	s21 =	rddreg [dreg:$0xb];
	[sflag:s25] =	ssyncadd.s32 $0xFFFFFB00  }
0xad: {  	[hbm:s21], [sflag:s11] =	dma.local [spmem:s13], $0x500  }
0xae: {  	_ =	swait.ge [sflag:s25], $0x500  }
0xaf: {  	s9 =	sadd.s32 $0x1, s9;
	s23 =	rddreg [dreg:$0xc]  }
0xb0: {  	p0 =	sne.s32 s9, s23  }
.Ltmp1:
0xb1: {  	_ = 	snop;
	(pc) =	sbr.rel @p0 .LBB2_1-.Ltmp1, $3  }
0xb2: {  	_ =	sdelay $0x1  }
0xb3: {  	[sflag:s25] =	ssyncset.done $0x0  }
0xb4: {  	[sflag:s25] =	ssyncadd.s32 $0xFFFFFB00  }
0xb5: {  	_ =	sfence.sel $0x180000  }
0xb6: {  	[bflag:$0x0] =	sbarrier.arrive $0xFFFF  }
0xb7: {  	_ =	strace $0x90000047  }
0xb8: {  	s0 =	stileid.u32;
	[bflag:$0x2] =	sbarrier.arrive $0xFFFF  }
0xb9: {  	p0 =	sne.s32 s0, $0x0;
	s0 =	rddreg [dreg:$0x4]  }
0xba: {  	s0 =	sadd.s32 @!p0 $0x100000, s0  }
0xbb: {  	[sflag:s0] =	ssyncadd.tile.s32 @!p0 $0x1;
	_ =	shalt  }
.Lfunc_end2:
_tile_overlayer_lowered:
.L_overlay_start_2:
0xbc: {  	(tag) =	ssettag $0x2  }
0xbd: {  	s0 =	rddreg [dreg:$0x0];
	s2 =	stileid.u32  }
0xbe: {  	s1 =	rddreg [dreg:$0x1];
	p0 =	sne.s32 s2, $0x0  }
0xbf: {  	s3 =	rddreg [dreg:$0x2];
	[bflag:$0x3] =	sbarrier.arrive $0xFFFF;
	s2 =	simm.s32 @!p0 $0x1C09  }
0xc0: {  	[timem:s3], [sflag:s2] =	dma.local @!p0 [hbm:s0], s1  }
0xc1: {  	s0 =	simm.s32 @!p0 $0x9  }
0xc2: {  	_ =	swait.ge @!p0 [sflag:s0], s1  }
0xc3: {  	s1 =	ssub.s32 @!p0 $0x0, s1;
	[sflag:s0] =	ssyncset.done @!p0 $0x0  }
0xc4: {  	[sflag:s0] =	ssyncadd.s32 @!p0 s1  }
0xc5: {  	[bflag:$0x3] =	sbarrier.arrive $0xFFFF  }
0xc6: {  	_ =	shalt  }

</sc_bundles>
